<compile_context>
chip_gen: v7x
topology: tpu7x:2x2x1
jax: 0.10.2.dev20260603
libtpu: 0.0.44.dev20260713+nightly
codegen_flags: <defaults>
</compile_context>

<pallas_src>
import functools

import jax
import jax.numpy as jnp
from jax import lax
from jax.experimental import pallas as pl
from jax.experimental.pallas import tpu as pltpu
from jax.experimental.pallas import tpu_sc as plsc

_B = 16384
_D = 128
_NC = 2
_NS = 16
_NW = _NC * _NS
_BPW = _B // _NW
_CH = 64
_NCHUNK = _BPW // _CH
_LANES = 16
_UNROLL = _D // _LANES
_ROWS_PER_IT = 2
_SCALE = 0.003 / (2.0 * _B * _D)

_mesh = plsc.VectorSubcoreMesh(core_axis_name="c", subcore_axis_name="s")


@functools.partial(
    pl.kernel,
    mesh=_mesh,
    out_type=jax.ShapeDtypeStruct((_NW, _LANES), jnp.float32),
    scratch_types=[
        pltpu.VMEM((_NCHUNK, _CH), jnp.int32),
        pltpu.VMEM((4, _CH, _D), jnp.float32),
        pltpu.VMEM((4, _CH, _D), jnp.float32),
        pltpu.VMEM((_LANES,), jnp.float32),
        pltpu.SemaphoreType.DMA,
        pltpu.SemaphoreType.DMA,
        pltpu.SemaphoreType.DMA,
        pltpu.SemaphoreType.DMA,
        pltpu.SemaphoreType.DMA,
        pltpu.SemaphoreType.DMA,
        pltpu.SemaphoreType.DMA,
        pltpu.SemaphoreType.DMA,
    ],
)
def _center_loss_sc(feat_hbm, lbl_hbm, cent_hbm, out_hbm,
                    idx_v, feat_v, rows_v, part_v,
                    sg0, sg1, sg2, sg3, sf0, sf1, sf2, sf3):
    c = lax.axis_index("c")
    s = lax.axis_index("s")
    w = s * _NC + c

    gsems = (sg0, sg1, sg2, sg3)
    fsems = (sf0, sf1, sf2, sf3)

    def start(j, slot):
        g = pltpu.async_copy(cent_hbm.at[idx_v.at[j]], rows_v.at[slot], gsems[slot])
        f = pltpu.async_copy(
            feat_hbm.at[pl.ds(w * _BPW + j * _CH, _CH)], feat_v.at[slot], fsems[slot]
        )
        return g, f

    fpre = [
        pltpu.async_copy(
            feat_hbm.at[pl.ds(w * _BPW + j * _CH, _CH)], feat_v.at[j], fsems[j]
        )
        for j in range(3)
    ]
    pltpu.sync_copy(lbl_hbm.at[pl.ds(w * _NCHUNK, _NCHUNK)], idx_v)
    inflight = [
        (pltpu.async_copy(cent_hbm.at[idx_v.at[j]], rows_v.at[j], gsems[j]), fpre[j])
        for j in range(3)
    ]

    accs = tuple(jnp.zeros((_LANES,), jnp.float32) for _ in range(_UNROLL))

    for j in range(_NCHUNK):
        slot = j % 4
        pending = inflight.pop(0)
        pending[0].wait()
        pending[1].wait()
        if j + 3 < _NCHUNK:
            inflight.append(start(j + 3, (j + 3) % 4))
        fbuf = feat_v.at[slot]
        cbuf = rows_v.at[slot]

        @plsc.parallel_loop(0, _CH, step=1, unroll=4, carry=accs)
        def accs(row, acc, fbuf=fbuf, cbuf=cbuf):
            out = list(acc)
            for u in range(_UNROLL):
                fv = fbuf[row, pl.ds(u * _LANES, _LANES)]
                cv = cbuf[row, pl.ds(u * _LANES, _LANES)]
                d = fv - cv
                out[u] = out[u] + d * d
            return tuple(out)

    total = accs[0]
    for u in range(1, _UNROLL):
        total = total + accs[u]
    part_v[...] = total * _SCALE

    pltpu.sync_copy(part_v, out_hbm.at[w])


def kernel(features, labels, centers):
    lbl = labels.reshape(-1).astype(jnp.int32).reshape(_B // _CH, _CH)
    out = _center_loss_sc(features, lbl, centers)
    return jnp.sum(out)

# --- scband reference (transcript-rebuilt; emitter-appended) ---
"""Pipeline reference for scband-center-loss-11699490915069 (READ-ONLY COPY).

The authoritative reference and input builder live on the scoring server;
editing this copy changes nothing except your own understanding.
"""

import jax, jax.numpy as jnp
import numpy as np

NUM_CLASSES = 100000
FEAT_DIM = 128
BATCH = 16384
LAMBDA_C = 0.003


def setup_inputs(seed: int = 0) -> dict:
    key = jax.random.key(seed)
    k1, k2, k3 = jax.random.split(key, 3)
    features = jax.random.normal(k1, (BATCH, FEAT_DIM), dtype=jnp.float32)
    labels = jax.random.randint(k2, (BATCH, 1), 0, NUM_CLASSES, dtype=jnp.int64)
    centers = jax.random.normal(k3, (NUM_CLASSES, FEAT_DIM), dtype=jnp.float32) * 0.01
    return {"features": features, "labels": labels, "centers": centers}


def reference(features, labels, centers):
    lbl = jnp.squeeze(labels, axis=1).astype(jnp.int32)
    centers_batch = jnp.take(centers, lbl, axis=0)
    center_loss = jnp.mean((features - centers_batch) ** 2) / 2.0
    return LAMBDA_C * center_loss

if __name__ == "__main__":
    import jax
    _d = setup_inputs()
    print(jax.jit(kernel)(*tuple(_d.values())))

</pallas_src>

<mosaic_0001>
#map = affine_map<(d0, d1) -> (0, 0)>
module attributes {stable_mosaic.version = 14 : i64} {
  func.func @_center_loss_sc(%arg0: i32, %arg1: i32, %arg2: memref<16384x128xf32, #tpu.memory_space<hbm>>, %arg3: memref<256x64xi32, #tpu.memory_space<hbm>>, %arg4: memref<100000x128xf32, #tpu.memory_space<hbm>>, %arg5: memref<32x16xf32, #tpu.memory_space<hbm>>, %arg6: memref<8x64xi32, #tpu.memory_space<vmem>>, %arg7: memref<4x64x128xf32, #tpu.memory_space<vmem>>, %arg8: memref<4x64x128xf32, #tpu.memory_space<vmem>>, %arg9: memref<16xf32, #tpu.memory_space<vmem>>, %arg10: memref<!tpu.dma_semaphore, #tpu.memory_space<semaphore_mem>>, %arg11: memref<!tpu.dma_semaphore, #tpu.memory_space<semaphore_mem>>, %arg12: memref<!tpu.dma_semaphore, #tpu.memory_space<semaphore_mem>>, %arg13: memref<!tpu.dma_semaphore, #tpu.memory_space<semaphore_mem>>, %arg14: memref<!tpu.dma_semaphore, #tpu.memory_space<semaphore_mem>>, %arg15: memref<!tpu.dma_semaphore, #tpu.memory_space<semaphore_mem>>, %arg16: memref<!tpu.dma_semaphore, #tpu.memory_space<semaphore_mem>>, %arg17: memref<!tpu.dma_semaphore, #tpu.memory_space<semaphore_mem>>) attributes {dimension_semantics = [#tpu.dimension_semantics<core_parallel>, #tpu.dimension_semantics<subcore_parallel>], iteration_bounds = array<i64: 2, 16>, scalar_prefetch = 0 : i64, scratch_operands = 12 : i64, tpu.core_type = #tpu.core_type<sc_vector_subcore>, window_params = [{transform_indices = #map}, {transform_indices = #map}, {transform_indices = #map}, {transform_indices = #map}]} {
    %mul3A = arith.constant 2 : i32
    %mul3A_0 = arith.muli %arg1, %mul3A : i32
    %add3A = arith.addi %mul3A_0, %arg0 : i32
    %mul3A_1 = arith.constant 512 : i32
    %mul3A_2 = arith.muli %add3A, %mul3A_1 : i32
    %add3A_3 = arith.constant 0 : i32
    %add3A_4 = arith.addi %mul3A_2, %add3A_3 : i32
    %dma_start3A = arith.constant 0 : i32
    %dma_start3A_5 = arith.constant 0 : i32
    %dma_start3A_6 = arith.constant 0 : i32
    %dma_start3A_7 = tpu.memref_slice %arg7[%dma_start3A, %dma_start3A_5, %dma_start3A_6] : memref<4x64x128xf32, #tpu.memory_space<vmem>> -> memref<1x64x128xf32, #tpu.memory_space<vmem>>
    %dma_start3A_8 = tpu.memref_squeeze %dma_start3A_7 : memref<1x64x128xf32, #tpu.memory_space<vmem>> -> memref<64x128xf32, #tpu.memory_space<vmem>>
    %dma_start3A_9 = arith.constant 0 : i32
    %dma_start3A_10 = tpu.memref_slice %arg2[%add3A_4, %dma_start3A_9] : memref<16384x128xf32, #tpu.memory_space<hbm>> -> memref<64x128xf32, #tpu.memory_space<hbm>>
    %dma_start3A_11 = arith.constant 0 : i32
    %dma_start3A_12 = arith.constant 0 : i32
    %dma_start3A_13 = tpu.memref_slice %arg7[%dma_start3A, %dma_start3A_11, %dma_start3A_12] : memref<4x64x128xf32, #tpu.memory_space<vmem>> -> memref<1x64x128xf32, #tpu.memory_space<vmem>>
    %dma_start3A_14 = tpu.memref_squeeze %dma_start3A_13 : memref<1x64x128xf32, #tpu.memory_space<vmem>> -> memref<64x128xf32, #tpu.memory_space<vmem>>
    %dma_start3A_15 = arith.constant 0 : i32
    %dma_start3A_16 = tpu.memref_slice %arg2[%add3A_4, %dma_start3A_15] : memref<16384x128xf32, #tpu.memory_space<hbm>> -> memref<64x128xf32, #tpu.memory_space<hbm>>
    tpu.enqueue_dma source(%dma_start3A_16 : memref<64x128xf32, #tpu.memory_space<hbm>>) target(%dma_start3A_14 : memref<64x128xf32, #tpu.memory_space<vmem>>) target_semaphore(%arg14 : memref<!tpu.dma_semaphore, #tpu.memory_space<semaphore_mem>>)
    %mul3A_17 = arith.constant 512 : i32
    %mul3A_18 = arith.muli %add3A, %mul3A_17 : i32
    %add3A_19 = arith.constant 64 : i32
    %add3A_20 = arith.addi %mul3A_18, %add3A_19 : i32
    %dma_start3A_21 = arith.constant 1 : i32
    %dma_start3A_22 = arith.constant 0 : i32
    %dma_start3A_23 = arith.constant 0 : i32
    %dma_start3A_24 = tpu.memref_slice %arg7[%dma_start3A_21, %dma_start3A_22, %dma_start3A_23] : memref<4x64x128xf32, #tpu.memory_space<vmem>> -> memref<1x64x128xf32, #tpu.memory_space<vmem>>
    %dma_start3A_25 = tpu.memref_squeeze %dma_start3A_24 : memref<1x64x128xf32, #tpu.memory_space<vmem>> -> memref<64x128xf32, #tpu.memory_space<vmem>>
    %dma_start3A_26 = arith.constant 0 : i32
    %dma_start3A_27 = tpu.memref_slice %arg2[%add3A_20, %dma_start3A_26] : memref<16384x128xf32, #tpu.memory_space<hbm>> -> memref<64x128xf32, #tpu.memory_space<hbm>>
    %dma_start3A_28 = arith.constant 0 : i32
    %dma_start3A_29 = arith.constant 0 : i32
    %dma_start3A_30 = tpu.memref_slice %arg7[%dma_start3A_21, %dma_start3A_28, %dma_start3A_29] : memref<4x64x128xf32, #tpu.memory_space<vmem>> -> memref<1x64x128xf32, #tpu.memory_space<vmem>>
    %dma_start3A_31 = tpu.memref_squeeze %dma_start3A_30 : memref<1x64x128xf32, #tpu.memory_space<vmem>> -> memref<64x128xf32, #tpu.memory_space<vmem>>
    %dma_start3A_32 = arith.constant 0 : i32
    %dma_start3A_33 = tpu.memref_slice %arg2[%add3A_20, %dma_start3A_32] : memref<16384x128xf32, #tpu.memory_space<hbm>> -> memref<64x128xf32, #tpu.memory_space<hbm>>
    tpu.enqueue_dma source(%dma_start3A_33 : memref<64x128xf32, #tpu.memory_space<hbm>>) target(%dma_start3A_31 : memref<64x128xf32, #tpu.memory_space<vmem>>) target_semaphore(%arg15 : memref<!tpu.dma_semaphore, #tpu.memory_space<semaphore_mem>>)
    %mul3A_34 = arith.constant 512 : i32
    %mul3A_35 = arith.muli %add3A, %mul3A_34 : i32
    %add3A_36 = arith.constant 128 : i32
    %add3A_37 = arith.addi %mul3A_35, %add3A_36 : i32
    %dma_start3A_38 = arith.constant 2 : i32
    %dma_start3A_39 = arith.constant 0 : i32
    %dma_start3A_40 = arith.constant 0 : i32
    %dma_start3A_41 = tpu.memref_slice %arg7[%dma_start3A_38, %dma_start3A_39, %dma_start3A_40] : memref<4x64x128xf32, #tpu.memory_space<vmem>> -> memref<1x64x128xf32, #tpu.memory_space<vmem>>
    %dma_start3A_42 = tpu.memref_squeeze %dma_start3A_41 : memref<1x64x128xf32, #tpu.memory_space<vmem>> -> memref<64x128xf32, #tpu.memory_space<vmem>>
    %dma_start3A_43 = arith.constant 0 : i32
    %dma_start3A_44 = tpu.memref_slice %arg2[%add3A_37, %dma_start3A_43] : memref<16384x128xf32, #tpu.memory_space<hbm>> -> memref<64x128xf32, #tpu.memory_space<hbm>>
    %dma_start3A_45 = arith.constant 0 : i32
    %dma_start3A_46 = arith.constant 0 : i32
    %dma_start3A_47 = tpu.memref_slice %arg7[%dma_start3A_38, %dma_start3A_45, %dma_start3A_46] : memref<4x64x128xf32, #tpu.memory_space<vmem>> -> memref<1x64x128xf32, #tpu.memory_space<vmem>>
    %dma_start3A_48 = tpu.memref_squeeze %dma_start3A_47 : memref<1x64x128xf32, #tpu.memory_space<vmem>> -> memref<64x128xf32, #tpu.memory_space<vmem>>
    %dma_start3A_49 = arith.constant 0 : i32
    %dma_start3A_50 = tpu.memref_slice %arg2[%add3A_37, %dma_start3A_49] : memref<16384x128xf32, #tpu.memory_space<hbm>> -> memref<64x128xf32, #tpu.memory_space<hbm>>
    tpu.enqueue_dma source(%dma_start3A_50 : memref<64x128xf32, #tpu.memory_space<hbm>>) target(%dma_start3A_48 : memref<64x128xf32, #tpu.memory_space<vmem>>) target_semaphore(%arg16 : memref<!tpu.dma_semaphore, #tpu.memory_space<semaphore_mem>>)
    %mul3A_51 = arith.constant 8 : i32
    %mul3A_52 = arith.muli %add3A, %mul3A_51 : i32
    "tpu.region"() ({
      %run_scoped3A = tpu.sem_alloc : memref<!tpu.dma_semaphore, #tpu.memory_space<semaphore_mem>>
      %dma_start3A_508 = arith.constant 0 : i32
      %dma_start3A_509 = tpu.memref_slice %arg3[%mul3A_52, %dma_start3A_508] : memref<256x64xi32, #tpu.memory_space<hbm>> -> memref<8x64xi32, #tpu.memory_space<hbm>>
      %dma_start3A_510 = arith.constant 0 : i32
      %dma_start3A_511 = tpu.memref_slice %arg3[%mul3A_52, %dma_start3A_510] : memref<256x64xi32, #tpu.memory_space<hbm>> -> memref<8x64xi32, #tpu.memory_space<hbm>>
      tpu.enqueue_dma source(%dma_start3A_511 : memref<8x64xi32, #tpu.memory_space<hbm>>) target(%arg6 : memref<8x64xi32, #tpu.memory_space<vmem>>) target_semaphore(%run_scoped3A : memref<!tpu.dma_semaphore, #tpu.memory_space<semaphore_mem>>)
      %dma_wait3A_512 = arith.constant 0 : i32
      %dma_wait3A_513 = tpu.memref_slice %arg3[%mul3A_52, %dma_wait3A_512] : memref<256x64xi32, #tpu.memory_space<hbm>> -> memref<8x64xi32, #tpu.memory_space<hbm>>
      %dma_wait3A_514 = arith.constant 0 : i32
      %dma_wait3A_515 = tpu.memref_slice %arg3[%mul3A_52, %dma_wait3A_514] : memref<256x64xi32, #tpu.memory_space<hbm>> -> memref<8x64xi32, #tpu.memory_space<hbm>>
      tpu.wait_dma2 semaphore(%run_scoped3A : memref<!tpu.dma_semaphore, #tpu.memory_space<semaphore_mem>>) src(%dma_wait3A_515 : memref<8x64xi32, #tpu.memory_space<hbm>>) dst(%arg6 : memref<8x64xi32, #tpu.memory_space<vmem>>)
      tpu.yield
    }) : () -> ()
    %dma_start3A_53 = arith.constant 0 : i32
    %dma_start3A_54 = arith.constant 0 : i32
    %dma_start3A_55 = arith.constant 0 : i32
    %dma_start3A_56 = arith.constant 0 : i32
    %dma_start3A_57 = tpu.memref_slice %arg8[%dma_start3A_54, %dma_start3A_55, %dma_start3A_56] : memref<4x64x128xf32, #tpu.memory_space<vmem>> -> memref<1x64x128xf32, #tpu.memory_space<vmem>>
    %dma_start3A_58 = tpu.memref_squeeze %dma_start3A_57 : memref<1x64x128xf32, #tpu.memory_space<vmem>> -> memref<64x128xf32, #tpu.memory_space<vmem>>
    %dma_start3A_59 = arith.constant 0 : i32
    %dma_start3A_60 = tpu.memref_slice %arg6[%dma_start3A_53, %dma_start3A_59] : memref<8x64xi32, #tpu.memory_space<vmem>> -> memref<1x64xi32, #tpu.memory_space<vmem>>
    %dma_start3A_61 = tpu.memref_squeeze %dma_start3A_60 : memref<1x64xi32, #tpu.memory_space<vmem>> -> memref<64xi32, #tpu.memory_space<vmem>>
    %dma_start3A_62 = arith.constant 0 : i32
    %dma_start3A_63 = arith.constant 0 : i32
    %dma_start3A_64 = tpu.memref_slice %arg4[%dma_start3A_62, %dma_start3A_63] : memref<100000x128xf32, #tpu.memory_space<hbm>> -> memref<100000x128xf32, #tpu.memory_space<hbm>>
    tpu.enqueue_indirect_dma source(%dma_start3A_64 : memref<100000x128xf32, #tpu.memory_space<hbm>>) target(%dma_start3A_58 : memref<64x128xf32, #tpu.memory_space<vmem>>) offsets(%dma_start3A_61 : memref<64xi32, #tpu.memory_space<vmem>>) semaphore(%arg10 : memref<!tpu.dma_semaphore, #tpu.memory_space<semaphore_mem>>)
    %dma_start3A_65 = arith.constant 1 : i32
    %dma_start3A_66 = arith.constant 1 : i32
    %dma_start3A_67 = arith.constant 0 : i32
    %dma_start3A_68 = arith.constant 0 : i32
    %dma_start3A_69 = tpu.memref_slice %arg8[%dma_start3A_66, %dma_start3A_67, %dma_start3A_68] : memref<4x64x128xf32, #tpu.memory_space<vmem>> -> memref<1x64x128xf32, #tpu.memory_space<vmem>>
    %dma_start3A_70 = tpu.memref_squeeze %dma_start3A_69 : memref<1x64x128xf32, #tpu.memory_space<vmem>> -> memref<64x128xf32, #tpu.memory_space<vmem>>
    %dma_start3A_71 = arith.constant 0 : i32
    %dma_start3A_72 = tpu.memref_slice %arg6[%dma_start3A_65, %dma_start3A_71] : memref<8x64xi32, #tpu.memory_space<vmem>> -> memref<1x64xi32, #tpu.memory_space<vmem>>
    %dma_start3A_73 = tpu.memref_squeeze %dma_start3A_72 : memref<1x64xi32, #tpu.memory_space<vmem>> -> memref<64xi32, #tpu.memory_space<vmem>>
    %dma_start3A_74 = arith.constant 0 : i32
    %dma_start3A_75 = arith.constant 0 : i32
    %dma_start3A_76 = tpu.memref_slice %arg4[%dma_start3A_74, %dma_start3A_75] : memref<100000x128xf32, #tpu.memory_space<hbm>> -> memref<100000x128xf32, #tpu.memory_space<hbm>>
    tpu.enqueue_indirect_dma source(%dma_start3A_76 : memref<100000x128xf32, #tpu.memory_space<hbm>>) target(%dma_start3A_70 : memref<64x128xf32, #tpu.memory_space<vmem>>) offsets(%dma_start3A_73 : memref<64xi32, #tpu.memory_space<vmem>>) semaphore(%arg11 : memref<!tpu.dma_semaphore, #tpu.memory_space<semaphore_mem>>)
    %dma_start3A_77 = arith.constant 2 : i32
    %dma_start3A_78 = arith.constant 2 : i32
    %dma_start3A_79 = arith.constant 0 : i32
    %dma_start3A_80 = arith.constant 0 : i32
    %dma_start3A_81 = tpu.memref_slice %arg8[%dma_start3A_78, %dma_start3A_79, %dma_start3A_80] : memref<4x64x128xf32, #tpu.memory_space<vmem>> -> memref<1x64x128xf32, #tpu.memory_space<vmem>>
    %dma_start3A_82 = tpu.memref_squeeze %dma_start3A_81 : memref<1x64x128xf32, #tpu.memory_space<vmem>> -> memref<64x128xf32, #tpu.memory_space<vmem>>
    %dma_start3A_83 = arith.constant 0 : i32
    %dma_start3A_84 = tpu.memref_slice %arg6[%dma_start3A_77, %dma_start3A_83] : memref<8x64xi32, #tpu.memory_space<vmem>> -> memref<1x64xi32, #tpu.memory_space<vmem>>
    %dma_start3A_85 = tpu.memref_squeeze %dma_start3A_84 : memref<1x64xi32, #tpu.memory_space<vmem>> -> memref<64xi32, #tpu.memory_space<vmem>>
    %dma_start3A_86 = arith.constant 0 : i32
    %dma_start3A_87 = arith.constant 0 : i32
    %dma_start3A_88 = tpu.memref_slice %arg4[%dma_start3A_86, %dma_start3A_87] : memref<100000x128xf32, #tpu.memory_space<hbm>> -> memref<100000x128xf32, #tpu.memory_space<hbm>>
    tpu.enqueue_indirect_dma source(%dma_start3A_88 : memref<100000x128xf32, #tpu.memory_space<hbm>>) target(%dma_start3A_82 : memref<64x128xf32, #tpu.memory_space<vmem>>) offsets(%dma_start3A_85 : memref<64xi32, #tpu.memory_space<vmem>>) semaphore(%arg12 : memref<!tpu.dma_semaphore, #tpu.memory_space<semaphore_mem>>)
    %broadcast_in_dim3A = arith.constant 0.000000e+00 : f32
    %broadcast_in_dim3A_89 = vector.broadcast %broadcast_in_dim3A : f32 to vector<16xf32>
    %broadcast_in_dim3A_90 = arith.constant 0.000000e+00 : f32
    %broadcast_in_dim3A_91 = vector.broadcast %broadcast_in_dim3A_90 : f32 to vector<16xf32>
    %broadcast_in_dim3A_92 = arith.constant 0.000000e+00 : f32
    %broadcast_in_dim3A_93 = vector.broadcast %broadcast_in_dim3A_92 : f32 to vector<16xf32>
    %broadcast_in_dim3A_94 = arith.constant 0.000000e+00 : f32
    %broadcast_in_dim3A_95 = vector.broadcast %broadcast_in_dim3A_94 : f32 to vector<16xf32>
    %broadcast_in_dim3A_96 = arith.constant 0.000000e+00 : f32
    %broadcast_in_dim3A_97 = vector.broadcast %broadcast_in_dim3A_96 : f32 to vector<16xf32>
    %broadcast_in_dim3A_98 = arith.constant 0.000000e+00 : f32
    %broadcast_in_dim3A_99 = vector.broadcast %broadcast_in_dim3A_98 : f32 to vector<16xf32>
    %broadcast_in_dim3A_100 = arith.constant 0.000000e+00 : f32
    %broadcast_in_dim3A_101 = vector.broadcast %broadcast_in_dim3A_100 : f32 to vector<16xf32>
    %broadcast_in_dim3A_102 = arith.constant 0.000000e+00 : f32
    %broadcast_in_dim3A_103 = vector.broadcast %broadcast_in_dim3A_102 : f32 to vector<16xf32>
    %dma_wait3A = arith.constant 0 : i32
    %dma_wait3A_104 = arith.constant 0 : i32
    %dma_wait3A_105 = arith.constant 0 : i32
    %dma_wait3A_106 = arith.constant 0 : i32
    %dma_wait3A_107 = tpu.memref_slice %arg8[%dma_wait3A_104, %dma_wait3A_105, %dma_wait3A_106] : memref<4x64x128xf32, #tpu.memory_space<vmem>> -> memref<1x64x128xf32, #tpu.memory_space<vmem>>
    %dma_wait3A_108 = tpu.memref_squeeze %dma_wait3A_107 : memref<1x64x128xf32, #tpu.memory_space<vmem>> -> memref<64x128xf32, #tpu.memory_space<vmem>>
    %dma_wait3A_109 = arith.constant 0 : i32
    %dma_wait3A_110 = tpu.memref_slice %arg6[%dma_wait3A, %dma_wait3A_109] : memref<8x64xi32, #tpu.memory_space<vmem>> -> memref<1x64xi32, #tpu.memory_space<vmem>>
    %dma_wait3A_111 = tpu.memref_squeeze %dma_wait3A_110 : memref<1x64xi32, #tpu.memory_space<vmem>> -> memref<64xi32, #tpu.memory_space<vmem>>
    %dma_wait3A_112 = arith.constant 0 : i32
    %dma_wait3A_113 = arith.constant 0 : i32
    %dma_wait3A_114 = tpu.memref_slice %arg4[%dma_wait3A_112, %dma_wait3A_113] : memref<100000x128xf32, #tpu.memory_space<hbm>> -> memref<100000x128xf32, #tpu.memory_space<hbm>>
    tpu.wait_indirect_dma semaphore(%arg10 : memref<!tpu.dma_semaphore, #tpu.memory_space<semaphore_mem>>) src(%dma_wait3A_114 : memref<100000x128xf32, #tpu.memory_space<hbm>>) dst(%dma_wait3A_108 : memref<64x128xf32, #tpu.memory_space<vmem>>)
    %dma_wait3A_115 = arith.constant 0 : i32
    %dma_wait3A_116 = arith.constant 0 : i32
    %dma_wait3A_117 = arith.constant 0 : i32
    %dma_wait3A_118 = tpu.memref_slice %arg7[%dma_wait3A_115, %dma_wait3A_116, %dma_wait3A_117] : memref<4x64x128xf32, #tpu.memory_space<vmem>> -> memref<1x64x128xf32, #tpu.memory_space<vmem>>
    %dma_wait3A_119 = tpu.memref_squeeze %dma_wait3A_118 : memref<1x64x128xf32, #tpu.memory_space<vmem>> -> memref<64x128xf32, #tpu.memory_space<vmem>>
    %dma_wait3A_120 = arith.constant 0 : i32
    %dma_wait3A_121 = tpu.memref_slice %arg2[%add3A_4, %dma_wait3A_120] : memref<16384x128xf32, #tpu.memory_space<hbm>> -> memref<64x128xf32, #tpu.memory_space<hbm>>
    %dma_wait3A_122 = arith.constant 0 : i32
    %dma_wait3A_123 = arith.constant 0 : i32
    %dma_wait3A_124 = tpu.memref_slice %arg7[%dma_wait3A_115, %dma_wait3A_122, %dma_wait3A_123] : memref<4x64x128xf32, #tpu.memory_space<vmem>> -> memref<1x64x128xf32, #tpu.memory_space<vmem>>
    %dma_wait3A_125 = tpu.memref_squeeze %dma_wait3A_124 : memref<1x64x128xf32, #tpu.memory_space<vmem>> -> memref<64x128xf32, #tpu.memory_space<vmem>>
    %dma_wait3A_126 = arith.constant 0 : i32
    %dma_wait3A_127 = tpu.memref_slice %arg2[%add3A_4, %dma_wait3A_126] : memref<16384x128xf32, #tpu.memory_space<hbm>> -> memref<64x128xf32, #tpu.memory_space<hbm>>
    tpu.wait_dma2 semaphore(%arg14 : memref<!tpu.dma_semaphore, #tpu.memory_space<semaphore_mem>>) src(%dma_wait3A_127 : memref<64x128xf32, #tpu.memory_space<hbm>>) dst(%dma_wait3A_125 : memref<64x128xf32, #tpu.memory_space<vmem>>)
    %dma_start3A_128 = arith.constant 3 : i32
    %dma_start3A_129 = arith.constant 3 : i32
    %dma_start3A_130 = arith.constant 0 : i32
    %dma_start3A_131 = arith.constant 0 : i32
    %dma_start3A_132 = tpu.memref_slice %arg8[%dma_start3A_129, %dma_start3A_130, %dma_start3A_131] : memref<4x64x128xf32, #tpu.memory_space<vmem>> -> memref<1x64x128xf32, #tpu.memory_space<vmem>>
    %dma_start3A_133 = tpu.memref_squeeze %dma_start3A_132 : memref<1x64x128xf32, #tpu.memory_space<vmem>> -> memref<64x128xf32, #tpu.memory_space<vmem>>
    %dma_start3A_134 = arith.constant 0 : i32
    %dma_start3A_135 = tpu.memref_slice %arg6[%dma_start3A_128, %dma_start3A_134] : memref<8x64xi32, #tpu.memory_space<vmem>> -> memref<1x64xi32, #tpu.memory_space<vmem>>
    %dma_start3A_136 = tpu.memref_squeeze %dma_start3A_135 : memref<1x64xi32, #tpu.memory_space<vmem>> -> memref<64xi32, #tpu.memory_space<vmem>>
    %dma_start3A_137 = arith.constant 0 : i32
    %dma_start3A_138 = arith.constant 0 : i32
    %dma_start3A_139 = tpu.memref_slice %arg4[%dma_start3A_137, %dma_start3A_138] : memref<100000x128xf32, #tpu.memory_space<hbm>> -> memref<100000x128xf32, #tpu.memory_space<hbm>>
    tpu.enqueue_indirect_dma source(%dma_start3A_139 : memref<100000x128xf32, #tpu.memory_space<hbm>>) target(%dma_start3A_133 : memref<64x128xf32, #tpu.memory_space<vmem>>) offsets(%dma_start3A_136 : memref<64xi32, #tpu.memory_space<vmem>>) semaphore(%arg13 : memref<!tpu.dma_semaphore, #tpu.memory_space<semaphore_mem>>)
    %mul3A_140 = arith.constant 512 : i32
    %mul3A_141 = arith.muli %add3A, %mul3A_140 : i32
    %add3A_142 = arith.constant 192 : i32
    %add3A_143 = arith.addi %mul3A_141, %add3A_142 : i32
    %dma_start3A_144 = arith.constant 3 : i32
    %dma_start3A_145 = arith.constant 0 : i32
    %dma_start3A_146 = arith.constant 0 : i32
    %dma_start3A_147 = tpu.memref_slice %arg7[%dma_start3A_144, %dma_start3A_145, %dma_start3A_146] : memref<4x64x128xf32, #tpu.memory_space<vmem>> -> memref<1x64x128xf32, #tpu.memory_space<vmem>>
    %dma_start3A_148 = tpu.memref_squeeze %dma_start3A_147 : memref<1x64x128xf32, #tpu.memory_space<vmem>> -> memref<64x128xf32, #tpu.memory_space<vmem>>
    %dma_start3A_149 = arith.constant 0 : i32
    %dma_start3A_150 = tpu.memref_slice %arg2[%add3A_143, %dma_start3A_149] : memref<16384x128xf32, #tpu.memory_space<hbm>> -> memref<64x128xf32, #tpu.memory_space<hbm>>
    %dma_start3A_151 = arith.constant 0 : i32
    %dma_start3A_152 = arith.constant 0 : i32
    %dma_start3A_153 = tpu.memref_slice %arg7[%dma_start3A_144, %dma_start3A_151, %dma_start3A_152] : memref<4x64x128xf32, #tpu.memory_space<vmem>> -> memref<1x64x128xf32, #tpu.memory_space<vmem>>
    %dma_start3A_154 = tpu.memref_squeeze %dma_start3A_153 : memref<1x64x128xf32, #tpu.memory_space<vmem>> -> memref<64x128xf32, #tpu.memory_space<vmem>>
    %dma_start3A_155 = arith.constant 0 : i32
    %dma_start3A_156 = tpu.memref_slice %arg2[%add3A_143, %dma_start3A_155] : memref<16384x128xf32, #tpu.memory_space<hbm>> -> memref<64x128xf32, #tpu.memory_space<hbm>>
    tpu.enqueue_dma source(%dma_start3A_156 : memref<64x128xf32, #tpu.memory_space<hbm>>) target(%dma_start3A_154 : memref<64x128xf32, #tpu.memory_space<vmem>>) target_semaphore(%arg17 : memref<!tpu.dma_semaphore, #tpu.memory_space<semaphore_mem>>)
    %parallel_loop3A = arith.constant 0 : i32
    %parallel_loop3A_157 = arith.constant 64 : i32
    %parallel_loop3A_158 = arith.constant 1 : i32
    %parallel_loop3A_159 = arith.constant 0 : i32
    %parallel_loop3A_160 = arith.constant 0 : i32
    %parallel_loop3A_161:8 = scf.for %parallel_loop3A_508 = %parallel_loop3A to %parallel_loop3A_157 step %parallel_loop3A_158 iter_args(%parallel_loop3A_509 = %broadcast_in_dim3A_89, %parallel_loop3A_510 = %broadcast_in_dim3A_91, %parallel_loop3A_511 = %broadcast_in_dim3A_93, %parallel_loop3A_512 = %broadcast_in_dim3A_95, %parallel_loop3A_513 = %broadcast_in_dim3A_97, %parallel_loop3A_514 = %broadcast_in_dim3A_99, %parallel_loop3A_515 = %broadcast_in_dim3A_101, %parallel_loop3A_516 = %broadcast_in_dim3A_103) -> (vector<16xf32>, vector<16xf32>, vector<16xf32>, vector<16xf32>, vector<16xf32>, vector<16xf32>, vector<16xf32>, vector<16xf32>)  : i32 {
      %parallel_loop3A_517 = arith.constant 0 : i32
      %parallel_loop3A_518 = arith.constant 0 : i32
      %parallel_loop3A_519 = tpu.memref_slice %arg7[%parallel_loop3A_159, %parallel_loop3A_517, %parallel_loop3A_518] : memref<4x64x128xf32, #tpu.memory_space<vmem>> -> memref<1x64x128xf32, #tpu.memory_space<vmem>>
      %parallel_loop3A_520 = tpu.memref_squeeze %parallel_loop3A_519 : memref<1x64x128xf32, #tpu.memory_space<vmem>> -> memref<64x128xf32, #tpu.memory_space<vmem>>
      %parallel_loop3A_521 = arith.index_cast %parallel_loop3A_508 : i32 to index
      %parallel_loop3A_522 = arith.constant 0 : index
      %parallel_loop3A_523 = tpu.vector_load %parallel_loop3A_520[%parallel_loop3A_521, %parallel_loop3A_522] {strides = array<i32>} : memref<64x128xf32, #tpu.memory_space<vmem>>, vector<1x16xf32>,
      %parallel_loop3A_524 = vector.shape_cast %parallel_loop3A_523 : vector<1x16xf32> to vector<16xf32>
      %parallel_loop3A_525 = arith.constant 0 : i32
      %parallel_loop3A_526 = arith.constant 0 : i32
      %parallel_loop3A_527 = tpu.memref_slice %arg8[%parallel_loop3A_160, %parallel_loop3A_525, %parallel_loop3A_526] : memref<4x64x128xf32, #tpu.memory_space<vmem>> -> memref<1x64x128xf32, #tpu.memory_space<vmem>>
      %parallel_loop3A_528 = tpu.memref_squeeze %parallel_loop3A_527 : memref<1x64x128xf32, #tpu.memory_space<vmem>> -> memref<64x128xf32, #tpu.memory_space<vmem>>
      %parallel_loop3A_529 = arith.index_cast %parallel_loop3A_508 : i32 to index
      %parallel_loop3A_530 = arith.constant 0 : index
      %parallel_loop3A_531 = tpu.vector_load %parallel_loop3A_528[%parallel_loop3A_529, %parallel_loop3A_530] {strides = array<i32>} : memref<64x128xf32, #tpu.memory_space<vmem>>, vector<1x16xf32>,
      %parallel_loop3A_532 = vector.shape_cast %parallel_loop3A_531 : vector<1x16xf32> to vector<16xf32>
      %parallel_loop3A_533 = arith.subf %parallel_loop3A_524, %parallel_loop3A_532 : vector<16xf32>
      %parallel_loop3A_534 = arith.mulf %parallel_loop3A_533, %parallel_loop3A_533 : vector<16xf32>
      %parallel_loop3A_535 = arith.addf %parallel_loop3A_509, %parallel_loop3A_534 : vector<16xf32>
      %parallel_loop3A_536 = arith.constant 0 : i32
      %parallel_loop3A_537 = arith.constant 0 : i32
      %parallel_loop3A_538 = tpu.memref_slice %arg7[%parallel_loop3A_159, %parallel_loop3A_536, %parallel_loop3A_537] : memref<4x64x128xf32, #tpu.memory_space<vmem>> -> memref<1x64x128xf32, #tpu.memory_space<vmem>>
      %parallel_loop3A_539 = tpu.memref_squeeze %parallel_loop3A_538 : memref<1x64x128xf32, #tpu.memory_space<vmem>> -> memref<64x128xf32, #tpu.memory_space<vmem>>
      %parallel_loop3A_540 = arith.index_cast %parallel_loop3A_508 : i32 to index
      %parallel_loop3A_541 = arith.constant 16 : index
      %parallel_loop3A_542 = tpu.vector_load %parallel_loop3A_539[%parallel_loop3A_540, %parallel_loop3A_541] {strides = array<i32>} : memref<64x128xf32, #tpu.memory_space<vmem>>, vector<1x16xf32>,
      %parallel_loop3A_543 = vector.shape_cast %parallel_loop3A_542 : vector<1x16xf32> to vector<16xf32>
      %parallel_loop3A_544 = arith.constant 0 : i32
      %parallel_loop3A_545 = arith.constant 0 : i32
      %parallel_loop3A_546 = tpu.memref_slice %arg8[%parallel_loop3A_160, %parallel_loop3A_544, %parallel_loop3A_545] : memref<4x64x128xf32, #tpu.memory_space<vmem>> -> memref<1x64x128xf32, #tpu.memory_space<vmem>>
      %parallel_loop3A_547 = tpu.memref_squeeze %parallel_loop3A_546 : memref<1x64x128xf32, #tpu.memory_space<vmem>> -> memref<64x128xf32, #tpu.memory_space<vmem>>
      %parallel_loop3A_548 = arith.index_cast %parallel_loop3A_508 : i32 to index
      %parallel_loop3A_549 = arith.constant 16 : index
      %parallel_loop3A_550 = tpu.vector_load %parallel_loop3A_547[%parallel_loop3A_548, %parallel_loop3A_549] {strides = array<i32>} : memref<64x128xf32, #tpu.memory_space<vmem>>, vector<1x16xf32>,
      %parallel_loop3A_551 = vector.shape_cast %parallel_loop3A_550 : vector<1x16xf32> to vector<16xf32>
      %parallel_loop3A_552 = arith.subf %parallel_loop3A_543, %parallel_loop3A_551 : vector<16xf32>
      %parallel_loop3A_553 = arith.mulf %parallel_loop3A_552, %parallel_loop3A_552 : vector<16xf32>
      %parallel_loop3A_554 = arith.addf %parallel_loop3A_510, %parallel_loop3A_553 : vector<16xf32>
      %parallel_loop3A_555 = arith.constant 0 : i32
      %parallel_loop3A_556 = arith.constant 0 : i32
      %parallel_loop3A_557 = tpu.memref_slice %arg7[%parallel_loop3A_159, %parallel_loop3A_555, %parallel_loop3A_556] : memref<4x64x128xf32, #tpu.memory_space<vmem>> -> memref<1x64x128xf32, #tpu.memory_space<vmem>>
      %parallel_loop3A_558 = tpu.memref_squeeze %parallel_loop3A_557 : memref<1x64x128xf32, #tpu.memory_space<vmem>> -> memref<64x128xf32, #tpu.memory_space<vmem>>
      %parallel_loop3A_559 = arith.index_cast %parallel_loop3A_508 : i32 to index
      %parallel_loop3A_560 = arith.constant 32 : index
      %parallel_loop3A_561 = tpu.vector_load %parallel_loop3A_558[%parallel_loop3A_559, %parallel_loop3A_560] {strides = array<i32>} : memref<64x128xf32, #tpu.memory_space<vmem>>, vector<1x16xf32>,
      %parallel_loop3A_562 = vector.shape_cast %parallel_loop3A_561 : vector<1x16xf32> to vector<16xf32>
      %parallel_loop3A_563 = arith.constant 0 : i32
      %parallel_loop3A_564 = arith.constant 0 : i32
      %parallel_loop3A_565 = tpu.memref_slice %arg8[%parallel_loop3A_160, %parallel_loop3A_563, %parallel_loop3A_564] : memref<4x64x128xf32, #tpu.memory_space<vmem>> -> memref<1x64x128xf32, #tpu.memory_space<vmem>>
      %parallel_loop3A_566 = tpu.memref_squeeze %parallel_loop3A_565 : memref<1x64x128xf32, #tpu.memory_space<vmem>> -> memref<64x128xf32, #tpu.memory_space<vmem>>
      %parallel_loop3A_567 = arith.index_cast %parallel_loop3A_508 : i32 to index
      %parallel_loop3A_568 = arith.constant 32 : index
      %parallel_loop3A_569 = tpu.vector_load %parallel_loop3A_566[%parallel_loop3A_567, %parallel_loop3A_568] {strides = array<i32>} : memref<64x128xf32, #tpu.memory_space<vmem>>, vector<1x16xf32>,
      %parallel_loop3A_570 = vector.shape_cast %parallel_loop3A_569 : vector<1x16xf32> to vector<16xf32>
      %parallel_loop3A_571 = arith.subf %parallel_loop3A_562, %parallel_loop3A_570 : vector<16xf32>
      %parallel_loop3A_572 = arith.mulf %parallel_loop3A_571, %parallel_loop3A_571 : vector<16xf32>
      %parallel_loop3A_573 = arith.addf %parallel_loop3A_511, %parallel_loop3A_572 : vector<16xf32>
      %parallel_loop3A_574 = arith.constant 0 : i32
      %parallel_loop3A_575 = arith.constant 0 : i32
      %parallel_loop3A_576 = tpu.memref_slice %arg7[%parallel_loop3A_159, %parallel_loop3A_574, %parallel_loop3A_575] : memref<4x64x128xf32, #tpu.memory_space<vmem>> -> memref<1x64x128xf32, #tpu.memory_space<vmem>>
      %parallel_loop3A_577 = tpu.memref_squeeze %parallel_loop3A_576 : memref<1x64x128xf32, #tpu.memory_space<vmem>> -> memref<64x128xf32, #tpu.memory_space<vmem>>
      %parallel_loop3A_578 = arith.index_cast %parallel_loop3A_508 : i32 to index
      %parallel_loop3A_579 = arith.constant 48 : index
      %parallel_loop3A_580 = tpu.vector_load %parallel_loop3A_577[%parallel_loop3A_578, %parallel_loop3A_579] {strides = array<i32>} : memref<64x128xf32, #tpu.memory_space<vmem>>, vector<1x16xf32>,
      %parallel_loop3A_581 = vector.shape_cast %parallel_loop3A_580 : vector<1x16xf32> to vector<16xf32>
      %parallel_loop3A_582 = arith.constant 0 : i32
      %parallel_loop3A_583 = arith.constant 0 : i32
      %parallel_loop3A_584 = tpu.memref_slice %arg8[%parallel_loop3A_160, %parallel_loop3A_582, %parallel_loop3A_583] : memref<4x64x128xf32, #tpu.memory_space<vmem>> -> memref<1x64x128xf32, #tpu.memory_space<vmem>>
      %parallel_loop3A_585 = tpu.memref_squeeze %parallel_loop3A_584 : memref<1x64x128xf32, #tpu.memory_space<vmem>> -> memref<64x128xf32, #tpu.memory_space<vmem>>
      %parallel_loop3A_586 = arith.index_cast %parallel_loop3A_508 : i32 to index
      %parallel_loop3A_587 = arith.constant 48 : index
      %parallel_loop3A_588 = tpu.vector_load %parallel_loop3A_585[%parallel_loop3A_586, %parallel_loop3A_587] {strides = array<i32>} : memref<64x128xf32, #tpu.memory_space<vmem>>, vector<1x16xf32>,
      %parallel_loop3A_589 = vector.shape_cast %parallel_loop3A_588 : vector<1x16xf32> to vector<16xf32>
      %parallel_loop3A_590 = arith.subf %parallel_loop3A_581, %parallel_loop3A_589 : vector<16xf32>
      %parallel_loop3A_591 = arith.mulf %parallel_loop3A_590, %parallel_loop3A_590 : vector<16xf32>
      %parallel_loop3A_592 = arith.addf %parallel_loop3A_512, %parallel_loop3A_591 : vector<16xf32>
      %parallel_loop3A_593 = arith.constant 0 : i32
      %parallel_loop3A_594 = arith.constant 0 : i32
      %parallel_loop3A_595 = tpu.memref_slice %arg7[%parallel_loop3A_159, %parallel_loop3A_593, %parallel_loop3A_594] : memref<4x64x128xf32, #tpu.memory_space<vmem>> -> memref<1x64x128xf32, #tpu.memory_space<vmem>>
      %parallel_loop3A_596 = tpu.memref_squeeze %parallel_loop3A_595 : memref<1x64x128xf32, #tpu.memory_space<vmem>> -> memref<64x128xf32, #tpu.memory_space<vmem>>
      %parallel_loop3A_597 = arith.index_cast %parallel_loop3A_508 : i32 to index
      %parallel_loop3A_598 = arith.constant 64 : index
      %parallel_loop3A_599 = tpu.vector_load %parallel_loop3A_596[%parallel_loop3A_597, %parallel_loop3A_598] {strides = array<i32>} : memref<64x128xf32, #tpu.memory_space<vmem>>, vector<1x16xf32>,
      %parallel_loop3A_600 = vector.shape_cast %parallel_loop3A_599 : vector<1x16xf32> to vector<16xf32>
      %parallel_loop3A_601 = arith.constant 0 : i32
      %parallel_loop3A_602 = arith.constant 0 : i32
      %parallel_loop3A_603 = tpu.memref_slice %arg8[%parallel_loop3A_160, %parallel_loop3A_601, %parallel_loop3A_602] : memref<4x64x128xf32, #tpu.memory_space<vmem>> -> memref<1x64x128xf32, #tpu.memory_space<vmem>>
      %parallel_loop3A_604 = tpu.memref_squeeze %parallel_loop3A_603 : memref<1x64x128xf32, #tpu.memory_space<vmem>> -> memref<64x128xf32, #tpu.memory_space<vmem>>
      %parallel_loop3A_605 = arith.index_cast %parallel_loop3A_508 : i32 to index
      %parallel_loop3A_606 = arith.constant 64 : index
      %parallel_loop3A_607 = tpu.vector_load %parallel_loop3A_604[%parallel_loop3A_605, %parallel_loop3A_606] {strides = array<i32>} : memref<64x128xf32, #tpu.memory_space<vmem>>, vector<1x16xf32>,
      %parallel_loop3A_608 = vector.shape_cast %parallel_loop3A_607 : vector<1x16xf32> to vector<16xf32>
      %parallel_loop3A_609 = arith.subf %parallel_loop3A_600, %parallel_loop3A_608 : vector<16xf32>
      %parallel_loop3A_610 = arith.mulf %parallel_loop3A_609, %parallel_loop3A_609 : vector<16xf32>
      %parallel_loop3A_611 = arith.addf %parallel_loop3A_513, %parallel_loop3A_610 : vector<16xf32>
      %parallel_loop3A_612 = arith.constant 0 : i32
      %parallel_loop3A_613 = arith.constant 0 : i32
      %parallel_loop3A_614 = tpu.memref_slice %arg7[%parallel_loop3A_159, %parallel_loop3A_612, %parallel_loop3A_613] : memref<4x64x128xf32, #tpu.memory_space<vmem>> -> memref<1x64x128xf32, #tpu.memory_space<vmem>>
      %parallel_loop3A_615 = tpu.memref_squeeze %parallel_loop3A_614 : memref<1x64x128xf32, #tpu.memory_space<vmem>> -> memref<64x128xf32, #tpu.memory_space<vmem>>
      %parallel_loop3A_616 = arith.index_cast %parallel_loop3A_508 : i32 to index
      %parallel_loop3A_617 = arith.constant 80 : index
      %parallel_loop3A_618 = tpu.vector_load %parallel_loop3A_615[%parallel_loop3A_616, %parallel_loop3A_617] {strides = array<i32>} : memref<64x128xf32, #tpu.memory_space<vmem>>, vector<1x16xf32>,
      %parallel_loop3A_619 = vector.shape_cast %parallel_loop3A_618 : vector<1x16xf32> to vector<16xf32>
      %parallel_loop3A_620 = arith.constant 0 : i32
      %parallel_loop3A_621 = arith.constant 0 : i32
      %parallel_loop3A_622 = tpu.memref_slice %arg8[%parallel_loop3A_160, %parallel_loop3A_620, %parallel_loop3A_621] : memref<4x64x128xf32, #tpu.memory_space<vmem>> -> memref<1x64x128xf32, #tpu.memory_space<vmem>>
      %parallel_loop3A_623 = tpu.memref_squeeze %parallel_loop3A_622 : memref<1x64x128xf32, #tpu.memory_space<vmem>> -> memref<64x128xf32, #tpu.memory_space<vmem>>
      %parallel_loop3A_624 = arith.index_cast %parallel_loop3A_508 : i32 to index
      %parallel_loop3A_625 = arith.constant 80 : index
      %parallel_loop3A_626 = tpu.vector_load %parallel_loop3A_623[%parallel_loop3A_624, %parallel_loop3A_625] {strides = array<i32>} : memref<64x128xf32, #tpu.memory_space<vmem>>, vector<1x16xf32>,
      %parallel_loop3A_627 = vector.shape_cast %parallel_loop3A_626 : vector<1x16xf32> to vector<16xf32>
      %parallel_loop3A_628 = arith.subf %parallel_loop3A_619, %parallel_loop3A_627 : vector<16xf32>
      %parallel_loop3A_629 = arith.mulf %parallel_loop3A_628, %parallel_loop3A_628 : vector<16xf32>
      %parallel_loop3A_630 = arith.addf %parallel_loop3A_514, %parallel_loop3A_629 : vector<16xf32>
      %parallel_loop3A_631 = arith.constant 0 : i32
      %parallel_loop3A_632 = arith.constant 0 : i32
      %parallel_loop3A_633 = tpu.memref_slice %arg7[%parallel_loop3A_159, %parallel_loop3A_631, %parallel_loop3A_632] : memref<4x64x128xf32, #tpu.memory_space<vmem>> -> memref<1x64x128xf32, #tpu.memory_space<vmem>>
      %parallel_loop3A_634 = tpu.memref_squeeze %parallel_loop3A_633 : memref<1x64x128xf32, #tpu.memory_space<vmem>> -> memref<64x128xf32, #tpu.memory_space<vmem>>
      %parallel_loop3A_635 = arith.index_cast %parallel_loop3A_508 : i32 to index
      %parallel_loop3A_636 = arith.constant 96 : index
      %parallel_loop3A_637 = tpu.vector_load %parallel_loop3A_634[%parallel_loop3A_635, %parallel_loop3A_636] {strides = array<i32>} : memref<64x128xf32, #tpu.memory_space<vmem>>, vector<1x16xf32>,
      %parallel_loop3A_638 = vector.shape_cast %parallel_loop3A_637 : vector<1x16xf32> to vector<16xf32>
      %parallel_loop3A_639 = arith.constant 0 : i32
      %parallel_loop3A_640 = arith.constant 0 : i32
      %parallel_loop3A_641 = tpu.memref_slice %arg8[%parallel_loop3A_160, %parallel_loop3A_639, %parallel_loop3A_640] : memref<4x64x128xf32, #tpu.memory_space<vmem>> -> memref<1x64x128xf32, #tpu.memory_space<vmem>>
      %parallel_loop3A_642 = tpu.memref_squeeze %parallel_loop3A_641 : memref<1x64x128xf32, #tpu.memory_space<vmem>> -> memref<64x128xf32, #tpu.memory_space<vmem>>
      %parallel_loop3A_643 = arith.index_cast %parallel_loop3A_508 : i32 to index
      %parallel_loop3A_644 = arith.constant 96 : index
      %parallel_loop3A_645 = tpu.vector_load %parallel_loop3A_642[%parallel_loop3A_643, %parallel_loop3A_644] {strides = array<i32>} : memref<64x128xf32, #tpu.memory_space<vmem>>, vector<1x16xf32>,
      %parallel_loop3A_646 = vector.shape_cast %parallel_loop3A_645 : vector<1x16xf32> to vector<16xf32>
      %parallel_loop3A_647 = arith.subf %parallel_loop3A_638, %parallel_loop3A_646 : vector<16xf32>
      %parallel_loop3A_648 = arith.mulf %parallel_loop3A_647, %parallel_loop3A_647 : vector<16xf32>
      %parallel_loop3A_649 = arith.addf %parallel_loop3A_515, %parallel_loop3A_648 : vector<16xf32>
      %parallel_loop3A_650 = arith.constant 0 : i32
      %parallel_loop3A_651 = arith.constant 0 : i32
      %parallel_loop3A_652 = tpu.memref_slice %arg7[%parallel_loop3A_159, %parallel_loop3A_650, %parallel_loop3A_651] : memref<4x64x128xf32, #tpu.memory_space<vmem>> -> memref<1x64x128xf32, #tpu.memory_space<vmem>>
      %parallel_loop3A_653 = tpu.memref_squeeze %parallel_loop3A_652 : memref<1x64x128xf32, #tpu.memory_space<vmem>> -> memref<64x128xf32, #tpu.memory_space<vmem>>
      %parallel_loop3A_654 = arith.index_cast %parallel_loop3A_508 : i32 to index
      %parallel_loop3A_655 = arith.constant 112 : index
      %parallel_loop3A_656 = tpu.vector_load %parallel_loop3A_653[%parallel_loop3A_654, %parallel_loop3A_655] {strides = array<i32>} : memref<64x128xf32, #tpu.memory_space<vmem>>, vector<1x16xf32>,
      %parallel_loop3A_657 = vector.shape_cast %parallel_loop3A_656 : vector<1x16xf32> to vector<16xf32>
      %parallel_loop3A_658 = arith.constant 0 : i32
      %parallel_loop3A_659 = arith.constant 0 : i32
      %parallel_loop3A_660 = tpu.memref_slice %arg8[%parallel_loop3A_160, %parallel_loop3A_658, %parallel_loop3A_659] : memref<4x64x128xf32, #tpu.memory_space<vmem>> -> memref<1x64x128xf32, #tpu.memory_space<vmem>>
      %parallel_loop3A_661 = tpu.memref_squeeze %parallel_loop3A_660 : memref<1x64x128xf32, #tpu.memory_space<vmem>> -> memref<64x128xf32, #tpu.memory_space<vmem>>
      %parallel_loop3A_662 = arith.index_cast %parallel_loop3A_508 : i32 to index
      %parallel_loop3A_663 = arith.constant 112 : index
      %parallel_loop3A_664 = tpu.vector_load %parallel_loop3A_661[%parallel_loop3A_662, %parallel_loop3A_663] {strides = array<i32>} : memref<64x128xf32, #tpu.memory_space<vmem>>, vector<1x16xf32>,
      %parallel_loop3A_665 = vector.shape_cast %parallel_loop3A_664 : vector<1x16xf32> to vector<16xf32>
      %parallel_loop3A_666 = arith.subf %parallel_loop3A_657, %parallel_loop3A_665 : vector<16xf32>
      %parallel_loop3A_667 = arith.mulf %parallel_loop3A_666, %parallel_loop3A_666 : vector<16xf32>
      %parallel_loop3A_668 = arith.addf %parallel_loop3A_516, %parallel_loop3A_667 : vector<16xf32>
      scf.yield %parallel_loop3A_535, %parallel_loop3A_554, %parallel_loop3A_573, %parallel_loop3A_592, %parallel_loop3A_611, %parallel_loop3A_630, %parallel_loop3A_649, %parallel_loop3A_668 : vector<16xf32>, vector<16xf32>, vector<16xf32>, vector<16xf32>, vector<16xf32>, vector<16xf32>, vector<16xf32>, vector<16xf32>
    } {sc.loop_unroll_factor = 4 : i64, sc.parallel_access}
    %dma_wait3A_162 = arith.constant 1 : i32
    %dma_wait3A_163 = arith.constant 1 : i32
    %dma_wait3A_164 = arith.constant 0 : i32
    %dma_wait3A_165 = arith.constant 0 : i32
    %dma_wait3A_166 = tpu.memref_slice %arg8[%dma_wait3A_163, %dma_wait3A_164, %dma_wait3A_165] : memref<4x64x128xf32, #tpu.memory_space<vmem>> -> memref<1x64x128xf32, #tpu.memory_space<vmem>>
    %dma_wait3A_167 = tpu.memref_squeeze %dma_wait3A_166 : memref<1x64x128xf32, #tpu.memory_space<vmem>> -> memref<64x128xf32, #tpu.memory_space<vmem>>
    %dma_wait3A_168 = arith.constant 0 : i32
    %dma_wait3A_169 = tpu.memref_slice %arg6[%dma_wait3A_162, %dma_wait3A_168] : memref<8x64xi32, #tpu.memory_space<vmem>> -> memref<1x64xi32, #tpu.memory_space<vmem>>
    %dma_wait3A_170 = tpu.memref_squeeze %dma_wait3A_169 : memref<1x64xi32, #tpu.memory_space<vmem>> -> memref<64xi32, #tpu.memory_space<vmem>>
    %dma_wait3A_171 = arith.constant 0 : i32
    %dma_wait3A_172 = arith.constant 0 : i32
    %dma_wait3A_173 = tpu.memref_slice %arg4[%dma_wait3A_171, %dma_wait3A_172] : memref<100000x128xf32, #tpu.memory_space<hbm>> -> memref<100000x128xf32, #tpu.memory_space<hbm>>
    tpu.wait_indirect_dma semaphore(%arg11 : memref<!tpu.dma_semaphore, #tpu.memory_space<semaphore_mem>>) src(%dma_wait3A_173 : memref<100000x128xf32, #tpu.memory_space<hbm>>) dst(%dma_wait3A_167 : memref<64x128xf32, #tpu.memory_space<vmem>>)
    %dma_wait3A_174 = arith.constant 1 : i32
    %dma_wait3A_175 = arith.constant 0 : i32
    %dma_wait3A_176 = arith.constant 0 : i32
    %dma_wait3A_177 = tpu.memref_slice %arg7[%dma_wait3A_174, %dma_wait3A_175, %dma_wait3A_176] : memref<4x64x128xf32, #tpu.memory_space<vmem>> -> memref<1x64x128xf32, #tpu.memory_space<vmem>>
    %dma_wait3A_178 = tpu.memref_squeeze %dma_wait3A_177 : memref<1x64x128xf32, #tpu.memory_space<vmem>> -> memref<64x128xf32, #tpu.memory_space<vmem>>
    %dma_wait3A_179 = arith.constant 0 : i32
    %dma_wait3A_180 = tpu.memref_slice %arg2[%add3A_20, %dma_wait3A_179] : memref<16384x128xf32, #tpu.memory_space<hbm>> -> memref<64x128xf32, #tpu.memory_space<hbm>>
    %dma_wait3A_181 = arith.constant 0 : i32
    %dma_wait3A_182 = arith.constant 0 : i32
    %dma_wait3A_183 = tpu.memref_slice %arg7[%dma_wait3A_174, %dma_wait3A_181, %dma_wait3A_182] : memref<4x64x128xf32, #tpu.memory_space<vmem>> -> memref<1x64x128xf32, #tpu.memory_space<vmem>>
    %dma_wait3A_184 = tpu.memref_squeeze %dma_wait3A_183 : memref<1x64x128xf32, #tpu.memory_space<vmem>> -> memref<64x128xf32, #tpu.memory_space<vmem>>
    %dma_wait3A_185 = arith.constant 0 : i32
    %dma_wait3A_186 = tpu.memref_slice %arg2[%add3A_20, %dma_wait3A_185] : memref<16384x128xf32, #tpu.memory_space<hbm>> -> memref<64x128xf32, #tpu.memory_space<hbm>>
    tpu.wait_dma2 semaphore(%arg15 : memref<!tpu.dma_semaphore, #tpu.memory_space<semaphore_mem>>) src(%dma_wait3A_186 : memref<64x128xf32, #tpu.memory_space<hbm>>) dst(%dma_wait3A_184 : memref<64x128xf32, #tpu.memory_space<vmem>>)
    %dma_start3A_187 = arith.constant 4 : i32
    %dma_start3A_188 = arith.constant 0 : i32
    %dma_start3A_189 = arith.constant 0 : i32
    %dma_start3A_190 = arith.constant 0 : i32
    %dma_start3A_191 = tpu.memref_slice %arg8[%dma_start3A_188, %dma_start3A_189, %dma_start3A_190] : memref<4x64x128xf32, #tpu.memory_space<vmem>> -> memref<1x64x128xf32, #tpu.memory_space<vmem>>
    %dma_start3A_192 = tpu.memref_squeeze %dma_start3A_191 : memref<1x64x128xf32, #tpu.memory_space<vmem>> -> memref<64x128xf32, #tpu.memory_space<vmem>>
    %dma_start3A_193 = arith.constant 0 : i32
    %dma_start3A_194 = tpu.memref_slice %arg6[%dma_start3A_187, %dma_start3A_193] : memref<8x64xi32, #tpu.memory_space<vmem>> -> memref<1x64xi32, #tpu.memory_space<vmem>>
    %dma_start3A_195 = tpu.memref_squeeze %dma_start3A_194 : memref<1x64xi32, #tpu.memory_space<vmem>> -> memref<64xi32, #tpu.memory_space<vmem>>
    %dma_start3A_196 = arith.constant 0 : i32
    %dma_start3A_197 = arith.constant 0 : i32
    %dma_start3A_198 = tpu.memref_slice %arg4[%dma_start3A_196, %dma_start3A_197] : memref<100000x128xf32, #tpu.memory_space<hbm>> -> memref<100000x128xf32, #tpu.memory_space<hbm>>
    tpu.enqueue_indirect_dma source(%dma_start3A_198 : memref<100000x128xf32, #tpu.memory_space<hbm>>) target(%dma_start3A_192 : memref<64x128xf32, #tpu.memory_space<vmem>>) offsets(%dma_start3A_195 : memref<64xi32, #tpu.memory_space<vmem>>) semaphore(%arg10 : memref<!tpu.dma_semaphore, #tpu.memory_space<semaphore_mem>>)
    %mul3A_199 = arith.constant 512 : i32
    %mul3A_200 = arith.muli %add3A, %mul3A_199 : i32
    %add3A_201 = arith.constant 256 : i32
    %add3A_202 = arith.addi %mul3A_200, %add3A_201 : i32
    %dma_start3A_203 = arith.constant 0 : i32
    %dma_start3A_204 = arith.constant 0 : i32
    %dma_start3A_205 = arith.constant 0 : i32
    %dma_start3A_206 = tpu.memref_slice %arg7[%dma_start3A_203, %dma_start3A_204, %dma_start3A_205] : memref<4x64x128xf32, #tpu.memory_space<vmem>> -> memref<1x64x128xf32, #tpu.memory_space<vmem>>
    %dma_start3A_207 = tpu.memref_squeeze %dma_start3A_206 : memref<1x64x128xf32, #tpu.memory_space<vmem>> -> memref<64x128xf32, #tpu.memory_space<vmem>>
    %dma_start3A_208 = arith.constant 0 : i32
    %dma_start3A_209 = tpu.memref_slice %arg2[%add3A_202, %dma_start3A_208] : memref<16384x128xf32, #tpu.memory_space<hbm>> -> memref<64x128xf32, #tpu.memory_space<hbm>>
    %dma_start3A_210 = arith.constant 0 : i32
    %dma_start3A_211 = arith.constant 0 : i32
    %dma_start3A_212 = tpu.memref_slice %arg7[%dma_start3A_203, %dma_start3A_210, %dma_start3A_211] : memref<4x64x128xf32, #tpu.memory_space<vmem>> -> memref<1x64x128xf32, #tpu.memory_space<vmem>>
    %dma_start3A_213 = tpu.memref_squeeze %dma_start3A_212 : memref<1x64x128xf32, #tpu.memory_space<vmem>> -> memref<64x128xf32, #tpu.memory_space<vmem>>
    %dma_start3A_214 = arith.constant 0 : i32
    %dma_start3A_215 = tpu.memref_slice %arg2[%add3A_202, %dma_start3A_214] : memref<16384x128xf32, #tpu.memory_space<hbm>> -> memref<64x128xf32, #tpu.memory_space<hbm>>
    tpu.enqueue_dma source(%dma_start3A_215 : memref<64x128xf32, #tpu.memory_space<hbm>>) target(%dma_start3A_213 : memref<64x128xf32, #tpu.memory_space<vmem>>) target_semaphore(%arg14 : memref<!tpu.dma_semaphore, #tpu.memory_space<semaphore_mem>>)
    %parallel_loop3A_216 = arith.constant 0 : i32
    %parallel_loop3A_217 = arith.constant 64 : i32
    %parallel_loop3A_218 = arith.constant 1 : i32
    %parallel_loop3A_219 = arith.constant 1 : i32
    %parallel_loop3A_220 = arith.constant 1 : i32
    %parallel_loop3A_221:8 = scf.for %parallel_loop3A_508 = %parallel_loop3A_216 to %parallel_loop3A_217 step %parallel_loop3A_218 iter_args(%parallel_loop3A_509 = %parallel_loop3A_161#0, %parallel_loop3A_510 = %parallel_loop3A_161#1, %parallel_loop3A_511 = %parallel_loop3A_161#2, %parallel_loop3A_512 = %parallel_loop3A_161#3, %parallel_loop3A_513 = %parallel_loop3A_161#4, %parallel_loop3A_514 = %parallel_loop3A_161#5, %parallel_loop3A_515 = %parallel_loop3A_161#6, %parallel_loop3A_516 = %parallel_loop3A_161#7) -> (vector<16xf32>, vector<16xf32>, vector<16xf32>, vector<16xf32>, vector<16xf32>, vector<16xf32>, vector<16xf32>, vector<16xf32>)  : i32 {
      %parallel_loop3A_517 = arith.constant 0 : i32
      %parallel_loop3A_518 = arith.constant 0 : i32
      %parallel_loop3A_519 = tpu.memref_slice %arg7[%parallel_loop3A_219, %parallel_loop3A_517, %parallel_loop3A_518] : memref<4x64x128xf32, #tpu.memory_space<vmem>> -> memref<1x64x128xf32, #tpu.memory_space<vmem>>
      %parallel_loop3A_520 = tpu.memref_squeeze %parallel_loop3A_519 : memref<1x64x128xf32, #tpu.memory_space<vmem>> -> memref<64x128xf32, #tpu.memory_space<vmem>>
      %parallel_loop3A_521 = arith.index_cast %parallel_loop3A_508 : i32 to index
      %parallel_loop3A_522 = arith.constant 0 : index
      %parallel_loop3A_523 = tpu.vector_load %parallel_loop3A_520[%parallel_loop3A_521, %parallel_loop3A_522] {strides = array<i32>} : memref<64x128xf32, #tpu.memory_space<vmem>>, vector<1x16xf32>,
      %parallel_loop3A_524 = vector.shape_cast %parallel_loop3A_523 : vector<1x16xf32> to vector<16xf32>
      %parallel_loop3A_525 = arith.constant 0 : i32
      %parallel_loop3A_526 = arith.constant 0 : i32
      %parallel_loop3A_527 = tpu.memref_slice %arg8[%parallel_loop3A_220, %parallel_loop3A_525, %parallel_loop3A_526] : memref<4x64x128xf32, #tpu.memory_space<vmem>> -> memref<1x64x128xf32, #tpu.memory_space<vmem>>
      %parallel_loop3A_528 = tpu.memref_squeeze %parallel_loop3A_527 : memref<1x64x128xf32, #tpu.memory_space<vmem>> -> memref<64x128xf32, #tpu.memory_space<vmem>>
      %parallel_loop3A_529 = arith.index_cast %parallel_loop3A_508 : i32 to index
      %parallel_loop3A_530 = arith.constant 0 : index
      %parallel_loop3A_531 = tpu.vector_load %parallel_loop3A_528[%parallel_loop3A_529, %parallel_loop3A_530] {strides = array<i32>} : memref<64x128xf32, #tpu.memory_space<vmem>>, vector<1x16xf32>,
      %parallel_loop3A_532 = vector.shape_cast %parallel_loop3A_531 : vector<1x16xf32> to vector<16xf32>
      %parallel_loop3A_533 = arith.subf %parallel_loop3A_524, %parallel_loop3A_532 : vector<16xf32>
      %parallel_loop3A_534 = arith.mulf %parallel_loop3A_533, %parallel_loop3A_533 : vector<16xf32>
      %parallel_loop3A_535 = arith.addf %parallel_loop3A_509, %parallel_loop3A_534 : vector<16xf32>
      %parallel_loop3A_536 = arith.constant 0 : i32
      %parallel_loop3A_537 = arith.constant 0 : i32
      %parallel_loop3A_538 = tpu.memref_slice %arg7[%parallel_loop3A_219, %parallel_loop3A_536, %parallel_loop3A_537] : memref<4x64x128xf32, #tpu.memory_space<vmem>> -> memref<1x64x128xf32, #tpu.memory_space<vmem>>
      %parallel_loop3A_539 = tpu.memref_squeeze %parallel_loop3A_538 : memref<1x64x128xf32, #tpu.memory_space<vmem>> -> memref<64x128xf32, #tpu.memory_space<vmem>>
      %parallel_loop3A_540 = arith.index_cast %parallel_loop3A_508 : i32 to index
      %parallel_loop3A_541 = arith.constant 16 : index
      %parallel_loop3A_542 = tpu.vector_load %parallel_loop3A_539[%parallel_loop3A_540, %parallel_loop3A_541] {strides = array<i32>} : memref<64x128xf32, #tpu.memory_space<vmem>>, vector<1x16xf32>,
      %parallel_loop3A_543 = vector.shape_cast %parallel_loop3A_542 : vector<1x16xf32> to vector<16xf32>
      %parallel_loop3A_544 = arith.constant 0 : i32
      %parallel_loop3A_545 = arith.constant 0 : i32
      %parallel_loop3A_546 = tpu.memref_slice %arg8[%parallel_loop3A_220, %parallel_loop3A_544, %parallel_loop3A_545] : memref<4x64x128xf32, #tpu.memory_space<vmem>> -> memref<1x64x128xf32, #tpu.memory_space<vmem>>
      %parallel_loop3A_547 = tpu.memref_squeeze %parallel_loop3A_546 : memref<1x64x128xf32, #tpu.memory_space<vmem>> -> memref<64x128xf32, #tpu.memory_space<vmem>>
      %parallel_loop3A_548 = arith.index_cast %parallel_loop3A_508 : i32 to index
      %parallel_loop3A_549 = arith.constant 16 : index
      %parallel_loop3A_550 = tpu.vector_load %parallel_loop3A_547[%parallel_loop3A_548, %parallel_loop3A_549] {strides = array<i32>} : memref<64x128xf32, #tpu.memory_space<vmem>>, vector<1x16xf32>,
      %parallel_loop3A_551 = vector.shape_cast %parallel_loop3A_550 : vector<1x16xf32> to vector<16xf32>
      %parallel_loop3A_552 = arith.subf %parallel_loop3A_543, %parallel_loop3A_551 : vector<16xf32>
      %parallel_loop3A_553 = arith.mulf %parallel_loop3A_552, %parallel_loop3A_552 : vector<16xf32>
      %parallel_loop3A_554 = arith.addf %parallel_loop3A_510, %parallel_loop3A_553 : vector<16xf32>
      %parallel_loop3A_555 = arith.constant 0 : i32
      %parallel_loop3A_556 = arith.constant 0 : i32
      %parallel_loop3A_557 = tpu.memref_slice %arg7[%parallel_loop3A_219, %parallel_loop3A_555, %parallel_loop3A_556] : memref<4x64x128xf32, #tpu.memory_space<vmem>> -> memref<1x64x128xf32, #tpu.memory_space<vmem>>
      %parallel_loop3A_558 = tpu.memref_squeeze %parallel_loop3A_557 : memref<1x64x128xf32, #tpu.memory_space<vmem>> -> memref<64x128xf32, #tpu.memory_space<vmem>>
      %parallel_loop3A_559 = arith.index_cast %parallel_loop3A_508 : i32 to index
      %parallel_loop3A_560 = arith.constant 32 : index
      %parallel_loop3A_561 = tpu.vector_load %parallel_loop3A_558[%parallel_loop3A_559, %parallel_loop3A_560] {strides = array<i32>} : memref<64x128xf32, #tpu.memory_space<vmem>>, vector<1x16xf32>,
      %parallel_loop3A_562 = vector.shape_cast %parallel_loop3A_561 : vector<1x16xf32> to vector<16xf32>
      %parallel_loop3A_563 = arith.constant 0 : i32
      %parallel_loop3A_564 = arith.constant 0 : i32
      %parallel_loop3A_565 = tpu.memref_slice %arg8[%parallel_loop3A_220, %parallel_loop3A_563, %parallel_loop3A_564] : memref<4x64x128xf32, #tpu.memory_space<vmem>> -> memref<1x64x128xf32, #tpu.memory_space<vmem>>
      %parallel_loop3A_566 = tpu.memref_squeeze %parallel_loop3A_565 : memref<1x64x128xf32, #tpu.memory_space<vmem>> -> memref<64x128xf32, #tpu.memory_space<vmem>>
      %parallel_loop3A_567 = arith.index_cast %parallel_loop3A_508 : i32 to index
      %parallel_loop3A_568 = arith.constant 32 : index
      %parallel_loop3A_569 = tpu.vector_load %parallel_loop3A_566[%parallel_loop3A_567, %parallel_loop3A_568] {strides = array<i32>} : memref<64x128xf32, #tpu.memory_space<vmem>>, vector<1x16xf32>,
      %parallel_loop3A_570 = vector.shape_cast %parallel_loop3A_569 : vector<1x16xf32> to vector<16xf32>
      %parallel_loop3A_571 = arith.subf %parallel_loop3A_562, %parallel_loop3A_570 : vector<16xf32>
      %parallel_loop3A_572 = arith.mulf %parallel_loop3A_571, %parallel_loop3A_571 : vector<16xf32>
      %parallel_loop3A_573 = arith.addf %parallel_loop3A_511, %parallel_loop3A_572 : vector<16xf32>
      %parallel_loop3A_574 = arith.constant 0 : i32
      %parallel_loop3A_575 = arith.constant 0 : i32
      %parallel_loop3A_576 = tpu.memref_slice %arg7[%parallel_loop3A_219, %parallel_loop3A_574, %parallel_loop3A_575] : memref<4x64x128xf32, #tpu.memory_space<vmem>> -> memref<1x64x128xf32, #tpu.memory_space<vmem>>
      %parallel_loop3A_577 = tpu.memref_squeeze %parallel_loop3A_576 : memref<1x64x128xf32, #tpu.memory_space<vmem>> -> memref<64x128xf32, #tpu.memory_space<vmem>>
      %parallel_loop3A_578 = arith.index_cast %parallel_loop3A_508 : i32 to index
      %parallel_loop3A_579 = arith.constant 48 : index
      %parallel_loop3A_580 = tpu.vector_load %parallel_loop3A_577[%parallel_loop3A_578, %parallel_loop3A_579] {strides = array<i32>} : memref<64x128xf32, #tpu.memory_space<vmem>>, vector<1x16xf32>,
      %parallel_loop3A_581 = vector.shape_cast %parallel_loop3A_580 : vector<1x16xf32> to vector<16xf32>
      %parallel_loop3A_582 = arith.constant 0 : i32
      %parallel_loop3A_583 = arith.constant 0 : i32
      %parallel_loop3A_584 = tpu.memref_slice %arg8[%parallel_loop3A_220, %parallel_loop3A_582, %parallel_loop3A_583] : memref<4x64x128xf32, #tpu.memory_space<vmem>> -> memref<1x64x128xf32, #tpu.memory_space<vmem>>
      %parallel_loop3A_585 = tpu.memref_squeeze %parallel_loop3A_584 : memref<1x64x128xf32, #tpu.memory_space<vmem>> -> memref<64x128xf32, #tpu.memory_space<vmem>>
      %parallel_loop3A_586 = arith.index_cast %parallel_loop3A_508 : i32 to index
      %parallel_loop3A_587 = arith.constant 48 : index
      %parallel_loop3A_588 = tpu.vector_load %parallel_loop3A_585[%parallel_loop3A_586, %parallel_loop3A_587] {strides = array<i32>} : memref<64x128xf32, #tpu.memory_space<vmem>>, vector<1x16xf32>,
      %parallel_loop3A_589 = vector.shape_cast %parallel_loop3A_588 : vector<1x16xf32> to vector<16xf32>
      %parallel_loop3A_590 = arith.subf %parallel_loop3A_581, %parallel_loop3A_589 : vector<16xf32>
      %parallel_loop3A_591 = arith.mulf %parallel_loop3A_590, %parallel_loop3A_590 : vector<16xf32>
      %parallel_loop3A_592 = arith.addf %parallel_loop3A_512, %parallel_loop3A_591 : vector<16xf32>
      %parallel_loop3A_593 = arith.constant 0 : i32
      %parallel_loop3A_594 = arith.constant 0 : i32
      %parallel_loop3A_595 = tpu.memref_slice %arg7[%parallel_loop3A_219, %parallel_loop3A_593, %parallel_loop3A_594] : memref<4x64x128xf32, #tpu.memory_space<vmem>> -> memref<1x64x128xf32, #tpu.memory_space<vmem>>
      %parallel_loop3A_596 = tpu.memref_squeeze %parallel_loop3A_595 : memref<1x64x128xf32, #tpu.memory_space<vmem>> -> memref<64x128xf32, #tpu.memory_space<vmem>>
      %parallel_loop3A_597 = arith.index_cast %parallel_loop3A_508 : i32 to index
      %parallel_loop3A_598 = arith.constant 64 : index
      %parallel_loop3A_599 = tpu.vector_load %parallel_loop3A_596[%parallel_loop3A_597, %parallel_loop3A_598] {strides = array<i32>} : memref<64x128xf32, #tpu.memory_space<vmem>>, vector<1x16xf32>,
      %parallel_loop3A_600 = vector.shape_cast %parallel_loop3A_599 : vector<1x16xf32> to vector<16xf32>
      %parallel_loop3A_601 = arith.constant 0 : i32
      %parallel_loop3A_602 = arith.constant 0 : i32
      %parallel_loop3A_603 = tpu.memref_slice %arg8[%parallel_loop3A_220, %parallel_loop3A_601, %parallel_loop3A_602] : memref<4x64x128xf32, #tpu.memory_space<vmem>> -> memref<1x64x128xf32, #tpu.memory_space<vmem>>
      %parallel_loop3A_604 = tpu.memref_squeeze %parallel_loop3A_603 : memref<1x64x128xf32, #tpu.memory_space<vmem>> -> memref<64x128xf32, #tpu.memory_space<vmem>>
      %parallel_loop3A_605 = arith.index_cast %parallel_loop3A_508 : i32 to index
      %parallel_loop3A_606 = arith.constant 64 : index
      %parallel_loop3A_607 = tpu.vector_load %parallel_loop3A_604[%parallel_loop3A_605, %parallel_loop3A_606] {strides = array<i32>} : memref<64x128xf32, #tpu.memory_space<vmem>>, vector<1x16xf32>,
      %parallel_loop3A_608 = vector.shape_cast %parallel_loop3A_607 : vector<1x16xf32> to vector<16xf32>
      %parallel_loop3A_609 = arith.subf %parallel_loop3A_600, %parallel_loop3A_608 : vector<16xf32>
      %parallel_loop3A_610 = arith.mulf %parallel_loop3A_609, %parallel_loop3A_609 : vector<16xf32>
      %parallel_loop3A_611 = arith.addf %parallel_loop3A_513, %parallel_loop3A_610 : vector<16xf32>
      %parallel_loop3A_612 = arith.constant 0 : i32
      %parallel_loop3A_613 = arith.constant 0 : i32
      %parallel_loop3A_614 = tpu.memref_slice %arg7[%parallel_loop3A_219, %parallel_loop3A_612, %parallel_loop3A_613] : memref<4x64x128xf32, #tpu.memory_space<vmem>> -> memref<1x64x128xf32, #tpu.memory_space<vmem>>
      %parallel_loop3A_615 = tpu.memref_squeeze %parallel_loop3A_614 : memref<1x64x128xf32, #tpu.memory_space<vmem>> -> memref<64x128xf32, #tpu.memory_space<vmem>>
      %parallel_loop3A_616 = arith.index_cast %parallel_loop3A_508 : i32 to index
      %parallel_loop3A_617 = arith.constant 80 : index
      %parallel_loop3A_618 = tpu.vector_load %parallel_loop3A_615[%parallel_loop3A_616, %parallel_loop3A_617] {strides = array<i32>} : memref<64x128xf32, #tpu.memory_space<vmem>>, vector<1x16xf32>,
      %parallel_loop3A_619 = vector.shape_cast %parallel_loop3A_618 : vector<1x16xf32> to vector<16xf32>
      %parallel_loop3A_620 = arith.constant 0 : i32
      %parallel_loop3A_621 = arith.constant 0 : i32
      %parallel_loop3A_622 = tpu.memref_slice %arg8[%parallel_loop3A_220, %parallel_loop3A_620, %parallel_loop3A_621] : memref<4x64x128xf32, #tpu.memory_space<vmem>> -> memref<1x64x128xf32, #tpu.memory_space<vmem>>
      %parallel_loop3A_623 = tpu.memref_squeeze %parallel_loop3A_622 : memref<1x64x128xf32, #tpu.memory_space<vmem>> -> memref<64x128xf32, #tpu.memory_space<vmem>>
      %parallel_loop3A_624 = arith.index_cast %parallel_loop3A_508 : i32 to index
      %parallel_loop3A_625 = arith.constant 80 : index
      %parallel_loop3A_626 = tpu.vector_load %parallel_loop3A_623[%parallel_loop3A_624, %parallel_loop3A_625] {strides = array<i32>} : memref<64x128xf32, #tpu.memory_space<vmem>>, vector<1x16xf32>,
      %parallel_loop3A_627 = vector.shape_cast %parallel_loop3A_626 : vector<1x16xf32> to vector<16xf32>
      %parallel_loop3A_628 = arith.subf %parallel_loop3A_619, %parallel_loop3A_627 : vector<16xf32>
      %parallel_loop3A_629 = arith.mulf %parallel_loop3A_628, %parallel_loop3A_628 : vector<16xf32>
      %parallel_loop3A_630 = arith.addf %parallel_loop3A_514, %parallel_loop3A_629 : vector<16xf32>
      %parallel_loop3A_631 = arith.constant 0 : i32
      %parallel_loop3A_632 = arith.constant 0 : i32
      %parallel_loop3A_633 = tpu.memref_slice %arg7[%parallel_loop3A_219, %parallel_loop3A_631, %parallel_loop3A_632] : memref<4x64x128xf32, #tpu.memory_space<vmem>> -> memref<1x64x128xf32, #tpu.memory_space<vmem>>
      %parallel_loop3A_634 = tpu.memref_squeeze %parallel_loop3A_633 : memref<1x64x128xf32, #tpu.memory_space<vmem>> -> memref<64x128xf32, #tpu.memory_space<vmem>>
      %parallel_loop3A_635 = arith.index_cast %parallel_loop3A_508 : i32 to index
      %parallel_loop3A_636 = arith.constant 96 : index
      %parallel_loop3A_637 = tpu.vector_load %parallel_loop3A_634[%parallel_loop3A_635, %parallel_loop3A_636] {strides = array<i32>} : memref<64x128xf32, #tpu.memory_space<vmem>>, vector<1x16xf32>,
      %parallel_loop3A_638 = vector.shape_cast %parallel_loop3A_637 : vector<1x16xf32> to vector<16xf32>
      %parallel_loop3A_639 = arith.constant 0 : i32
      %parallel_loop3A_640 = arith.constant 0 : i32
      %parallel_loop3A_641 = tpu.memref_slice %arg8[%parallel_loop3A_220, %parallel_loop3A_639, %parallel_loop3A_640] : memref<4x64x128xf32, #tpu.memory_space<vmem>> -> memref<1x64x128xf32, #tpu.memory_space<vmem>>
      %parallel_loop3A_642 = tpu.memref_squeeze %parallel_loop3A_641 : memref<1x64x128xf32, #tpu.memory_space<vmem>> -> memref<64x128xf32, #tpu.memory_space<vmem>>
      %parallel_loop3A_643 = arith.index_cast %parallel_loop3A_508 : i32 to index
      %parallel_loop3A_644 = arith.constant 96 : index
      %parallel_loop3A_645 = tpu.vector_load %parallel_loop3A_642[%parallel_loop3A_643, %parallel_loop3A_644] {strides = array<i32>} : memref<64x128xf32, #tpu.memory_space<vmem>>, vector<1x16xf32>,
      %parallel_loop3A_646 = vector.shape_cast %parallel_loop3A_645 : vector<1x16xf32> to vector<16xf32>
      %parallel_loop3A_647 = arith.subf %parallel_loop3A_638, %parallel_loop3A_646 : vector<16xf32>
      %parallel_loop3A_648 = arith.mulf %parallel_loop3A_647, %parallel_loop3A_647 : vector<16xf32>
      %parallel_loop3A_649 = arith.addf %parallel_loop3A_515, %parallel_loop3A_648 : vector<16xf32>
      %parallel_loop3A_650 = arith.constant 0 : i32
      %parallel_loop3A_651 = arith.constant 0 : i32
      %parallel_loop3A_652 = tpu.memref_slice %arg7[%parallel_loop3A_219, %parallel_loop3A_650, %parallel_loop3A_651] : memref<4x64x128xf32, #tpu.memory_space<vmem>> -> memref<1x64x128xf32, #tpu.memory_space<vmem>>
      %parallel_loop3A_653 = tpu.memref_squeeze %parallel_loop3A_652 : memref<1x64x128xf32, #tpu.memory_space<vmem>> -> memref<64x128xf32, #tpu.memory_space<vmem>>
      %parallel_loop3A_654 = arith.index_cast %parallel_loop3A_508 : i32 to index
      %parallel_loop3A_655 = arith.constant 112 : index
      %parallel_loop3A_656 = tpu.vector_load %parallel_loop3A_653[%parallel_loop3A_654, %parallel_loop3A_655] {strides = array<i32>} : memref<64x128xf32, #tpu.memory_space<vmem>>, vector<1x16xf32>,
      %parallel_loop3A_657 = vector.shape_cast %parallel_loop3A_656 : vector<1x16xf32> to vector<16xf32>
      %parallel_loop3A_658 = arith.constant 0 : i32
      %parallel_loop3A_659 = arith.constant 0 : i32
      %parallel_loop3A_660 = tpu.memref_slice %arg8[%parallel_loop3A_220, %parallel_loop3A_658, %parallel_loop3A_659] : memref<4x64x128xf32, #tpu.memory_space<vmem>> -> memref<1x64x128xf32, #tpu.memory_space<vmem>>
      %parallel_loop3A_661 = tpu.memref_squeeze %parallel_loop3A_660 : memref<1x64x128xf32, #tpu.memory_space<vmem>> -> memref<64x128xf32, #tpu.memory_space<vmem>>
      %parallel_loop3A_662 = arith.index_cast %parallel_loop3A_508 : i32 to index
      %parallel_loop3A_663 = arith.constant 112 : index
      %parallel_loop3A_664 = tpu.vector_load %parallel_loop3A_661[%parallel_loop3A_662, %parallel_loop3A_663] {strides = array<i32>} : memref<64x128xf32, #tpu.memory_space<vmem>>, vector<1x16xf32>,
      %parallel_loop3A_665 = vector.shape_cast %parallel_loop3A_664 : vector<1x16xf32> to vector<16xf32>
      %parallel_loop3A_666 = arith.subf %parallel_loop3A_657, %parallel_loop3A_665 : vector<16xf32>
      %parallel_loop3A_667 = arith.mulf %parallel_loop3A_666, %parallel_loop3A_666 : vector<16xf32>
      %parallel_loop3A_668 = arith.addf %parallel_loop3A_516, %parallel_loop3A_667 : vector<16xf32>
      scf.yield %parallel_loop3A_535, %parallel_loop3A_554, %parallel_loop3A_573, %parallel_loop3A_592, %parallel_loop3A_611, %parallel_loop3A_630, %parallel_loop3A_649, %parallel_loop3A_668 : vector<16xf32>, vector<16xf32>, vector<16xf32>, vector<16xf32>, vector<16xf32>, vector<16xf32>, vector<16xf32>, vector<16xf32>
    } {sc.loop_unroll_factor = 4 : i64, sc.parallel_access}
    %dma_wait3A_222 = arith.constant 2 : i32
    %dma_wait3A_223 = arith.constant 2 : i32
    %dma_wait3A_224 = arith.constant 0 : i32
    %dma_wait3A_225 = arith.constant 0 : i32
    %dma_wait3A_226 = tpu.memref_slice %arg8[%dma_wait3A_223, %dma_wait3A_224, %dma_wait3A_225] : memref<4x64x128xf32, #tpu.memory_space<vmem>> -> memref<1x64x128xf32, #tpu.memory_space<vmem>>
    %dma_wait3A_227 = tpu.memref_squeeze %dma_wait3A_226 : memref<1x64x128xf32, #tpu.memory_space<vmem>> -> memref<64x128xf32, #tpu.memory_space<vmem>>
    %dma_wait3A_228 = arith.constant 0 : i32
    %dma_wait3A_229 = tpu.memref_slice %arg6[%dma_wait3A_222, %dma_wait3A_228] : memref<8x64xi32, #tpu.memory_space<vmem>> -> memref<1x64xi32, #tpu.memory_space<vmem>>
    %dma_wait3A_230 = tpu.memref_squeeze %dma_wait3A_229 : memref<1x64xi32, #tpu.memory_space<vmem>> -> memref<64xi32, #tpu.memory_space<vmem>>
    %dma_wait3A_231 = arith.constant 0 : i32
    %dma_wait3A_232 = arith.constant 0 : i32
    %dma_wait3A_233 = tpu.memref_slice %arg4[%dma_wait3A_231, %dma_wait3A_232] : memref<100000x128xf32, #tpu.memory_space<hbm>> -> memref<100000x128xf32, #tpu.memory_space<hbm>>
    tpu.wait_indirect_dma semaphore(%arg12 : memref<!tpu.dma_semaphore, #tpu.memory_space<semaphore_mem>>) src(%dma_wait3A_233 : memref<100000x128xf32, #tpu.memory_space<hbm>>) dst(%dma_wait3A_227 : memref<64x128xf32, #tpu.memory_space<vmem>>)
    %dma_wait3A_234 = arith.constant 2 : i32
    %dma_wait3A_235 = arith.constant 0 : i32
    %dma_wait3A_236 = arith.constant 0 : i32
    %dma_wait3A_237 = tpu.memref_slice %arg7[%dma_wait3A_234, %dma_wait3A_235, %dma_wait3A_236] : memref<4x64x128xf32, #tpu.memory_space<vmem>> -> memref<1x64x128xf32, #tpu.memory_space<vmem>>
    %dma_wait3A_238 = tpu.memref_squeeze %dma_wait3A_237 : memref<1x64x128xf32, #tpu.memory_space<vmem>> -> memref<64x128xf32, #tpu.memory_space<vmem>>
    %dma_wait3A_239 = arith.constant 0 : i32
    %dma_wait3A_240 = tpu.memref_slice %arg2[%add3A_37, %dma_wait3A_239] : memref<16384x128xf32, #tpu.memory_space<hbm>> -> memref<64x128xf32, #tpu.memory_space<hbm>>
    %dma_wait3A_241 = arith.constant 0 : i32
    %dma_wait3A_242 = arith.constant 0 : i32
    %dma_wait3A_243 = tpu.memref_slice %arg7[%dma_wait3A_234, %dma_wait3A_241, %dma_wait3A_242] : memref<4x64x128xf32, #tpu.memory_space<vmem>> -> memref<1x64x128xf32, #tpu.memory_space<vmem>>
    %dma_wait3A_244 = tpu.memref_squeeze %dma_wait3A_243 : memref<1x64x128xf32, #tpu.memory_space<vmem>> -> memref<64x128xf32, #tpu.memory_space<vmem>>
    %dma_wait3A_245 = arith.constant 0 : i32
    %dma_wait3A_246 = tpu.memref_slice %arg2[%add3A_37, %dma_wait3A_245] : memref<16384x128xf32, #tpu.memory_space<hbm>> -> memref<64x128xf32, #tpu.memory_space<hbm>>
    tpu.wait_dma2 semaphore(%arg16 : memref<!tpu.dma_semaphore, #tpu.memory_space<semaphore_mem>>) src(%dma_wait3A_246 : memref<64x128xf32, #tpu.memory_space<hbm>>) dst(%dma_wait3A_244 : memref<64x128xf32, #tpu.memory_space<vmem>>)
    %dma_start3A_247 = arith.constant 5 : i32
    %dma_start3A_248 = arith.constant 1 : i32
    %dma_start3A_249 = arith.constant 0 : i32
    %dma_start3A_250 = arith.constant 0 : i32
    %dma_start3A_251 = tpu.memref_slice %arg8[%dma_start3A_248, %dma_start3A_249, %dma_start3A_250] : memref<4x64x128xf32, #tpu.memory_space<vmem>> -> memref<1x64x128xf32, #tpu.memory_space<vmem>>
    %dma_start3A_252 = tpu.memref_squeeze %dma_start3A_251 : memref<1x64x128xf32, #tpu.memory_space<vmem>> -> memref<64x128xf32, #tpu.memory_space<vmem>>
    %dma_start3A_253 = arith.constant 0 : i32
    %dma_start3A_254 = tpu.memref_slice %arg6[%dma_start3A_247, %dma_start3A_253] : memref<8x64xi32, #tpu.memory_space<vmem>> -> memref<1x64xi32, #tpu.memory_space<vmem>>
    %dma_start3A_255 = tpu.memref_squeeze %dma_start3A_254 : memref<1x64xi32, #tpu.memory_space<vmem>> -> memref<64xi32, #tpu.memory_space<vmem>>
    %dma_start3A_256 = arith.constant 0 : i32
    %dma_start3A_257 = arith.constant 0 : i32
    %dma_start3A_258 = tpu.memref_slice %arg4[%dma_start3A_256, %dma_start3A_257] : memref<100000x128xf32, #tpu.memory_space<hbm>> -> memref<100000x128xf32, #tpu.memory_space<hbm>>
    tpu.enqueue_indirect_dma source(%dma_start3A_258 : memref<100000x128xf32, #tpu.memory_space<hbm>>) target(%dma_start3A_252 : memref<64x128xf32, #tpu.memory_space<vmem>>) offsets(%dma_start3A_255 : memref<64xi32, #tpu.memory_space<vmem>>) semaphore(%arg11 : memref<!tpu.dma_semaphore, #tpu.memory_space<semaphore_mem>>)
    %mul3A_259 = arith.constant 512 : i32
    %mul3A_260 = arith.muli %add3A, %mul3A_259 : i32
    %add3A_261 = arith.constant 320 : i32
    %add3A_262 = arith.addi %mul3A_260, %add3A_261 : i32
    %dma_start3A_263 = arith.constant 1 : i32
    %dma_start3A_264 = arith.constant 0 : i32
    %dma_start3A_265 = arith.constant 0 : i32
    %dma_start3A_266 = tpu.memref_slice %arg7[%dma_start3A_263, %dma_start3A_264, %dma_start3A_265] : memref<4x64x128xf32, #tpu.memory_space<vmem>> -> memref<1x64x128xf32, #tpu.memory_space<vmem>>
    %dma_start3A_267 = tpu.memref_squeeze %dma_start3A_266 : memref<1x64x128xf32, #tpu.memory_space<vmem>> -> memref<64x128xf32, #tpu.memory_space<vmem>>
    %dma_start3A_268 = arith.constant 0 : i32
    %dma_start3A_269 = tpu.memref_slice %arg2[%add3A_262, %dma_start3A_268] : memref<16384x128xf32, #tpu.memory_space<hbm>> -> memref<64x128xf32, #tpu.memory_space<hbm>>
    %dma_start3A_270 = arith.constant 0 : i32
    %dma_start3A_271 = arith.constant 0 : i32
    %dma_start3A_272 = tpu.memref_slice %arg7[%dma_start3A_263, %dma_start3A_270, %dma_start3A_271] : memref<4x64x128xf32, #tpu.memory_space<vmem>> -> memref<1x64x128xf32, #tpu.memory_space<vmem>>
    %dma_start3A_273 = tpu.memref_squeeze %dma_start3A_272 : memref<1x64x128xf32, #tpu.memory_space<vmem>> -> memref<64x128xf32, #tpu.memory_space<vmem>>
    %dma_start3A_274 = arith.constant 0 : i32
    %dma_start3A_275 = tpu.memref_slice %arg2[%add3A_262, %dma_start3A_274] : memref<16384x128xf32, #tpu.memory_space<hbm>> -> memref<64x128xf32, #tpu.memory_space<hbm>>
    tpu.enqueue_dma source(%dma_start3A_275 : memref<64x128xf32, #tpu.memory_space<hbm>>) target(%dma_start3A_273 : memref<64x128xf32, #tpu.memory_space<vmem>>) target_semaphore(%arg15 : memref<!tpu.dma_semaphore, #tpu.memory_space<semaphore_mem>>)
    %parallel_loop3A_276 = arith.constant 0 : i32
    %parallel_loop3A_277 = arith.constant 64 : i32
    %parallel_loop3A_278 = arith.constant 1 : i32
    %parallel_loop3A_279 = arith.constant 2 : i32
    %parallel_loop3A_280 = arith.constant 2 : i32
    %parallel_loop3A_281:8 = scf.for %parallel_loop3A_508 = %parallel_loop3A_276 to %parallel_loop3A_277 step %parallel_loop3A_278 iter_args(%parallel_loop3A_509 = %parallel_loop3A_221#0, %parallel_loop3A_510 = %parallel_loop3A_221#1, %parallel_loop3A_511 = %parallel_loop3A_221#2, %parallel_loop3A_512 = %parallel_loop3A_221#3, %parallel_loop3A_513 = %parallel_loop3A_221#4, %parallel_loop3A_514 = %parallel_loop3A_221#5, %parallel_loop3A_515 = %parallel_loop3A_221#6, %parallel_loop3A_516 = %parallel_loop3A_221#7) -> (vector<16xf32>, vector<16xf32>, vector<16xf32>, vector<16xf32>, vector<16xf32>, vector<16xf32>, vector<16xf32>, vector<16xf32>)  : i32 {
      %parallel_loop3A_517 = arith.constant 0 : i32
      %parallel_loop3A_518 = arith.constant 0 : i32
      %parallel_loop3A_519 = tpu.memref_slice %arg7[%parallel_loop3A_279, %parallel_loop3A_517, %parallel_loop3A_518] : memref<4x64x128xf32, #tpu.memory_space<vmem>> -> memref<1x64x128xf32, #tpu.memory_space<vmem>>
      %parallel_loop3A_520 = tpu.memref_squeeze %parallel_loop3A_519 : memref<1x64x128xf32, #tpu.memory_space<vmem>> -> memref<64x128xf32, #tpu.memory_space<vmem>>
      %parallel_loop3A_521 = arith.index_cast %parallel_loop3A_508 : i32 to index
      %parallel_loop3A_522 = arith.constant 0 : index
      %parallel_loop3A_523 = tpu.vector_load %parallel_loop3A_520[%parallel_loop3A_521, %parallel_loop3A_522] {strides = array<i32>} : memref<64x128xf32, #tpu.memory_space<vmem>>, vector<1x16xf32>,
      %parallel_loop3A_524 = vector.shape_cast %parallel_loop3A_523 : vector<1x16xf32> to vector<16xf32>
      %parallel_loop3A_525 = arith.constant 0 : i32
      %parallel_loop3A_526 = arith.constant 0 : i32
      %parallel_loop3A_527 = tpu.memref_slice %arg8[%parallel_loop3A_280, %parallel_loop3A_525, %parallel_loop3A_526] : memref<4x64x128xf32, #tpu.memory_space<vmem>> -> memref<1x64x128xf32, #tpu.memory_space<vmem>>
      %parallel_loop3A_528 = tpu.memref_squeeze %parallel_loop3A_527 : memref<1x64x128xf32, #tpu.memory_space<vmem>> -> memref<64x128xf32, #tpu.memory_space<vmem>>
      %parallel_loop3A_529 = arith.index_cast %parallel_loop3A_508 : i32 to index
      %parallel_loop3A_530 = arith.constant 0 : index
      %parallel_loop3A_531 = tpu.vector_load %parallel_loop3A_528[%parallel_loop3A_529, %parallel_loop3A_530] {strides = array<i32>} : memref<64x128xf32, #tpu.memory_space<vmem>>, vector<1x16xf32>,
      %parallel_loop3A_532 = vector.shape_cast %parallel_loop3A_531 : vector<1x16xf32> to vector<16xf32>
      %parallel_loop3A_533 = arith.subf %parallel_loop3A_524, %parallel_loop3A_532 : vector<16xf32>
      %parallel_loop3A_534 = arith.mulf %parallel_loop3A_533, %parallel_loop3A_533 : vector<16xf32>
      %parallel_loop3A_535 = arith.addf %parallel_loop3A_509, %parallel_loop3A_534 : vector<16xf32>
      %parallel_loop3A_536 = arith.constant 0 : i32
      %parallel_loop3A_537 = arith.constant 0 : i32
      %parallel_loop3A_538 = tpu.memref_slice %arg7[%parallel_loop3A_279, %parallel_loop3A_536, %parallel_loop3A_537] : memref<4x64x128xf32, #tpu.memory_space<vmem>> -> memref<1x64x128xf32, #tpu.memory_space<vmem>>
      %parallel_loop3A_539 = tpu.memref_squeeze %parallel_loop3A_538 : memref<1x64x128xf32, #tpu.memory_space<vmem>> -> memref<64x128xf32, #tpu.memory_space<vmem>>
      %parallel_loop3A_540 = arith.index_cast %parallel_loop3A_508 : i32 to index
      %parallel_loop3A_541 = arith.constant 16 : index
      %parallel_loop3A_542 = tpu.vector_load %parallel_loop3A_539[%parallel_loop3A_540, %parallel_loop3A_541] {strides = array<i32>} : memref<64x128xf32, #tpu.memory_space<vmem>>, vector<1x16xf32>,
      %parallel_loop3A_543 = vector.shape_cast %parallel_loop3A_542 : vector<1x16xf32> to vector<16xf32>
      %parallel_loop3A_544 = arith.constant 0 : i32
      %parallel_loop3A_545 = arith.constant 0 : i32
      %parallel_loop3A_546 = tpu.memref_slice %arg8[%parallel_loop3A_280, %parallel_loop3A_544, %parallel_loop3A_545] : memref<4x64x128xf32, #tpu.memory_space<vmem>> -> memref<1x64x128xf32, #tpu.memory_space<vmem>>
      %parallel_loop3A_547 = tpu.memref_squeeze %parallel_loop3A_546 : memref<1x64x128xf32, #tpu.memory_space<vmem>> -> memref<64x128xf32, #tpu.memory_space<vmem>>
      %parallel_loop3A_548 = arith.index_cast %parallel_loop3A_508 : i32 to index
      %parallel_loop3A_549 = arith.constant 16 : index
      %parallel_loop3A_550 = tpu.vector_load %parallel_loop3A_547[%parallel_loop3A_548, %parallel_loop3A_549] {strides = array<i32>} : memref<64x128xf32, #tpu.memory_space<vmem>>, vector<1x16xf32>,
      %parallel_loop3A_551 = vector.shape_cast %parallel_loop3A_550 : vector<1x16xf32> to vector<16xf32>
      %parallel_loop3A_552 = arith.subf %parallel_loop3A_543, %parallel_loop3A_551 : vector<16xf32>
      %parallel_loop3A_553 = arith.mulf %parallel_loop3A_552, %parallel_loop3A_552 : vector<16xf32>
      %parallel_loop3A_554 = arith.addf %parallel_loop3A_510, %parallel_loop3A_553 : vector<16xf32>
      %parallel_loop3A_555 = arith.constant 0 : i32
      %parallel_loop3A_556 = arith.constant 0 : i32
      %parallel_loop3A_557 = tpu.memref_slice %arg7[%parallel_loop3A_279, %parallel_loop3A_555, %parallel_loop3A_556] : memref<4x64x128xf32, #tpu.memory_space<vmem>> -> memref<1x64x128xf32, #tpu.memory_space<vmem>>
      %parallel_loop3A_558 = tpu.memref_squeeze %parallel_loop3A_557 : memref<1x64x128xf32, #tpu.memory_space<vmem>> -> memref<64x128xf32, #tpu.memory_space<vmem>>
      %parallel_loop3A_559 = arith.index_cast %parallel_loop3A_508 : i32 to index
      %parallel_loop3A_560 = arith.constant 32 : index
      %parallel_loop3A_561 = tpu.vector_load %parallel_loop3A_558[%parallel_loop3A_559, %parallel_loop3A_560] {strides = array<i32>} : memref<64x128xf32, #tpu.memory_space<vmem>>, vector<1x16xf32>,
      %parallel_loop3A_562 = vector.shape_cast %parallel_loop3A_561 : vector<1x16xf32> to vector<16xf32>
      %parallel_loop3A_563 = arith.constant 0 : i32
      %parallel_loop3A_564 = arith.constant 0 : i32
      %parallel_loop3A_565 = tpu.memref_slice %arg8[%parallel_loop3A_280, %parallel_loop3A_563, %parallel_loop3A_564] : memref<4x64x128xf32, #tpu.memory_space<vmem>> -> memref<1x64x128xf32, #tpu.memory_space<vmem>>
      %parallel_loop3A_566 = tpu.memref_squeeze %parallel_loop3A_565 : memref<1x64x128xf32, #tpu.memory_space<vmem>> -> memref<64x128xf32, #tpu.memory_space<vmem>>
      %parallel_loop3A_567 = arith.index_cast %parallel_loop3A_508 : i32 to index
      %parallel_loop3A_568 = arith.constant 32 : index
      %parallel_loop3A_569 = tpu.vector_load %parallel_loop3A_566[%parallel_loop3A_567, %parallel_loop3A_568] {strides = array<i32>} : memref<64x128xf32, #tpu.memory_space<vmem>>, vector<1x16xf32>,
      %parallel_loop3A_570 = vector.shape_cast %parallel_loop3A_569 : vector<1x16xf32> to vector<16xf32>
      %parallel_loop3A_571 = arith.subf %parallel_loop3A_562, %parallel_loop3A_570 : vector<16xf32>
      %parallel_loop3A_572 = arith.mulf %parallel_loop3A_571, %parallel_loop3A_571 : vector<16xf32>
      %parallel_loop3A_573 = arith.addf %parallel_loop3A_511, %parallel_loop3A_572 : vector<16xf32>
      %parallel_loop3A_574 = arith.constant 0 : i32
      %parallel_loop3A_575 = arith.constant 0 : i32
      %parallel_loop3A_576 = tpu.memref_slice %arg7[%parallel_loop3A_279, %parallel_loop3A_574, %parallel_loop3A_575] : memref<4x64x128xf32, #tpu.memory_space<vmem>> -> memref<1x64x128xf32, #tpu.memory_space<vmem>>
      %parallel_loop3A_577 = tpu.memref_squeeze %parallel_loop3A_576 : memref<1x64x128xf32, #tpu.memory_space<vmem>> -> memref<64x128xf32, #tpu.memory_space<vmem>>
      %parallel_loop3A_578 = arith.index_cast %parallel_loop3A_508 : i32 to index
      %parallel_loop3A_579 = arith.constant 48 : index
      %parallel_loop3A_580 = tpu.vector_load %parallel_loop3A_577[%parallel_loop3A_578, %parallel_loop3A_579] {strides = array<i32>} : memref<64x128xf32, #tpu.memory_space<vmem>>, vector<1x16xf32>,
      %parallel_loop3A_581 = vector.shape_cast %parallel_loop3A_580 : vector<1x16xf32> to vector<16xf32>
      %parallel_loop3A_582 = arith.constant 0 : i32
      %parallel_loop3A_583 = arith.constant 0 : i32
      %parallel_loop3A_584 = tpu.memref_slice %arg8[%parallel_loop3A_280, %parallel_loop3A_582, %parallel_loop3A_583] : memref<4x64x128xf32, #tpu.memory_space<vmem>> -> memref<1x64x128xf32, #tpu.memory_space<vmem>>
      %parallel_loop3A_585 = tpu.memref_squeeze %parallel_loop3A_584 : memref<1x64x128xf32, #tpu.memory_space<vmem>> -> memref<64x128xf32, #tpu.memory_space<vmem>>
      %parallel_loop3A_586 = arith.index_cast %parallel_loop3A_508 : i32 to index
      %parallel_loop3A_587 = arith.constant 48 : index
      %parallel_loop3A_588 = tpu.vector_load %parallel_loop3A_585[%parallel_loop3A_586, %parallel_loop3A_587] {strides = array<i32>} : memref<64x128xf32, #tpu.memory_space<vmem>>, vector<1x16xf32>,
      %parallel_loop3A_589 = vector.shape_cast %parallel_loop3A_588 : vector<1x16xf32> to vector<16xf32>
      %parallel_loop3A_590 = arith.subf %parallel_loop3A_581, %parallel_loop3A_589 : vector<16xf32>
      %parallel_loop3A_591 = arith.mulf %parallel_loop3A_590, %parallel_loop3A_590 : vector<16xf32>
      %parallel_loop3A_592 = arith.addf %parallel_loop3A_512, %parallel_loop3A_591 : vector<16xf32>
      %parallel_loop3A_593 = arith.constant 0 : i32
      %parallel_loop3A_594 = arith.constant 0 : i32
      %parallel_loop3A_595 = tpu.memref_slice %arg7[%parallel_loop3A_279, %parallel_loop3A_593, %parallel_loop3A_594] : memref<4x64x128xf32, #tpu.memory_space<vmem>> -> memref<1x64x128xf32, #tpu.memory_space<vmem>>
      %parallel_loop3A_596 = tpu.memref_squeeze %parallel_loop3A_595 : memref<1x64x128xf32, #tpu.memory_space<vmem>> -> memref<64x128xf32, #tpu.memory_space<vmem>>
      %parallel_loop3A_597 = arith.index_cast %parallel_loop3A_508 : i32 to index
      %parallel_loop3A_598 = arith.constant 64 : index
      %parallel_loop3A_599 = tpu.vector_load %parallel_loop3A_596[%parallel_loop3A_597, %parallel_loop3A_598] {strides = array<i32>} : memref<64x128xf32, #tpu.memory_space<vmem>>, vector<1x16xf32>,
      %parallel_loop3A_600 = vector.shape_cast %parallel_loop3A_599 : vector<1x16xf32> to vector<16xf32>
      %parallel_loop3A_601 = arith.constant 0 : i32
      %parallel_loop3A_602 = arith.constant 0 : i32
      %parallel_loop3A_603 = tpu.memref_slice %arg8[%parallel_loop3A_280, %parallel_loop3A_601, %parallel_loop3A_602] : memref<4x64x128xf32, #tpu.memory_space<vmem>> -> memref<1x64x128xf32, #tpu.memory_space<vmem>>
      %parallel_loop3A_604 = tpu.memref_squeeze %parallel_loop3A_603 : memref<1x64x128xf32, #tpu.memory_space<vmem>> -> memref<64x128xf32, #tpu.memory_space<vmem>>
      %parallel_loop3A_605 = arith.index_cast %parallel_loop3A_508 : i32 to index
      %parallel_loop3A_606 = arith.constant 64 : index
      %parallel_loop3A_607 = tpu.vector_load %parallel_loop3A_604[%parallel_loop3A_605, %parallel_loop3A_606] {strides = array<i32>} : memref<64x128xf32, #tpu.memory_space<vmem>>, vector<1x16xf32>,
      %parallel_loop3A_608 = vector.shape_cast %parallel_loop3A_607 : vector<1x16xf32> to vector<16xf32>
      %parallel_loop3A_609 = arith.subf %parallel_loop3A_600, %parallel_loop3A_608 : vector<16xf32>
      %parallel_loop3A_610 = arith.mulf %parallel_loop3A_609, %parallel_loop3A_609 : vector<16xf32>
      %parallel_loop3A_611 = arith.addf %parallel_loop3A_513, %parallel_loop3A_610 : vector<16xf32>
      %parallel_loop3A_612 = arith.constant 0 : i32
      %parallel_loop3A_613 = arith.constant 0 : i32
      %parallel_loop3A_614 = tpu.memref_slice %arg7[%parallel_loop3A_279, %parallel_loop3A_612, %parallel_loop3A_613] : memref<4x64x128xf32, #tpu.memory_space<vmem>> -> memref<1x64x128xf32, #tpu.memory_space<vmem>>
      %parallel_loop3A_615 = tpu.memref_squeeze %parallel_loop3A_614 : memref<1x64x128xf32, #tpu.memory_space<vmem>> -> memref<64x128xf32, #tpu.memory_space<vmem>>
      %parallel_loop3A_616 = arith.index_cast %parallel_loop3A_508 : i32 to index
      %parallel_loop3A_617 = arith.constant 80 : index
      %parallel_loop3A_618 = tpu.vector_load %parallel_loop3A_615[%parallel_loop3A_616, %parallel_loop3A_617] {strides = array<i32>} : memref<64x128xf32, #tpu.memory_space<vmem>>, vector<1x16xf32>,
      %parallel_loop3A_619 = vector.shape_cast %parallel_loop3A_618 : vector<1x16xf32> to vector<16xf32>
      %parallel_loop3A_620 = arith.constant 0 : i32
      %parallel_loop3A_621 = arith.constant 0 : i32
      %parallel_loop3A_622 = tpu.memref_slice %arg8[%parallel_loop3A_280, %parallel_loop3A_620, %parallel_loop3A_621] : memref<4x64x128xf32, #tpu.memory_space<vmem>> -> memref<1x64x128xf32, #tpu.memory_space<vmem>>
      %parallel_loop3A_623 = tpu.memref_squeeze %parallel_loop3A_622 : memref<1x64x128xf32, #tpu.memory_space<vmem>> -> memref<64x128xf32, #tpu.memory_space<vmem>>
      %parallel_loop3A_624 = arith.index_cast %parallel_loop3A_508 : i32 to index
      %parallel_loop3A_625 = arith.constant 80 : index
      %parallel_loop3A_626 = tpu.vector_load %parallel_loop3A_623[%parallel_loop3A_624, %parallel_loop3A_625] {strides = array<i32>} : memref<64x128xf32, #tpu.memory_space<vmem>>, vector<1x16xf32>,
      %parallel_loop3A_627 = vector.shape_cast %parallel_loop3A_626 : vector<1x16xf32> to vector<16xf32>
      %parallel_loop3A_628 = arith.subf %parallel_loop3A_619, %parallel_loop3A_627 : vector<16xf32>
      %parallel_loop3A_629 = arith.mulf %parallel_loop3A_628, %parallel_loop3A_628 : vector<16xf32>
      %parallel_loop3A_630 = arith.addf %parallel_loop3A_514, %parallel_loop3A_629 : vector<16xf32>
      %parallel_loop3A_631 = arith.constant 0 : i32
      %parallel_loop3A_632 = arith.constant 0 : i32
      %parallel_loop3A_633 = tpu.memref_slice %arg7[%parallel_loop3A_279, %parallel_loop3A_631, %parallel_loop3A_632] : memref<4x64x128xf32, #tpu.memory_space<vmem>> -> memref<1x64x128xf32, #tpu.memory_space<vmem>>
      %parallel_loop3A_634 = tpu.memref_squeeze %parallel_loop3A_633 : memref<1x64x128xf32, #tpu.memory_space<vmem>> -> memref<64x128xf32, #tpu.memory_space<vmem>>
      %parallel_loop3A_635 = arith.index_cast %parallel_loop3A_508 : i32 to index
      %parallel_loop3A_636 = arith.constant 96 : index
      %parallel_loop3A_637 = tpu.vector_load %parallel_loop3A_634[%parallel_loop3A_635, %parallel_loop3A_636] {strides = array<i32>} : memref<64x128xf32, #tpu.memory_space<vmem>>, vector<1x16xf32>,
      %parallel_loop3A_638 = vector.shape_cast %parallel_loop3A_637 : vector<1x16xf32> to vector<16xf32>
      %parallel_loop3A_639 = arith.constant 0 : i32
      %parallel_loop3A_640 = arith.constant 0 : i32
      %parallel_loop3A_641 = tpu.memref_slice %arg8[%parallel_loop3A_280, %parallel_loop3A_639, %parallel_loop3A_640] : memref<4x64x128xf32, #tpu.memory_space<vmem>> -> memref<1x64x128xf32, #tpu.memory_space<vmem>>
      %parallel_loop3A_642 = tpu.memref_squeeze %parallel_loop3A_641 : memref<1x64x128xf32, #tpu.memory_space<vmem>> -> memref<64x128xf32, #tpu.memory_space<vmem>>
      %parallel_loop3A_643 = arith.index_cast %parallel_loop3A_508 : i32 to index
      %parallel_loop3A_644 = arith.constant 96 : index
      %parallel_loop3A_645 = tpu.vector_load %parallel_loop3A_642[%parallel_loop3A_643, %parallel_loop3A_644] {strides = array<i32>} : memref<64x128xf32, #tpu.memory_space<vmem>>, vector<1x16xf32>,
      %parallel_loop3A_646 = vector.shape_cast %parallel_loop3A_645 : vector<1x16xf32> to vector<16xf32>
      %parallel_loop3A_647 = arith.subf %parallel_loop3A_638, %parallel_loop3A_646 : vector<16xf32>
      %parallel_loop3A_648 = arith.mulf %parallel_loop3A_647, %parallel_loop3A_647 : vector<16xf32>
      %parallel_loop3A_649 = arith.addf %parallel_loop3A_515, %parallel_loop3A_648 : vector<16xf32>
      %parallel_loop3A_650 = arith.constant 0 : i32
      %parallel_loop3A_651 = arith.constant 0 : i32
      %parallel_loop3A_652 = tpu.memref_slice %arg7[%parallel_loop3A_279, %parallel_loop3A_650, %parallel_loop3A_651] : memref<4x64x128xf32, #tpu.memory_space<vmem>> -> memref<1x64x128xf32, #tpu.memory_space<vmem>>
      %parallel_loop3A_653 = tpu.memref_squeeze %parallel_loop3A_652 : memref<1x64x128xf32, #tpu.memory_space<vmem>> -> memref<64x128xf32, #tpu.memory_space<vmem>>
      %parallel_loop3A_654 = arith.index_cast %parallel_loop3A_508 : i32 to index
      %parallel_loop3A_655 = arith.constant 112 : index
      %parallel_loop3A_656 = tpu.vector_load %parallel_loop3A_653[%parallel_loop3A_654, %parallel_loop3A_655] {strides = array<i32>} : memref<64x128xf32, #tpu.memory_space<vmem>>, vector<1x16xf32>,
      %parallel_loop3A_657 = vector.shape_cast %parallel_loop3A_656 : vector<1x16xf32> to vector<16xf32>
      %parallel_loop3A_658 = arith.constant 0 : i32
      %parallel_loop3A_659 = arith.constant 0 : i32
      %parallel_loop3A_660 = tpu.memref_slice %arg8[%parallel_loop3A_280, %parallel_loop3A_658, %parallel_loop3A_659] : memref<4x64x128xf32, #tpu.memory_space<vmem>> -> memref<1x64x128xf32, #tpu.memory_space<vmem>>
      %parallel_loop3A_661 = tpu.memref_squeeze %parallel_loop3A_660 : memref<1x64x128xf32, #tpu.memory_space<vmem>> -> memref<64x128xf32, #tpu.memory_space<vmem>>
      %parallel_loop3A_662 = arith.index_cast %parallel_loop3A_508 : i32 to index
      %parallel_loop3A_663 = arith.constant 112 : index
      %parallel_loop3A_664 = tpu.vector_load %parallel_loop3A_661[%parallel_loop3A_662, %parallel_loop3A_663] {strides = array<i32>} : memref<64x128xf32, #tpu.memory_space<vmem>>, vector<1x16xf32>,
      %parallel_loop3A_665 = vector.shape_cast %parallel_loop3A_664 : vector<1x16xf32> to vector<16xf32>
      %parallel_loop3A_666 = arith.subf %parallel_loop3A_657, %parallel_loop3A_665 : vector<16xf32>
      %parallel_loop3A_667 = arith.mulf %parallel_loop3A_666, %parallel_loop3A_666 : vector<16xf32>
      %parallel_loop3A_668 = arith.addf %parallel_loop3A_516, %parallel_loop3A_667 : vector<16xf32>
      scf.yield %parallel_loop3A_535, %parallel_loop3A_554, %parallel_loop3A_573, %parallel_loop3A_592, %parallel_loop3A_611, %parallel_loop3A_630, %parallel_loop3A_649, %parallel_loop3A_668 : vector<16xf32>, vector<16xf32>, vector<16xf32>, vector<16xf32>, vector<16xf32>, vector<16xf32>, vector<16xf32>, vector<16xf32>
    } {sc.loop_unroll_factor = 4 : i64, sc.parallel_access}
    %dma_wait3A_282 = arith.constant 3 : i32
    %dma_wait3A_283 = arith.constant 3 : i32
    %dma_wait3A_284 = arith.constant 0 : i32
    %dma_wait3A_285 = arith.constant 0 : i32
    %dma_wait3A_286 = tpu.memref_slice %arg8[%dma_wait3A_283, %dma_wait3A_284, %dma_wait3A_285] : memref<4x64x128xf32, #tpu.memory_space<vmem>> -> memref<1x64x128xf32, #tpu.memory_space<vmem>>
    %dma_wait3A_287 = tpu.memref_squeeze %dma_wait3A_286 : memref<1x64x128xf32, #tpu.memory_space<vmem>> -> memref<64x128xf32, #tpu.memory_space<vmem>>
    %dma_wait3A_288 = arith.constant 0 : i32
    %dma_wait3A_289 = tpu.memref_slice %arg6[%dma_wait3A_282, %dma_wait3A_288] : memref<8x64xi32, #tpu.memory_space<vmem>> -> memref<1x64xi32, #tpu.memory_space<vmem>>
    %dma_wait3A_290 = tpu.memref_squeeze %dma_wait3A_289 : memref<1x64xi32, #tpu.memory_space<vmem>> -> memref<64xi32, #tpu.memory_space<vmem>>
    %dma_wait3A_291 = arith.constant 0 : i32
    %dma_wait3A_292 = arith.constant 0 : i32
    %dma_wait3A_293 = tpu.memref_slice %arg4[%dma_wait3A_291, %dma_wait3A_292] : memref<100000x128xf32, #tpu.memory_space<hbm>> -> memref<100000x128xf32, #tpu.memory_space<hbm>>
    tpu.wait_indirect_dma semaphore(%arg13 : memref<!tpu.dma_semaphore, #tpu.memory_space<semaphore_mem>>) src(%dma_wait3A_293 : memref<100000x128xf32, #tpu.memory_space<hbm>>) dst(%dma_wait3A_287 : memref<64x128xf32, #tpu.memory_space<vmem>>)
    %dma_wait3A_294 = arith.constant 3 : i32
    %dma_wait3A_295 = arith.constant 0 : i32
    %dma_wait3A_296 = arith.constant 0 : i32
    %dma_wait3A_297 = tpu.memref_slice %arg7[%dma_wait3A_294, %dma_wait3A_295, %dma_wait3A_296] : memref<4x64x128xf32, #tpu.memory_space<vmem>> -> memref<1x64x128xf32, #tpu.memory_space<vmem>>
    %dma_wait3A_298 = tpu.memref_squeeze %dma_wait3A_297 : memref<1x64x128xf32, #tpu.memory_space<vmem>> -> memref<64x128xf32, #tpu.memory_space<vmem>>
    %dma_wait3A_299 = arith.constant 0 : i32
    %dma_wait3A_300 = tpu.memref_slice %arg2[%add3A_143, %dma_wait3A_299] : memref<16384x128xf32, #tpu.memory_space<hbm>> -> memref<64x128xf32, #tpu.memory_space<hbm>>
    %dma_wait3A_301 = arith.constant 0 : i32
    %dma_wait3A_302 = arith.constant 0 : i32
    %dma_wait3A_303 = tpu.memref_slice %arg7[%dma_wait3A_294, %dma_wait3A_301, %dma_wait3A_302] : memref<4x64x128xf32, #tpu.memory_space<vmem>> -> memref<1x64x128xf32, #tpu.memory_space<vmem>>
    %dma_wait3A_304 = tpu.memref_squeeze %dma_wait3A_303 : memref<1x64x128xf32, #tpu.memory_space<vmem>> -> memref<64x128xf32, #tpu.memory_space<vmem>>
    %dma_wait3A_305 = arith.constant 0 : i32
    %dma_wait3A_306 = tpu.memref_slice %arg2[%add3A_143, %dma_wait3A_305] : memref<16384x128xf32, #tpu.memory_space<hbm>> -> memref<64x128xf32, #tpu.memory_space<hbm>>
    tpu.wait_dma2 semaphore(%arg17 : memref<!tpu.dma_semaphore, #tpu.memory_space<semaphore_mem>>) src(%dma_wait3A_306 : memref<64x128xf32, #tpu.memory_space<hbm>>) dst(%dma_wait3A_304 : memref<64x128xf32, #tpu.memory_space<vmem>>)
    %dma_start3A_307 = arith.constant 6 : i32
    %dma_start3A_308 = arith.constant 2 : i32
    %dma_start3A_309 = arith.constant 0 : i32
    %dma_start3A_310 = arith.constant 0 : i32
    %dma_start3A_311 = tpu.memref_slice %arg8[%dma_start3A_308, %dma_start3A_309, %dma_start3A_310] : memref<4x64x128xf32, #tpu.memory_space<vmem>> -> memref<1x64x128xf32, #tpu.memory_space<vmem>>
    %dma_start3A_312 = tpu.memref_squeeze %dma_start3A_311 : memref<1x64x128xf32, #tpu.memory_space<vmem>> -> memref<64x128xf32, #tpu.memory_space<vmem>>
    %dma_start3A_313 = arith.constant 0 : i32
    %dma_start3A_314 = tpu.memref_slice %arg6[%dma_start3A_307, %dma_start3A_313] : memref<8x64xi32, #tpu.memory_space<vmem>> -> memref<1x64xi32, #tpu.memory_space<vmem>>
    %dma_start3A_315 = tpu.memref_squeeze %dma_start3A_314 : memref<1x64xi32, #tpu.memory_space<vmem>> -> memref<64xi32, #tpu.memory_space<vmem>>
    %dma_start3A_316 = arith.constant 0 : i32
    %dma_start3A_317 = arith.constant 0 : i32
    %dma_start3A_318 = tpu.memref_slice %arg4[%dma_start3A_316, %dma_start3A_317] : memref<100000x128xf32, #tpu.memory_space<hbm>> -> memref<100000x128xf32, #tpu.memory_space<hbm>>
    tpu.enqueue_indirect_dma source(%dma_start3A_318 : memref<100000x128xf32, #tpu.memory_space<hbm>>) target(%dma_start3A_312 : memref<64x128xf32, #tpu.memory_space<vmem>>) offsets(%dma_start3A_315 : memref<64xi32, #tpu.memory_space<vmem>>) semaphore(%arg12 : memref<!tpu.dma_semaphore, #tpu.memory_space<semaphore_mem>>)
    %mul3A_319 = arith.constant 512 : i32
    %mul3A_320 = arith.muli %add3A, %mul3A_319 : i32
    %add3A_321 = arith.constant 384 : i32
    %add3A_322 = arith.addi %mul3A_320, %add3A_321 : i32
    %dma_start3A_323 = arith.constant 2 : i32
    %dma_start3A_324 = arith.constant 0 : i32
    %dma_start3A_325 = arith.constant 0 : i32
    %dma_start3A_326 = tpu.memref_slice %arg7[%dma_start3A_323, %dma_start3A_324, %dma_start3A_325] : memref<4x64x128xf32, #tpu.memory_space<vmem>> -> memref<1x64x128xf32, #tpu.memory_space<vmem>>
    %dma_start3A_327 = tpu.memref_squeeze %dma_start3A_326 : memref<1x64x128xf32, #tpu.memory_space<vmem>> -> memref<64x128xf32, #tpu.memory_space<vmem>>
    %dma_start3A_328 = arith.constant 0 : i32
    %dma_start3A_329 = tpu.memref_slice %arg2[%add3A_322, %dma_start3A_328] : memref<16384x128xf32, #tpu.memory_space<hbm>> -> memref<64x128xf32, #tpu.memory_space<hbm>>
    %dma_start3A_330 = arith.constant 0 : i32
    %dma_start3A_331 = arith.constant 0 : i32
    %dma_start3A_332 = tpu.memref_slice %arg7[%dma_start3A_323, %dma_start3A_330, %dma_start3A_331] : memref<4x64x128xf32, #tpu.memory_space<vmem>> -> memref<1x64x128xf32, #tpu.memory_space<vmem>>
    %dma_start3A_333 = tpu.memref_squeeze %dma_start3A_332 : memref<1x64x128xf32, #tpu.memory_space<vmem>> -> memref<64x128xf32, #tpu.memory_space<vmem>>
    %dma_start3A_334 = arith.constant 0 : i32
    %dma_start3A_335 = tpu.memref_slice %arg2[%add3A_322, %dma_start3A_334] : memref<16384x128xf32, #tpu.memory_space<hbm>> -> memref<64x128xf32, #tpu.memory_space<hbm>>
    tpu.enqueue_dma source(%dma_start3A_335 : memref<64x128xf32, #tpu.memory_space<hbm>>) target(%dma_start3A_333 : memref<64x128xf32, #tpu.memory_space<vmem>>) target_semaphore(%arg16 : memref<!tpu.dma_semaphore, #tpu.memory_space<semaphore_mem>>)
    %parallel_loop3A_336 = arith.constant 0 : i32
    %parallel_loop3A_337 = arith.constant 64 : i32
    %parallel_loop3A_338 = arith.constant 1 : i32
    %parallel_loop3A_339 = arith.constant 3 : i32
    %parallel_loop3A_340 = arith.constant 3 : i32
    %parallel_loop3A_341:8 = scf.for %parallel_loop3A_508 = %parallel_loop3A_336 to %parallel_loop3A_337 step %parallel_loop3A_338 iter_args(%parallel_loop3A_509 = %parallel_loop3A_281#0, %parallel_loop3A_510 = %parallel_loop3A_281#1, %parallel_loop3A_511 = %parallel_loop3A_281#2, %parallel_loop3A_512 = %parallel_loop3A_281#3, %parallel_loop3A_513 = %parallel_loop3A_281#4, %parallel_loop3A_514 = %parallel_loop3A_281#5, %parallel_loop3A_515 = %parallel_loop3A_281#6, %parallel_loop3A_516 = %parallel_loop3A_281#7) -> (vector<16xf32>, vector<16xf32>, vector<16xf32>, vector<16xf32>, vector<16xf32>, vector<16xf32>, vector<16xf32>, vector<16xf32>)  : i32 {
      %parallel_loop3A_517 = arith.constant 0 : i32
      %parallel_loop3A_518 = arith.constant 0 : i32
      %parallel_loop3A_519 = tpu.memref_slice %arg7[%parallel_loop3A_339, %parallel_loop3A_517, %parallel_loop3A_518] : memref<4x64x128xf32, #tpu.memory_space<vmem>> -> memref<1x64x128xf32, #tpu.memory_space<vmem>>
      %parallel_loop3A_520 = tpu.memref_squeeze %parallel_loop3A_519 : memref<1x64x128xf32, #tpu.memory_space<vmem>> -> memref<64x128xf32, #tpu.memory_space<vmem>>
      %parallel_loop3A_521 = arith.index_cast %parallel_loop3A_508 : i32 to index
      %parallel_loop3A_522 = arith.constant 0 : index
      %parallel_loop3A_523 = tpu.vector_load %parallel_loop3A_520[%parallel_loop3A_521, %parallel_loop3A_522] {strides = array<i32>} : memref<64x128xf32, #tpu.memory_space<vmem>>, vector<1x16xf32>,
      %parallel_loop3A_524 = vector.shape_cast %parallel_loop3A_523 : vector<1x16xf32> to vector<16xf32>
      %parallel_loop3A_525 = arith.constant 0 : i32
      %parallel_loop3A_526 = arith.constant 0 : i32
      %parallel_loop3A_527 = tpu.memref_slice %arg8[%parallel_loop3A_340, %parallel_loop3A_525, %parallel_loop3A_526] : memref<4x64x128xf32, #tpu.memory_space<vmem>> -> memref<1x64x128xf32, #tpu.memory_space<vmem>>
      %parallel_loop3A_528 = tpu.memref_squeeze %parallel_loop3A_527 : memref<1x64x128xf32, #tpu.memory_space<vmem>> -> memref<64x128xf32, #tpu.memory_space<vmem>>
      %parallel_loop3A_529 = arith.index_cast %parallel_loop3A_508 : i32 to index
      %parallel_loop3A_530 = arith.constant 0 : index
      %parallel_loop3A_531 = tpu.vector_load %parallel_loop3A_528[%parallel_loop3A_529, %parallel_loop3A_530] {strides = array<i32>} : memref<64x128xf32, #tpu.memory_space<vmem>>, vector<1x16xf32>,
      %parallel_loop3A_532 = vector.shape_cast %parallel_loop3A_531 : vector<1x16xf32> to vector<16xf32>
      %parallel_loop3A_533 = arith.subf %parallel_loop3A_524, %parallel_loop3A_532 : vector<16xf32>
      %parallel_loop3A_534 = arith.mulf %parallel_loop3A_533, %parallel_loop3A_533 : vector<16xf32>
      %parallel_loop3A_535 = arith.addf %parallel_loop3A_509, %parallel_loop3A_534 : vector<16xf32>
      %parallel_loop3A_536 = arith.constant 0 : i32
      %parallel_loop3A_537 = arith.constant 0 : i32
      %parallel_loop3A_538 = tpu.memref_slice %arg7[%parallel_loop3A_339, %parallel_loop3A_536, %parallel_loop3A_537] : memref<4x64x128xf32, #tpu.memory_space<vmem>> -> memref<1x64x128xf32, #tpu.memory_space<vmem>>
      %parallel_loop3A_539 = tpu.memref_squeeze %parallel_loop3A_538 : memref<1x64x128xf32, #tpu.memory_space<vmem>> -> memref<64x128xf32, #tpu.memory_space<vmem>>
      %parallel_loop3A_540 = arith.index_cast %parallel_loop3A_508 : i32 to index
      %parallel_loop3A_541 = arith.constant 16 : index
      %parallel_loop3A_542 = tpu.vector_load %parallel_loop3A_539[%parallel_loop3A_540, %parallel_loop3A_541] {strides = array<i32>} : memref<64x128xf32, #tpu.memory_space<vmem>>, vector<1x16xf32>,
      %parallel_loop3A_543 = vector.shape_cast %parallel_loop3A_542 : vector<1x16xf32> to vector<16xf32>
      %parallel_loop3A_544 = arith.constant 0 : i32
      %parallel_loop3A_545 = arith.constant 0 : i32
      %parallel_loop3A_546 = tpu.memref_slice %arg8[%parallel_loop3A_340, %parallel_loop3A_544, %parallel_loop3A_545] : memref<4x64x128xf32, #tpu.memory_space<vmem>> -> memref<1x64x128xf32, #tpu.memory_space<vmem>>
      %parallel_loop3A_547 = tpu.memref_squeeze %parallel_loop3A_546 : memref<1x64x128xf32, #tpu.memory_space<vmem>> -> memref<64x128xf32, #tpu.memory_space<vmem>>
      %parallel_loop3A_548 = arith.index_cast %parallel_loop3A_508 : i32 to index
      %parallel_loop3A_549 = arith.constant 16 : index
      %parallel_loop3A_550 = tpu.vector_load %parallel_loop3A_547[%parallel_loop3A_548, %parallel_loop3A_549] {strides = array<i32>} : memref<64x128xf32, #tpu.memory_space<vmem>>, vector<1x16xf32>,
      %parallel_loop3A_551 = vector.shape_cast %parallel_loop3A_550 : vector<1x16xf32> to vector<16xf32>
      %parallel_loop3A_552 = arith.subf %parallel_loop3A_543, %parallel_loop3A_551 : vector<16xf32>
      %parallel_loop3A_553 = arith.mulf %parallel_loop3A_552, %parallel_loop3A_552 : vector<16xf32>
      %parallel_loop3A_554 = arith.addf %parallel_loop3A_510, %parallel_loop3A_553 : vector<16xf32>
      %parallel_loop3A_555 = arith.constant 0 : i32
      %parallel_loop3A_556 = arith.constant 0 : i32
      %parallel_loop3A_557 = tpu.memref_slice %arg7[%parallel_loop3A_339, %parallel_loop3A_555, %parallel_loop3A_556] : memref<4x64x128xf32, #tpu.memory_space<vmem>> -> memref<1x64x128xf32, #tpu.memory_space<vmem>>
      %parallel_loop3A_558 = tpu.memref_squeeze %parallel_loop3A_557 : memref<1x64x128xf32, #tpu.memory_space<vmem>> -> memref<64x128xf32, #tpu.memory_space<vmem>>
      %parallel_loop3A_559 = arith.index_cast %parallel_loop3A_508 : i32 to index
      %parallel_loop3A_560 = arith.constant 32 : index
      %parallel_loop3A_561 = tpu.vector_load %parallel_loop3A_558[%parallel_loop3A_559, %parallel_loop3A_560] {strides = array<i32>} : memref<64x128xf32, #tpu.memory_space<vmem>>, vector<1x16xf32>,
      %parallel_loop3A_562 = vector.shape_cast %parallel_loop3A_561 : vector<1x16xf32> to vector<16xf32>
      %parallel_loop3A_563 = arith.constant 0 : i32
      %parallel_loop3A_564 = arith.constant 0 : i32
      %parallel_loop3A_565 = tpu.memref_slice %arg8[%parallel_loop3A_340, %parallel_loop3A_563, %parallel_loop3A_564] : memref<4x64x128xf32, #tpu.memory_space<vmem>> -> memref<1x64x128xf32, #tpu.memory_space<vmem>>
      %parallel_loop3A_566 = tpu.memref_squeeze %parallel_loop3A_565 : memref<1x64x128xf32, #tpu.memory_space<vmem>> -> memref<64x128xf32, #tpu.memory_space<vmem>>
      %parallel_loop3A_567 = arith.index_cast %parallel_loop3A_508 : i32 to index
      %parallel_loop3A_568 = arith.constant 32 : index
      %parallel_loop3A_569 = tpu.vector_load %parallel_loop3A_566[%parallel_loop3A_567, %parallel_loop3A_568] {strides = array<i32>} : memref<64x128xf32, #tpu.memory_space<vmem>>, vector<1x16xf32>,
      %parallel_loop3A_570 = vector.shape_cast %parallel_loop3A_569 : vector<1x16xf32> to vector<16xf32>
      %parallel_loop3A_571 = arith.subf %parallel_loop3A_562, %parallel_loop3A_570 : vector<16xf32>
      %parallel_loop3A_572 = arith.mulf %parallel_loop3A_571, %parallel_loop3A_571 : vector<16xf32>
      %parallel_loop3A_573 = arith.addf %parallel_loop3A_511, %parallel_loop3A_572 : vector<16xf32>
      %parallel_loop3A_574 = arith.constant 0 : i32
      %parallel_loop3A_575 = arith.constant 0 : i32
      %parallel_loop3A_576 = tpu.memref_slice %arg7[%parallel_loop3A_339, %parallel_loop3A_574, %parallel_loop3A_575] : memref<4x64x128xf32, #tpu.memory_space<vmem>> -> memref<1x64x128xf32, #tpu.memory_space<vmem>>
      %parallel_loop3A_577 = tpu.memref_squeeze %parallel_loop3A_576 : memref<1x64x128xf32, #tpu.memory_space<vmem>> -> memref<64x128xf32, #tpu.memory_space<vmem>>
      %parallel_loop3A_578 = arith.index_cast %parallel_loop3A_508 : i32 to index
      %parallel_loop3A_579 = arith.constant 48 : index
      %parallel_loop3A_580 = tpu.vector_load %parallel_loop3A_577[%parallel_loop3A_578, %parallel_loop3A_579] {strides = array<i32>} : memref<64x128xf32, #tpu.memory_space<vmem>>, vector<1x16xf32>,
      %parallel_loop3A_581 = vector.shape_cast %parallel_loop3A_580 : vector<1x16xf32> to vector<16xf32>
      %parallel_loop3A_582 = arith.constant 0 : i32
      %parallel_loop3A_583 = arith.constant 0 : i32
      %parallel_loop3A_584 = tpu.memref_slice %arg8[%parallel_loop3A_340, %parallel_loop3A_582, %parallel_loop3A_583] : memref<4x64x128xf32, #tpu.memory_space<vmem>> -> memref<1x64x128xf32, #tpu.memory_space<vmem>>
      %parallel_loop3A_585 = tpu.memref_squeeze %parallel_loop3A_584 : memref<1x64x128xf32, #tpu.memory_space<vmem>> -> memref<64x128xf32, #tpu.memory_space<vmem>>
      %parallel_loop3A_586 = arith.index_cast %parallel_loop3A_508 : i32 to index
      %parallel_loop3A_587 = arith.constant 48 : index
      %parallel_loop3A_588 = tpu.vector_load %parallel_loop3A_585[%parallel_loop3A_586, %parallel_loop3A_587] {strides = array<i32>} : memref<64x128xf32, #tpu.memory_space<vmem>>, vector<1x16xf32>,
      %parallel_loop3A_589 = vector.shape_cast %parallel_loop3A_588 : vector<1x16xf32> to vector<16xf32>
      %parallel_loop3A_590 = arith.subf %parallel_loop3A_581, %parallel_loop3A_589 : vector<16xf32>
      %parallel_loop3A_591 = arith.mulf %parallel_loop3A_590, %parallel_loop3A_590 : vector<16xf32>
      %parallel_loop3A_592 = arith.addf %parallel_loop3A_512, %parallel_loop3A_591 : vector<16xf32>
      %parallel_loop3A_593 = arith.constant 0 : i32
      %parallel_loop3A_594 = arith.constant 0 : i32
      %parallel_loop3A_595 = tpu.memref_slice %arg7[%parallel_loop3A_339, %parallel_loop3A_593, %parallel_loop3A_594] : memref<4x64x128xf32, #tpu.memory_space<vmem>> -> memref<1x64x128xf32, #tpu.memory_space<vmem>>
      %parallel_loop3A_596 = tpu.memref_squeeze %parallel_loop3A_595 : memref<1x64x128xf32, #tpu.memory_space<vmem>> -> memref<64x128xf32, #tpu.memory_space<vmem>>
      %parallel_loop3A_597 = arith.index_cast %parallel_loop3A_508 : i32 to index
      %parallel_loop3A_598 = arith.constant 64 : index
      %parallel_loop3A_599 = tpu.vector_load %parallel_loop3A_596[%parallel_loop3A_597, %parallel_loop3A_598] {strides = array<i32>} : memref<64x128xf32, #tpu.memory_space<vmem>>, vector<1x16xf32>,
      %parallel_loop3A_600 = vector.shape_cast %parallel_loop3A_599 : vector<1x16xf32> to vector<16xf32>
      %parallel_loop3A_601 = arith.constant 0 : i32
      %parallel_loop3A_602 = arith.constant 0 : i32
      %parallel_loop3A_603 = tpu.memref_slice %arg8[%parallel_loop3A_340, %parallel_loop3A_601, %parallel_loop3A_602] : memref<4x64x128xf32, #tpu.memory_space<vmem>> -> memref<1x64x128xf32, #tpu.memory_space<vmem>>
      %parallel_loop3A_604 = tpu.memref_squeeze %parallel_loop3A_603 : memref<1x64x128xf32, #tpu.memory_space<vmem>> -> memref<64x128xf32, #tpu.memory_space<vmem>>
      %parallel_loop3A_605 = arith.index_cast %parallel_loop3A_508 : i32 to index
      %parallel_loop3A_606 = arith.constant 64 : index
      %parallel_loop3A_607 = tpu.vector_load %parallel_loop3A_604[%parallel_loop3A_605, %parallel_loop3A_606] {strides = array<i32>} : memref<64x128xf32, #tpu.memory_space<vmem>>, vector<1x16xf32>,
      %parallel_loop3A_608 = vector.shape_cast %parallel_loop3A_607 : vector<1x16xf32> to vector<16xf32>
      %parallel_loop3A_609 = arith.subf %parallel_loop3A_600, %parallel_loop3A_608 : vector<16xf32>
      %parallel_loop3A_610 = arith.mulf %parallel_loop3A_609, %parallel_loop3A_609 : vector<16xf32>
      %parallel_loop3A_611 = arith.addf %parallel_loop3A_513, %parallel_loop3A_610 : vector<16xf32>
      %parallel_loop3A_612 = arith.constant 0 : i32
      %parallel_loop3A_613 = arith.constant 0 : i32
      %parallel_loop3A_614 = tpu.memref_slice %arg7[%parallel_loop3A_339, %parallel_loop3A_612, %parallel_loop3A_613] : memref<4x64x128xf32, #tpu.memory_space<vmem>> -> memref<1x64x128xf32, #tpu.memory_space<vmem>>
      %parallel_loop3A_615 = tpu.memref_squeeze %parallel_loop3A_614 : memref<1x64x128xf32, #tpu.memory_space<vmem>> -> memref<64x128xf32, #tpu.memory_space<vmem>>
      %parallel_loop3A_616 = arith.index_cast %parallel_loop3A_508 : i32 to index
      %parallel_loop3A_617 = arith.constant 80 : index
      %parallel_loop3A_618 = tpu.vector_load %parallel_loop3A_615[%parallel_loop3A_616, %parallel_loop3A_617] {strides = array<i32>} : memref<64x128xf32, #tpu.memory_space<vmem>>, vector<1x16xf32>,
      %parallel_loop3A_619 = vector.shape_cast %parallel_loop3A_618 : vector<1x16xf32> to vector<16xf32>
      %parallel_loop3A_620 = arith.constant 0 : i32
      %parallel_loop3A_621 = arith.constant 0 : i32
      %parallel_loop3A_622 = tpu.memref_slice %arg8[%parallel_loop3A_340, %parallel_loop3A_620, %parallel_loop3A_621] : memref<4x64x128xf32, #tpu.memory_space<vmem>> -> memref<1x64x128xf32, #tpu.memory_space<vmem>>
      %parallel_loop3A_623 = tpu.memref_squeeze %parallel_loop3A_622 : memref<1x64x128xf32, #tpu.memory_space<vmem>> -> memref<64x128xf32, #tpu.memory_space<vmem>>
      %parallel_loop3A_624 = arith.index_cast %parallel_loop3A_508 : i32 to index
      %parallel_loop3A_625 = arith.constant 80 : index
      %parallel_loop3A_626 = tpu.vector_load %parallel_loop3A_623[%parallel_loop3A_624, %parallel_loop3A_625] {strides = array<i32>} : memref<64x128xf32, #tpu.memory_space<vmem>>, vector<1x16xf32>,
      %parallel_loop3A_627 = vector.shape_cast %parallel_loop3A_626 : vector<1x16xf32> to vector<16xf32>
      %parallel_loop3A_628 = arith.subf %parallel_loop3A_619, %parallel_loop3A_627 : vector<16xf32>
      %parallel_loop3A_629 = arith.mulf %parallel_loop3A_628, %parallel_loop3A_628 : vector<16xf32>
      %parallel_loop3A_630 = arith.addf %parallel_loop3A_514, %parallel_loop3A_629 : vector<16xf32>
      %parallel_loop3A_631 = arith.constant 0 : i32
      %parallel_loop3A_632 = arith.constant 0 : i32
      %parallel_loop3A_633 = tpu.memref_slice %arg7[%parallel_loop3A_339, %parallel_loop3A_631, %parallel_loop3A_632] : memref<4x64x128xf32, #tpu.memory_space<vmem>> -> memref<1x64x128xf32, #tpu.memory_space<vmem>>
      %parallel_loop3A_634 = tpu.memref_squeeze %parallel_loop3A_633 : memref<1x64x128xf32, #tpu.memory_space<vmem>> -> memref<64x128xf32, #tpu.memory_space<vmem>>
      %parallel_loop3A_635 = arith.index_cast %parallel_loop3A_508 : i32 to index
      %parallel_loop3A_636 = arith.constant 96 : index
      %parallel_loop3A_637 = tpu.vector_load %parallel_loop3A_634[%parallel_loop3A_635, %parallel_loop3A_636] {strides = array<i32>} : memref<64x128xf32, #tpu.memory_space<vmem>>, vector<1x16xf32>,
      %parallel_loop3A_638 = vector.shape_cast %parallel_loop3A_637 : vector<1x16xf32> to vector<16xf32>
      %parallel_loop3A_639 = arith.constant 0 : i32
      %parallel_loop3A_640 = arith.constant 0 : i32
      %parallel_loop3A_641 = tpu.memref_slice %arg8[%parallel_loop3A_340, %parallel_loop3A_639, %parallel_loop3A_640] : memref<4x64x128xf32, #tpu.memory_space<vmem>> -> memref<1x64x128xf32, #tpu.memory_space<vmem>>
      %parallel_loop3A_642 = tpu.memref_squeeze %parallel_loop3A_641 : memref<1x64x128xf32, #tpu.memory_space<vmem>> -> memref<64x128xf32, #tpu.memory_space<vmem>>
      %parallel_loop3A_643 = arith.index_cast %parallel_loop3A_508 : i32 to index
      %parallel_loop3A_644 = arith.constant 96 : index
      %parallel_loop3A_645 = tpu.vector_load %parallel_loop3A_642[%parallel_loop3A_643, %parallel_loop3A_644] {strides = array<i32>} : memref<64x128xf32, #tpu.memory_space<vmem>>, vector<1x16xf32>,
      %parallel_loop3A_646 = vector.shape_cast %parallel_loop3A_645 : vector<1x16xf32> to vector<16xf32>
      %parallel_loop3A_647 = arith.subf %parallel_loop3A_638, %parallel_loop3A_646 : vector<16xf32>
      %parallel_loop3A_648 = arith.mulf %parallel_loop3A_647, %parallel_loop3A_647 : vector<16xf32>
      %parallel_loop3A_649 = arith.addf %parallel_loop3A_515, %parallel_loop3A_648 : vector<16xf32>
      %parallel_loop3A_650 = arith.constant 0 : i32
      %parallel_loop3A_651 = arith.constant 0 : i32
      %parallel_loop3A_652 = tpu.memref_slice %arg7[%parallel_loop3A_339, %parallel_loop3A_650, %parallel_loop3A_651] : memref<4x64x128xf32, #tpu.memory_space<vmem>> -> memref<1x64x128xf32, #tpu.memory_space<vmem>>
      %parallel_loop3A_653 = tpu.memref_squeeze %parallel_loop3A_652 : memref<1x64x128xf32, #tpu.memory_space<vmem>> -> memref<64x128xf32, #tpu.memory_space<vmem>>
      %parallel_loop3A_654 = arith.index_cast %parallel_loop3A_508 : i32 to index
      %parallel_loop3A_655 = arith.constant 112 : index
      %parallel_loop3A_656 = tpu.vector_load %parallel_loop3A_653[%parallel_loop3A_654, %parallel_loop3A_655] {strides = array<i32>} : memref<64x128xf32, #tpu.memory_space<vmem>>, vector<1x16xf32>,
      %parallel_loop3A_657 = vector.shape_cast %parallel_loop3A_656 : vector<1x16xf32> to vector<16xf32>
      %parallel_loop3A_658 = arith.constant 0 : i32
      %parallel_loop3A_659 = arith.constant 0 : i32
      %parallel_loop3A_660 = tpu.memref_slice %arg8[%parallel_loop3A_340, %parallel_loop3A_658, %parallel_loop3A_659] : memref<4x64x128xf32, #tpu.memory_space<vmem>> -> memref<1x64x128xf32, #tpu.memory_space<vmem>>
      %parallel_loop3A_661 = tpu.memref_squeeze %parallel_loop3A_660 : memref<1x64x128xf32, #tpu.memory_space<vmem>> -> memref<64x128xf32, #tpu.memory_space<vmem>>
      %parallel_loop3A_662 = arith.index_cast %parallel_loop3A_508 : i32 to index
      %parallel_loop3A_663 = arith.constant 112 : index
      %parallel_loop3A_664 = tpu.vector_load %parallel_loop3A_661[%parallel_loop3A_662, %parallel_loop3A_663] {strides = array<i32>} : memref<64x128xf32, #tpu.memory_space<vmem>>, vector<1x16xf32>,
      %parallel_loop3A_665 = vector.shape_cast %parallel_loop3A_664 : vector<1x16xf32> to vector<16xf32>
      %parallel_loop3A_666 = arith.subf %parallel_loop3A_657, %parallel_loop3A_665 : vector<16xf32>
      %parallel_loop3A_667 = arith.mulf %parallel_loop3A_666, %parallel_loop3A_666 : vector<16xf32>
      %parallel_loop3A_668 = arith.addf %parallel_loop3A_516, %parallel_loop3A_667 : vector<16xf32>
      scf.yield %parallel_loop3A_535, %parallel_loop3A_554, %parallel_loop3A_573, %parallel_loop3A_592, %parallel_loop3A_611, %parallel_loop3A_630, %parallel_loop3A_649, %parallel_loop3A_668 : vector<16xf32>, vector<16xf32>, vector<16xf32>, vector<16xf32>, vector<16xf32>, vector<16xf32>, vector<16xf32>, vector<16xf32>
    } {sc.loop_unroll_factor = 4 : i64, sc.parallel_access}
    %dma_wait3A_342 = arith.constant 4 : i32
    %dma_wait3A_343 = arith.constant 0 : i32
    %dma_wait3A_344 = arith.constant 0 : i32
    %dma_wait3A_345 = arith.constant 0 : i32
    %dma_wait3A_346 = tpu.memref_slice %arg8[%dma_wait3A_343, %dma_wait3A_344, %dma_wait3A_345] : memref<4x64x128xf32, #tpu.memory_space<vmem>> -> memref<1x64x128xf32, #tpu.memory_space<vmem>>
    %dma_wait3A_347 = tpu.memref_squeeze %dma_wait3A_346 : memref<1x64x128xf32, #tpu.memory_space<vmem>> -> memref<64x128xf32, #tpu.memory_space<vmem>>
    %dma_wait3A_348 = arith.constant 0 : i32
    %dma_wait3A_349 = tpu.memref_slice %arg6[%dma_wait3A_342, %dma_wait3A_348] : memref<8x64xi32, #tpu.memory_space<vmem>> -> memref<1x64xi32, #tpu.memory_space<vmem>>
    %dma_wait3A_350 = tpu.memref_squeeze %dma_wait3A_349 : memref<1x64xi32, #tpu.memory_space<vmem>> -> memref<64xi32, #tpu.memory_space<vmem>>
    %dma_wait3A_351 = arith.constant 0 : i32
    %dma_wait3A_352 = arith.constant 0 : i32
    %dma_wait3A_353 = tpu.memref_slice %arg4[%dma_wait3A_351, %dma_wait3A_352] : memref<100000x128xf32, #tpu.memory_space<hbm>> -> memref<100000x128xf32, #tpu.memory_space<hbm>>
    tpu.wait_indirect_dma semaphore(%arg10 : memref<!tpu.dma_semaphore, #tpu.memory_space<semaphore_mem>>) src(%dma_wait3A_353 : memref<100000x128xf32, #tpu.memory_space<hbm>>) dst(%dma_wait3A_347 : memref<64x128xf32, #tpu.memory_space<vmem>>)
    %dma_wait3A_354 = arith.constant 0 : i32
    %dma_wait3A_355 = arith.constant 0 : i32
    %dma_wait3A_356 = arith.constant 0 : i32
    %dma_wait3A_357 = tpu.memref_slice %arg7[%dma_wait3A_354, %dma_wait3A_355, %dma_wait3A_356] : memref<4x64x128xf32, #tpu.memory_space<vmem>> -> memref<1x64x128xf32, #tpu.memory_space<vmem>>
    %dma_wait3A_358 = tpu.memref_squeeze %dma_wait3A_357 : memref<1x64x128xf32, #tpu.memory_space<vmem>> -> memref<64x128xf32, #tpu.memory_space<vmem>>
    %dma_wait3A_359 = arith.constant 0 : i32
    %dma_wait3A_360 = tpu.memref_slice %arg2[%add3A_202, %dma_wait3A_359] : memref<16384x128xf32, #tpu.memory_space<hbm>> -> memref<64x128xf32, #tpu.memory_space<hbm>>
    %dma_wait3A_361 = arith.constant 0 : i32
    %dma_wait3A_362 = arith.constant 0 : i32
    %dma_wait3A_363 = tpu.memref_slice %arg7[%dma_wait3A_354, %dma_wait3A_361, %dma_wait3A_362] : memref<4x64x128xf32, #tpu.memory_space<vmem>> -> memref<1x64x128xf32, #tpu.memory_space<vmem>>
    %dma_wait3A_364 = tpu.memref_squeeze %dma_wait3A_363 : memref<1x64x128xf32, #tpu.memory_space<vmem>> -> memref<64x128xf32, #tpu.memory_space<vmem>>
    %dma_wait3A_365 = arith.constant 0 : i32
    %dma_wait3A_366 = tpu.memref_slice %arg2[%add3A_202, %dma_wait3A_365] : memref<16384x128xf32, #tpu.memory_space<hbm>> -> memref<64x128xf32, #tpu.memory_space<hbm>>
    tpu.wait_dma2 semaphore(%arg14 : memref<!tpu.dma_semaphore, #tpu.memory_space<semaphore_mem>>) src(%dma_wait3A_366 : memref<64x128xf32, #tpu.memory_space<hbm>>) dst(%dma_wait3A_364 : memref<64x128xf32, #tpu.memory_space<vmem>>)
    %dma_start3A_367 = arith.constant 7 : i32
    %dma_start3A_368 = arith.constant 3 : i32
    %dma_start3A_369 = arith.constant 0 : i32
    %dma_start3A_370 = arith.constant 0 : i32
    %dma_start3A_371 = tpu.memref_slice %arg8[%dma_start3A_368, %dma_start3A_369, %dma_start3A_370] : memref<4x64x128xf32, #tpu.memory_space<vmem>> -> memref<1x64x128xf32, #tpu.memory_space<vmem>>
    %dma_start3A_372 = tpu.memref_squeeze %dma_start3A_371 : memref<1x64x128xf32, #tpu.memory_space<vmem>> -> memref<64x128xf32, #tpu.memory_space<vmem>>
    %dma_start3A_373 = arith.constant 0 : i32
    %dma_start3A_374 = tpu.memref_slice %arg6[%dma_start3A_367, %dma_start3A_373] : memref<8x64xi32, #tpu.memory_space<vmem>> -> memref<1x64xi32, #tpu.memory_space<vmem>>
    %dma_start3A_375 = tpu.memref_squeeze %dma_start3A_374 : memref<1x64xi32, #tpu.memory_space<vmem>> -> memref<64xi32, #tpu.memory_space<vmem>>
    %dma_start3A_376 = arith.constant 0 : i32
    %dma_start3A_377 = arith.constant 0 : i32
    %dma_start3A_378 = tpu.memref_slice %arg4[%dma_start3A_376, %dma_start3A_377] : memref<100000x128xf32, #tpu.memory_space<hbm>> -> memref<100000x128xf32, #tpu.memory_space<hbm>>
    tpu.enqueue_indirect_dma source(%dma_start3A_378 : memref<100000x128xf32, #tpu.memory_space<hbm>>) target(%dma_start3A_372 : memref<64x128xf32, #tpu.memory_space<vmem>>) offsets(%dma_start3A_375 : memref<64xi32, #tpu.memory_space<vmem>>) semaphore(%arg13 : memref<!tpu.dma_semaphore, #tpu.memory_space<semaphore_mem>>)
    %mul3A_379 = arith.constant 512 : i32
    %mul3A_380 = arith.muli %add3A, %mul3A_379 : i32
    %add3A_381 = arith.constant 448 : i32
    %add3A_382 = arith.addi %mul3A_380, %add3A_381 : i32
    %dma_start3A_383 = arith.constant 3 : i32
    %dma_start3A_384 = arith.constant 0 : i32
    %dma_start3A_385 = arith.constant 0 : i32
    %dma_start3A_386 = tpu.memref_slice %arg7[%dma_start3A_383, %dma_start3A_384, %dma_start3A_385] : memref<4x64x128xf32, #tpu.memory_space<vmem>> -> memref<1x64x128xf32, #tpu.memory_space<vmem>>
    %dma_start3A_387 = tpu.memref_squeeze %dma_start3A_386 : memref<1x64x128xf32, #tpu.memory_space<vmem>> -> memref<64x128xf32, #tpu.memory_space<vmem>>
    %dma_start3A_388 = arith.constant 0 : i32
    %dma_start3A_389 = tpu.memref_slice %arg2[%add3A_382, %dma_start3A_388] : memref<16384x128xf32, #tpu.memory_space<hbm>> -> memref<64x128xf32, #tpu.memory_space<hbm>>
    %dma_start3A_390 = arith.constant 0 : i32
    %dma_start3A_391 = arith.constant 0 : i32
    %dma_start3A_392 = tpu.memref_slice %arg7[%dma_start3A_383, %dma_start3A_390, %dma_start3A_391] : memref<4x64x128xf32, #tpu.memory_space<vmem>> -> memref<1x64x128xf32, #tpu.memory_space<vmem>>
    %dma_start3A_393 = tpu.memref_squeeze %dma_start3A_392 : memref<1x64x128xf32, #tpu.memory_space<vmem>> -> memref<64x128xf32, #tpu.memory_space<vmem>>
    %dma_start3A_394 = arith.constant 0 : i32
    %dma_start3A_395 = tpu.memref_slice %arg2[%add3A_382, %dma_start3A_394] : memref<16384x128xf32, #tpu.memory_space<hbm>> -> memref<64x128xf32, #tpu.memory_space<hbm>>
    tpu.enqueue_dma source(%dma_start3A_395 : memref<64x128xf32, #tpu.memory_space<hbm>>) target(%dma_start3A_393 : memref<64x128xf32, #tpu.memory_space<vmem>>) target_semaphore(%arg17 : memref<!tpu.dma_semaphore, #tpu.memory_space<semaphore_mem>>)
    %parallel_loop3A_396 = arith.constant 0 : i32
    %parallel_loop3A_397 = arith.constant 64 : i32
    %parallel_loop3A_398 = arith.constant 1 : i32
    %parallel_loop3A_399 = arith.constant 0 : i32
    %parallel_loop3A_400 = arith.constant 0 : i32
    %parallel_loop3A_401:8 = scf.for %parallel_loop3A_508 = %parallel_loop3A_396 to %parallel_loop3A_397 step %parallel_loop3A_398 iter_args(%parallel_loop3A_509 = %parallel_loop3A_341#0, %parallel_loop3A_510 = %parallel_loop3A_341#1, %parallel_loop3A_511 = %parallel_loop3A_341#2, %parallel_loop3A_512 = %parallel_loop3A_341#3, %parallel_loop3A_513 = %parallel_loop3A_341#4, %parallel_loop3A_514 = %parallel_loop3A_341#5, %parallel_loop3A_515 = %parallel_loop3A_341#6, %parallel_loop3A_516 = %parallel_loop3A_341#7) -> (vector<16xf32>, vector<16xf32>, vector<16xf32>, vector<16xf32>, vector<16xf32>, vector<16xf32>, vector<16xf32>, vector<16xf32>)  : i32 {
      %parallel_loop3A_517 = arith.constant 0 : i32
      %parallel_loop3A_518 = arith.constant 0 : i32
      %parallel_loop3A_519 = tpu.memref_slice %arg7[%parallel_loop3A_399, %parallel_loop3A_517, %parallel_loop3A_518] : memref<4x64x128xf32, #tpu.memory_space<vmem>> -> memref<1x64x128xf32, #tpu.memory_space<vmem>>
      %parallel_loop3A_520 = tpu.memref_squeeze %parallel_loop3A_519 : memref<1x64x128xf32, #tpu.memory_space<vmem>> -> memref<64x128xf32, #tpu.memory_space<vmem>>
      %parallel_loop3A_521 = arith.index_cast %parallel_loop3A_508 : i32 to index
      %parallel_loop3A_522 = arith.constant 0 : index
      %parallel_loop3A_523 = tpu.vector_load %parallel_loop3A_520[%parallel_loop3A_521, %parallel_loop3A_522] {strides = array<i32>} : memref<64x128xf32, #tpu.memory_space<vmem>>, vector<1x16xf32>,
      %parallel_loop3A_524 = vector.shape_cast %parallel_loop3A_523 : vector<1x16xf32> to vector<16xf32>
      %parallel_loop3A_525 = arith.constant 0 : i32
      %parallel_loop3A_526 = arith.constant 0 : i32
      %parallel_loop3A_527 = tpu.memref_slice %arg8[%parallel_loop3A_400, %parallel_loop3A_525, %parallel_loop3A_526] : memref<4x64x128xf32, #tpu.memory_space<vmem>> -> memref<1x64x128xf32, #tpu.memory_space<vmem>>
      %parallel_loop3A_528 = tpu.memref_squeeze %parallel_loop3A_527 : memref<1x64x128xf32, #tpu.memory_space<vmem>> -> memref<64x128xf32, #tpu.memory_space<vmem>>
      %parallel_loop3A_529 = arith.index_cast %parallel_loop3A_508 : i32 to index
      %parallel_loop3A_530 = arith.constant 0 : index
      %parallel_loop3A_531 = tpu.vector_load %parallel_loop3A_528[%parallel_loop3A_529, %parallel_loop3A_530] {strides = array<i32>} : memref<64x128xf32, #tpu.memory_space<vmem>>, vector<1x16xf32>,
      %parallel_loop3A_532 = vector.shape_cast %parallel_loop3A_531 : vector<1x16xf32> to vector<16xf32>
      %parallel_loop3A_533 = arith.subf %parallel_loop3A_524, %parallel_loop3A_532 : vector<16xf32>
      %parallel_loop3A_534 = arith.mulf %parallel_loop3A_533, %parallel_loop3A_533 : vector<16xf32>
      %parallel_loop3A_535 = arith.addf %parallel_loop3A_509, %parallel_loop3A_534 : vector<16xf32>
      %parallel_loop3A_536 = arith.constant 0 : i32
      %parallel_loop3A_537 = arith.constant 0 : i32
      %parallel_loop3A_538 = tpu.memref_slice %arg7[%parallel_loop3A_399, %parallel_loop3A_536, %parallel_loop3A_537] : memref<4x64x128xf32, #tpu.memory_space<vmem>> -> memref<1x64x128xf32, #tpu.memory_space<vmem>>
      %parallel_loop3A_539 = tpu.memref_squeeze %parallel_loop3A_538 : memref<1x64x128xf32, #tpu.memory_space<vmem>> -> memref<64x128xf32, #tpu.memory_space<vmem>>
      %parallel_loop3A_540 = arith.index_cast %parallel_loop3A_508 : i32 to index
      %parallel_loop3A_541 = arith.constant 16 : index
      %parallel_loop3A_542 = tpu.vector_load %parallel_loop3A_539[%parallel_loop3A_540, %parallel_loop3A_541] {strides = array<i32>} : memref<64x128xf32, #tpu.memory_space<vmem>>, vector<1x16xf32>,
      %parallel_loop3A_543 = vector.shape_cast %parallel_loop3A_542 : vector<1x16xf32> to vector<16xf32>
      %parallel_loop3A_544 = arith.constant 0 : i32
      %parallel_loop3A_545 = arith.constant 0 : i32
      %parallel_loop3A_546 = tpu.memref_slice %arg8[%parallel_loop3A_400, %parallel_loop3A_544, %parallel_loop3A_545] : memref<4x64x128xf32, #tpu.memory_space<vmem>> -> memref<1x64x128xf32, #tpu.memory_space<vmem>>
      %parallel_loop3A_547 = tpu.memref_squeeze %parallel_loop3A_546 : memref<1x64x128xf32, #tpu.memory_space<vmem>> -> memref<64x128xf32, #tpu.memory_space<vmem>>
      %parallel_loop3A_548 = arith.index_cast %parallel_loop3A_508 : i32 to index
      %parallel_loop3A_549 = arith.constant 16 : index
      %parallel_loop3A_550 = tpu.vector_load %parallel_loop3A_547[%parallel_loop3A_548, %parallel_loop3A_549] {strides = array<i32>} : memref<64x128xf32, #tpu.memory_space<vmem>>, vector<1x16xf32>,
      %parallel_loop3A_551 = vector.shape_cast %parallel_loop3A_550 : vector<1x16xf32> to vector<16xf32>
      %parallel_loop3A_552 = arith.subf %parallel_loop3A_543, %parallel_loop3A_551 : vector<16xf32>
      %parallel_loop3A_553 = arith.mulf %parallel_loop3A_552, %parallel_loop3A_552 : vector<16xf32>
      %parallel_loop3A_554 = arith.addf %parallel_loop3A_510, %parallel_loop3A_553 : vector<16xf32>
      %parallel_loop3A_555 = arith.constant 0 : i32
      %parallel_loop3A_556 = arith.constant 0 : i32
      %parallel_loop3A_557 = tpu.memref_slice %arg7[%parallel_loop3A_399, %parallel_loop3A_555, %parallel_loop3A_556] : memref<4x64x128xf32, #tpu.memory_space<vmem>> -> memref<1x64x128xf32, #tpu.memory_space<vmem>>
      %parallel_loop3A_558 = tpu.memref_squeeze %parallel_loop3A_557 : memref<1x64x128xf32, #tpu.memory_space<vmem>> -> memref<64x128xf32, #tpu.memory_space<vmem>>
      %parallel_loop3A_559 = arith.index_cast %parallel_loop3A_508 : i32 to index
      %parallel_loop3A_560 = arith.constant 32 : index
      %parallel_loop3A_561 = tpu.vector_load %parallel_loop3A_558[%parallel_loop3A_559, %parallel_loop3A_560] {strides = array<i32>} : memref<64x128xf32, #tpu.memory_space<vmem>>, vector<1x16xf32>,
      %parallel_loop3A_562 = vector.shape_cast %parallel_loop3A_561 : vector<1x16xf32> to vector<16xf32>
      %parallel_loop3A_563 = arith.constant 0 : i32
      %parallel_loop3A_564 = arith.constant 0 : i32
      %parallel_loop3A_565 = tpu.memref_slice %arg8[%parallel_loop3A_400, %parallel_loop3A_563, %parallel_loop3A_564] : memref<4x64x128xf32, #tpu.memory_space<vmem>> -> memref<1x64x128xf32, #tpu.memory_space<vmem>>
      %parallel_loop3A_566 = tpu.memref_squeeze %parallel_loop3A_565 : memref<1x64x128xf32, #tpu.memory_space<vmem>> -> memref<64x128xf32, #tpu.memory_space<vmem>>
      %parallel_loop3A_567 = arith.index_cast %parallel_loop3A_508 : i32 to index
      %parallel_loop3A_568 = arith.constant 32 : index
      %parallel_loop3A_569 = tpu.vector_load %parallel_loop3A_566[%parallel_loop3A_567, %parallel_loop3A_568] {strides = array<i32>} : memref<64x128xf32, #tpu.memory_space<vmem>>, vector<1x16xf32>,
      %parallel_loop3A_570 = vector.shape_cast %parallel_loop3A_569 : vector<1x16xf32> to vector<16xf32>
      %parallel_loop3A_571 = arith.subf %parallel_loop3A_562, %parallel_loop3A_570 : vector<16xf32>
      %parallel_loop3A_572 = arith.mulf %parallel_loop3A_571, %parallel_loop3A_571 : vector<16xf32>
      %parallel_loop3A_573 = arith.addf %parallel_loop3A_511, %parallel_loop3A_572 : vector<16xf32>
      %parallel_loop3A_574 = arith.constant 0 : i32
      %parallel_loop3A_575 = arith.constant 0 : i32
      %parallel_loop3A_576 = tpu.memref_slice %arg7[%parallel_loop3A_399, %parallel_loop3A_574, %parallel_loop3A_575] : memref<4x64x128xf32, #tpu.memory_space<vmem>> -> memref<1x64x128xf32, #tpu.memory_space<vmem>>
      %parallel_loop3A_577 = tpu.memref_squeeze %parallel_loop3A_576 : memref<1x64x128xf32, #tpu.memory_space<vmem>> -> memref<64x128xf32, #tpu.memory_space<vmem>>
      %parallel_loop3A_578 = arith.index_cast %parallel_loop3A_508 : i32 to index
      %parallel_loop3A_579 = arith.constant 48 : index
      %parallel_loop3A_580 = tpu.vector_load %parallel_loop3A_577[%parallel_loop3A_578, %parallel_loop3A_579] {strides = array<i32>} : memref<64x128xf32, #tpu.memory_space<vmem>>, vector<1x16xf32>,
      %parallel_loop3A_581 = vector.shape_cast %parallel_loop3A_580 : vector<1x16xf32> to vector<16xf32>
      %parallel_loop3A_582 = arith.constant 0 : i32
      %parallel_loop3A_583 = arith.constant 0 : i32
      %parallel_loop3A_584 = tpu.memref_slice %arg8[%parallel_loop3A_400, %parallel_loop3A_582, %parallel_loop3A_583] : memref<4x64x128xf32, #tpu.memory_space<vmem>> -> memref<1x64x128xf32, #tpu.memory_space<vmem>>
      %parallel_loop3A_585 = tpu.memref_squeeze %parallel_loop3A_584 : memref<1x64x128xf32, #tpu.memory_space<vmem>> -> memref<64x128xf32, #tpu.memory_space<vmem>>
      %parallel_loop3A_586 = arith.index_cast %parallel_loop3A_508 : i32 to index
      %parallel_loop3A_587 = arith.constant 48 : index
      %parallel_loop3A_588 = tpu.vector_load %parallel_loop3A_585[%parallel_loop3A_586, %parallel_loop3A_587] {strides = array<i32>} : memref<64x128xf32, #tpu.memory_space<vmem>>, vector<1x16xf32>,
      %parallel_loop3A_589 = vector.shape_cast %parallel_loop3A_588 : vector<1x16xf32> to vector<16xf32>
      %parallel_loop3A_590 = arith.subf %parallel_loop3A_581, %parallel_loop3A_589 : vector<16xf32>
      %parallel_loop3A_591 = arith.mulf %parallel_loop3A_590, %parallel_loop3A_590 : vector<16xf32>
      %parallel_loop3A_592 = arith.addf %parallel_loop3A_512, %parallel_loop3A_591 : vector<16xf32>
      %parallel_loop3A_593 = arith.constant 0 : i32
      %parallel_loop3A_594 = arith.constant 0 : i32
      %parallel_loop3A_595 = tpu.memref_slice %arg7[%parallel_loop3A_399, %parallel_loop3A_593, %parallel_loop3A_594] : memref<4x64x128xf32, #tpu.memory_space<vmem>> -> memref<1x64x128xf32, #tpu.memory_space<vmem>>
      %parallel_loop3A_596 = tpu.memref_squeeze %parallel_loop3A_595 : memref<1x64x128xf32, #tpu.memory_space<vmem>> -> memref<64x128xf32, #tpu.memory_space<vmem>>
      %parallel_loop3A_597 = arith.index_cast %parallel_loop3A_508 : i32 to index
      %parallel_loop3A_598 = arith.constant 64 : index
      %parallel_loop3A_599 = tpu.vector_load %parallel_loop3A_596[%parallel_loop3A_597, %parallel_loop3A_598] {strides = array<i32>} : memref<64x128xf32, #tpu.memory_space<vmem>>, vector<1x16xf32>,
      %parallel_loop3A_600 = vector.shape_cast %parallel_loop3A_599 : vector<1x16xf32> to vector<16xf32>
      %parallel_loop3A_601 = arith.constant 0 : i32
      %parallel_loop3A_602 = arith.constant 0 : i32
      %parallel_loop3A_603 = tpu.memref_slice %arg8[%parallel_loop3A_400, %parallel_loop3A_601, %parallel_loop3A_602] : memref<4x64x128xf32, #tpu.memory_space<vmem>> -> memref<1x64x128xf32, #tpu.memory_space<vmem>>
      %parallel_loop3A_604 = tpu.memref_squeeze %parallel_loop3A_603 : memref<1x64x128xf32, #tpu.memory_space<vmem>> -> memref<64x128xf32, #tpu.memory_space<vmem>>
      %parallel_loop3A_605 = arith.index_cast %parallel_loop3A_508 : i32 to index
      %parallel_loop3A_606 = arith.constant 64 : index
      %parallel_loop3A_607 = tpu.vector_load %parallel_loop3A_604[%parallel_loop3A_605, %parallel_loop3A_606] {strides = array<i32>} : memref<64x128xf32, #tpu.memory_space<vmem>>, vector<1x16xf32>,
      %parallel_loop3A_608 = vector.shape_cast %parallel_loop3A_607 : vector<1x16xf32> to vector<16xf32>
      %parallel_loop3A_609 = arith.subf %parallel_loop3A_600, %parallel_loop3A_608 : vector<16xf32>
      %parallel_loop3A_610 = arith.mulf %parallel_loop3A_609, %parallel_loop3A_609 : vector<16xf32>
      %parallel_loop3A_611 = arith.addf %parallel_loop3A_513, %parallel_loop3A_610 : vector<16xf32>
      %parallel_loop3A_612 = arith.constant 0 : i32
      %parallel_loop3A_613 = arith.constant 0 : i32
      %parallel_loop3A_614 = tpu.memref_slice %arg7[%parallel_loop3A_399, %parallel_loop3A_612, %parallel_loop3A_613] : memref<4x64x128xf32, #tpu.memory_space<vmem>> -> memref<1x64x128xf32, #tpu.memory_space<vmem>>
      %parallel_loop3A_615 = tpu.memref_squeeze %parallel_loop3A_614 : memref<1x64x128xf32, #tpu.memory_space<vmem>> -> memref<64x128xf32, #tpu.memory_space<vmem>>
      %parallel_loop3A_616 = arith.index_cast %parallel_loop3A_508 : i32 to index
      %parallel_loop3A_617 = arith.constant 80 : index
      %parallel_loop3A_618 = tpu.vector_load %parallel_loop3A_615[%parallel_loop3A_616, %parallel_loop3A_617] {strides = array<i32>} : memref<64x128xf32, #tpu.memory_space<vmem>>, vector<1x16xf32>,
      %parallel_loop3A_619 = vector.shape_cast %parallel_loop3A_618 : vector<1x16xf32> to vector<16xf32>
      %parallel_loop3A_620 = arith.constant 0 : i32
      %parallel_loop3A_621 = arith.constant 0 : i32
      %parallel_loop3A_622 = tpu.memref_slice %arg8[%parallel_loop3A_400, %parallel_loop3A_620, %parallel_loop3A_621] : memref<4x64x128xf32, #tpu.memory_space<vmem>> -> memref<1x64x128xf32, #tpu.memory_space<vmem>>
      %parallel_loop3A_623 = tpu.memref_squeeze %parallel_loop3A_622 : memref<1x64x128xf32, #tpu.memory_space<vmem>> -> memref<64x128xf32, #tpu.memory_space<vmem>>
      %parallel_loop3A_624 = arith.index_cast %parallel_loop3A_508 : i32 to index
      %parallel_loop3A_625 = arith.constant 80 : index
      %parallel_loop3A_626 = tpu.vector_load %parallel_loop3A_623[%parallel_loop3A_624, %parallel_loop3A_625] {strides = array<i32>} : memref<64x128xf32, #tpu.memory_space<vmem>>, vector<1x16xf32>,
      %parallel_loop3A_627 = vector.shape_cast %parallel_loop3A_626 : vector<1x16xf32> to vector<16xf32>
      %parallel_loop3A_628 = arith.subf %parallel_loop3A_619, %parallel_loop3A_627 : vector<16xf32>
      %parallel_loop3A_629 = arith.mulf %parallel_loop3A_628, %parallel_loop3A_628 : vector<16xf32>
      %parallel_loop3A_630 = arith.addf %parallel_loop3A_514, %parallel_loop3A_629 : vector<16xf32>
      %parallel_loop3A_631 = arith.constant 0 : i32
      %parallel_loop3A_632 = arith.constant 0 : i32
      %parallel_loop3A_633 = tpu.memref_slice %arg7[%parallel_loop3A_399, %parallel_loop3A_631, %parallel_loop3A_632] : memref<4x64x128xf32, #tpu.memory_space<vmem>> -> memref<1x64x128xf32, #tpu.memory_space<vmem>>
      %parallel_loop3A_634 = tpu.memref_squeeze %parallel_loop3A_633 : memref<1x64x128xf32, #tpu.memory_space<vmem>> -> memref<64x128xf32, #tpu.memory_space<vmem>>
      %parallel_loop3A_635 = arith.index_cast %parallel_loop3A_508 : i32 to index
      %parallel_loop3A_636 = arith.constant 96 : index
      %parallel_loop3A_637 = tpu.vector_load %parallel_loop3A_634[%parallel_loop3A_635, %parallel_loop3A_636] {strides = array<i32>} : memref<64x128xf32, #tpu.memory_space<vmem>>, vector<1x16xf32>,
      %parallel_loop3A_638 = vector.shape_cast %parallel_loop3A_637 : vector<1x16xf32> to vector<16xf32>
      %parallel_loop3A_639 = arith.constant 0 : i32
      %parallel_loop3A_640 = arith.constant 0 : i32
      %parallel_loop3A_641 = tpu.memref_slice %arg8[%parallel_loop3A_400, %parallel_loop3A_639, %parallel_loop3A_640] : memref<4x64x128xf32, #tpu.memory_space<vmem>> -> memref<1x64x128xf32, #tpu.memory_space<vmem>>
      %parallel_loop3A_642 = tpu.memref_squeeze %parallel_loop3A_641 : memref<1x64x128xf32, #tpu.memory_space<vmem>> -> memref<64x128xf32, #tpu.memory_space<vmem>>
      %parallel_loop3A_643 = arith.index_cast %parallel_loop3A_508 : i32 to index
      %parallel_loop3A_644 = arith.constant 96 : index
      %parallel_loop3A_645 = tpu.vector_load %parallel_loop3A_642[%parallel_loop3A_643, %parallel_loop3A_644] {strides = array<i32>} : memref<64x128xf32, #tpu.memory_space<vmem>>, vector<1x16xf32>,
      %parallel_loop3A_646 = vector.shape_cast %parallel_loop3A_645 : vector<1x16xf32> to vector<16xf32>
      %parallel_loop3A_647 = arith.subf %parallel_loop3A_638, %parallel_loop3A_646 : vector<16xf32>
      %parallel_loop3A_648 = arith.mulf %parallel_loop3A_647, %parallel_loop3A_647 : vector<16xf32>
      %parallel_loop3A_649 = arith.addf %parallel_loop3A_515, %parallel_loop3A_648 : vector<16xf32>
      %parallel_loop3A_650 = arith.constant 0 : i32
      %parallel_loop3A_651 = arith.constant 0 : i32
      %parallel_loop3A_652 = tpu.memref_slice %arg7[%parallel_loop3A_399, %parallel_loop3A_650, %parallel_loop3A_651] : memref<4x64x128xf32, #tpu.memory_space<vmem>> -> memref<1x64x128xf32, #tpu.memory_space<vmem>>
      %parallel_loop3A_653 = tpu.memref_squeeze %parallel_loop3A_652 : memref<1x64x128xf32, #tpu.memory_space<vmem>> -> memref<64x128xf32, #tpu.memory_space<vmem>>
      %parallel_loop3A_654 = arith.index_cast %parallel_loop3A_508 : i32 to index
      %parallel_loop3A_655 = arith.constant 112 : index
      %parallel_loop3A_656 = tpu.vector_load %parallel_loop3A_653[%parallel_loop3A_654, %parallel_loop3A_655] {strides = array<i32>} : memref<64x128xf32, #tpu.memory_space<vmem>>, vector<1x16xf32>,
      %parallel_loop3A_657 = vector.shape_cast %parallel_loop3A_656 : vector<1x16xf32> to vector<16xf32>
      %parallel_loop3A_658 = arith.constant 0 : i32
      %parallel_loop3A_659 = arith.constant 0 : i32
      %parallel_loop3A_660 = tpu.memref_slice %arg8[%parallel_loop3A_400, %parallel_loop3A_658, %parallel_loop3A_659] : memref<4x64x128xf32, #tpu.memory_space<vmem>> -> memref<1x64x128xf32, #tpu.memory_space<vmem>>
      %parallel_loop3A_661 = tpu.memref_squeeze %parallel_loop3A_660 : memref<1x64x128xf32, #tpu.memory_space<vmem>> -> memref<64x128xf32, #tpu.memory_space<vmem>>
      %parallel_loop3A_662 = arith.index_cast %parallel_loop3A_508 : i32 to index
      %parallel_loop3A_663 = arith.constant 112 : index
      %parallel_loop3A_664 = tpu.vector_load %parallel_loop3A_661[%parallel_loop3A_662, %parallel_loop3A_663] {strides = array<i32>} : memref<64x128xf32, #tpu.memory_space<vmem>>, vector<1x16xf32>,
      %parallel_loop3A_665 = vector.shape_cast %parallel_loop3A_664 : vector<1x16xf32> to vector<16xf32>
      %parallel_loop3A_666 = arith.subf %parallel_loop3A_657, %parallel_loop3A_665 : vector<16xf32>
      %parallel_loop3A_667 = arith.mulf %parallel_loop3A_666, %parallel_loop3A_666 : vector<16xf32>
      %parallel_loop3A_668 = arith.addf %parallel_loop3A_516, %parallel_loop3A_667 : vector<16xf32>
      scf.yield %parallel_loop3A_535, %parallel_loop3A_554, %parallel_loop3A_573, %parallel_loop3A_592, %parallel_loop3A_611, %parallel_loop3A_630, %parallel_loop3A_649, %parallel_loop3A_668 : vector<16xf32>, vector<16xf32>, vector<16xf32>, vector<16xf32>, vector<16xf32>, vector<16xf32>, vector<16xf32>, vector<16xf32>
    } {sc.loop_unroll_factor = 4 : i64, sc.parallel_access}
    %dma_wait3A_402 = arith.constant 5 : i32
    %dma_wait3A_403 = arith.constant 1 : i32
    %dma_wait3A_404 = arith.constant 0 : i32
    %dma_wait3A_405 = arith.constant 0 : i32
    %dma_wait3A_406 = tpu.memref_slice %arg8[%dma_wait3A_403, %dma_wait3A_404, %dma_wait3A_405] : memref<4x64x128xf32, #tpu.memory_space<vmem>> -> memref<1x64x128xf32, #tpu.memory_space<vmem>>
    %dma_wait3A_407 = tpu.memref_squeeze %dma_wait3A_406 : memref<1x64x128xf32, #tpu.memory_space<vmem>> -> memref<64x128xf32, #tpu.memory_space<vmem>>
    %dma_wait3A_408 = arith.constant 0 : i32
    %dma_wait3A_409 = tpu.memref_slice %arg6[%dma_wait3A_402, %dma_wait3A_408] : memref<8x64xi32, #tpu.memory_space<vmem>> -> memref<1x64xi32, #tpu.memory_space<vmem>>
    %dma_wait3A_410 = tpu.memref_squeeze %dma_wait3A_409 : memref<1x64xi32, #tpu.memory_space<vmem>> -> memref<64xi32, #tpu.memory_space<vmem>>
    %dma_wait3A_411 = arith.constant 0 : i32
    %dma_wait3A_412 = arith.constant 0 : i32
    %dma_wait3A_413 = tpu.memref_slice %arg4[%dma_wait3A_411, %dma_wait3A_412] : memref<100000x128xf32, #tpu.memory_space<hbm>> -> memref<100000x128xf32, #tpu.memory_space<hbm>>
    tpu.wait_indirect_dma semaphore(%arg11 : memref<!tpu.dma_semaphore, #tpu.memory_space<semaphore_mem>>) src(%dma_wait3A_413 : memref<100000x128xf32, #tpu.memory_space<hbm>>) dst(%dma_wait3A_407 : memref<64x128xf32, #tpu.memory_space<vmem>>)
    %dma_wait3A_414 = arith.constant 1 : i32
    %dma_wait3A_415 = arith.constant 0 : i32
    %dma_wait3A_416 = arith.constant 0 : i32
    %dma_wait3A_417 = tpu.memref_slice %arg7[%dma_wait3A_414, %dma_wait3A_415, %dma_wait3A_416] : memref<4x64x128xf32, #tpu.memory_space<vmem>> -> memref<1x64x128xf32, #tpu.memory_space<vmem>>
    %dma_wait3A_418 = tpu.memref_squeeze %dma_wait3A_417 : memref<1x64x128xf32, #tpu.memory_space<vmem>> -> memref<64x128xf32, #tpu.memory_space<vmem>>
    %dma_wait3A_419 = arith.constant 0 : i32
    %dma_wait3A_420 = tpu.memref_slice %arg2[%add3A_262, %dma_wait3A_419] : memref<16384x128xf32, #tpu.memory_space<hbm>> -> memref<64x128xf32, #tpu.memory_space<hbm>>
    %dma_wait3A_421 = arith.constant 0 : i32
    %dma_wait3A_422 = arith.constant 0 : i32
    %dma_wait3A_423 = tpu.memref_slice %arg7[%dma_wait3A_414, %dma_wait3A_421, %dma_wait3A_422] : memref<4x64x128xf32, #tpu.memory_space<vmem>> -> memref<1x64x128xf32, #tpu.memory_space<vmem>>
    %dma_wait3A_424 = tpu.memref_squeeze %dma_wait3A_423 : memref<1x64x128xf32, #tpu.memory_space<vmem>> -> memref<64x128xf32, #tpu.memory_space<vmem>>
    %dma_wait3A_425 = arith.constant 0 : i32
    %dma_wait3A_426 = tpu.memref_slice %arg2[%add3A_262, %dma_wait3A_425] : memref<16384x128xf32, #tpu.memory_space<hbm>> -> memref<64x128xf32, #tpu.memory_space<hbm>>
    tpu.wait_dma2 semaphore(%arg15 : memref<!tpu.dma_semaphore, #tpu.memory_space<semaphore_mem>>) src(%dma_wait3A_426 : memref<64x128xf32, #tpu.memory_space<hbm>>) dst(%dma_wait3A_424 : memref<64x128xf32, #tpu.memory_space<vmem>>)
    %parallel_loop3A_427 = arith.constant 0 : i32
    %parallel_loop3A_428 = arith.constant 64 : i32
    %parallel_loop3A_429 = arith.constant 1 : i32
    %parallel_loop3A_430 = arith.constant 1 : i32
    %parallel_loop3A_431 = arith.constant 1 : i32
    %parallel_loop3A_432:8 = scf.for %parallel_loop3A_508 = %parallel_loop3A_427 to %parallel_loop3A_428 step %parallel_loop3A_429 iter_args(%parallel_loop3A_509 = %parallel_loop3A_401#0, %parallel_loop3A_510 = %parallel_loop3A_401#1, %parallel_loop3A_511 = %parallel_loop3A_401#2, %parallel_loop3A_512 = %parallel_loop3A_401#3, %parallel_loop3A_513 = %parallel_loop3A_401#4, %parallel_loop3A_514 = %parallel_loop3A_401#5, %parallel_loop3A_515 = %parallel_loop3A_401#6, %parallel_loop3A_516 = %parallel_loop3A_401#7) -> (vector<16xf32>, vector<16xf32>, vector<16xf32>, vector<16xf32>, vector<16xf32>, vector<16xf32>, vector<16xf32>, vector<16xf32>)  : i32 {
      %parallel_loop3A_517 = arith.constant 0 : i32
      %parallel_loop3A_518 = arith.constant 0 : i32
      %parallel_loop3A_519 = tpu.memref_slice %arg7[%parallel_loop3A_430, %parallel_loop3A_517, %parallel_loop3A_518] : memref<4x64x128xf32, #tpu.memory_space<vmem>> -> memref<1x64x128xf32, #tpu.memory_space<vmem>>
      %parallel_loop3A_520 = tpu.memref_squeeze %parallel_loop3A_519 : memref<1x64x128xf32, #tpu.memory_space<vmem>> -> memref<64x128xf32, #tpu.memory_space<vmem>>
      %parallel_loop3A_521 = arith.index_cast %parallel_loop3A_508 : i32 to index
      %parallel_loop3A_522 = arith.constant 0 : index
      %parallel_loop3A_523 = tpu.vector_load %parallel_loop3A_520[%parallel_loop3A_521, %parallel_loop3A_522] {strides = array<i32>} : memref<64x128xf32, #tpu.memory_space<vmem>>, vector<1x16xf32>,
      %parallel_loop3A_524 = vector.shape_cast %parallel_loop3A_523 : vector<1x16xf32> to vector<16xf32>
      %parallel_loop3A_525 = arith.constant 0 : i32
      %parallel_loop3A_526 = arith.constant 0 : i32
      %parallel_loop3A_527 = tpu.memref_slice %arg8[%parallel_loop3A_431, %parallel_loop3A_525, %parallel_loop3A_526] : memref<4x64x128xf32, #tpu.memory_space<vmem>> -> memref<1x64x128xf32, #tpu.memory_space<vmem>>
      %parallel_loop3A_528 = tpu.memref_squeeze %parallel_loop3A_527 : memref<1x64x128xf32, #tpu.memory_space<vmem>> -> memref<64x128xf32, #tpu.memory_space<vmem>>
      %parallel_loop3A_529 = arith.index_cast %parallel_loop3A_508 : i32 to index
      %parallel_loop3A_530 = arith.constant 0 : index
      %parallel_loop3A_531 = tpu.vector_load %parallel_loop3A_528[%parallel_loop3A_529, %parallel_loop3A_530] {strides = array<i32>} : memref<64x128xf32, #tpu.memory_space<vmem>>, vector<1x16xf32>,
      %parallel_loop3A_532 = vector.shape_cast %parallel_loop3A_531 : vector<1x16xf32> to vector<16xf32>
      %parallel_loop3A_533 = arith.subf %parallel_loop3A_524, %parallel_loop3A_532 : vector<16xf32>
      %parallel_loop3A_534 = arith.mulf %parallel_loop3A_533, %parallel_loop3A_533 : vector<16xf32>
      %parallel_loop3A_535 = arith.addf %parallel_loop3A_509, %parallel_loop3A_534 : vector<16xf32>
      %parallel_loop3A_536 = arith.constant 0 : i32
      %parallel_loop3A_537 = arith.constant 0 : i32
      %parallel_loop3A_538 = tpu.memref_slice %arg7[%parallel_loop3A_430, %parallel_loop3A_536, %parallel_loop3A_537] : memref<4x64x128xf32, #tpu.memory_space<vmem>> -> memref<1x64x128xf32, #tpu.memory_space<vmem>>
      %parallel_loop3A_539 = tpu.memref_squeeze %parallel_loop3A_538 : memref<1x64x128xf32, #tpu.memory_space<vmem>> -> memref<64x128xf32, #tpu.memory_space<vmem>>
      %parallel_loop3A_540 = arith.index_cast %parallel_loop3A_508 : i32 to index
      %parallel_loop3A_541 = arith.constant 16 : index
      %parallel_loop3A_542 = tpu.vector_load %parallel_loop3A_539[%parallel_loop3A_540, %parallel_loop3A_541] {strides = array<i32>} : memref<64x128xf32, #tpu.memory_space<vmem>>, vector<1x16xf32>,
      %parallel_loop3A_543 = vector.shape_cast %parallel_loop3A_542 : vector<1x16xf32> to vector<16xf32>
      %parallel_loop3A_544 = arith.constant 0 : i32
      %parallel_loop3A_545 = arith.constant 0 : i32
      %parallel_loop3A_546 = tpu.memref_slice %arg8[%parallel_loop3A_431, %parallel_loop3A_544, %parallel_loop3A_545] : memref<4x64x128xf32, #tpu.memory_space<vmem>> -> memref<1x64x128xf32, #tpu.memory_space<vmem>>
      %parallel_loop3A_547 = tpu.memref_squeeze %parallel_loop3A_546 : memref<1x64x128xf32, #tpu.memory_space<vmem>> -> memref<64x128xf32, #tpu.memory_space<vmem>>
      %parallel_loop3A_548 = arith.index_cast %parallel_loop3A_508 : i32 to index
      %parallel_loop3A_549 = arith.constant 16 : index
      %parallel_loop3A_550 = tpu.vector_load %parallel_loop3A_547[%parallel_loop3A_548, %parallel_loop3A_549] {strides = array<i32>} : memref<64x128xf32, #tpu.memory_space<vmem>>, vector<1x16xf32>,
      %parallel_loop3A_551 = vector.shape_cast %parallel_loop3A_550 : vector<1x16xf32> to vector<16xf32>
      %parallel_loop3A_552 = arith.subf %parallel_loop3A_543, %parallel_loop3A_551 : vector<16xf32>
      %parallel_loop3A_553 = arith.mulf %parallel_loop3A_552, %parallel_loop3A_552 : vector<16xf32>
      %parallel_loop3A_554 = arith.addf %parallel_loop3A_510, %parallel_loop3A_553 : vector<16xf32>
      %parallel_loop3A_555 = arith.constant 0 : i32
      %parallel_loop3A_556 = arith.constant 0 : i32
      %parallel_loop3A_557 = tpu.memref_slice %arg7[%parallel_loop3A_430, %parallel_loop3A_555, %parallel_loop3A_556] : memref<4x64x128xf32, #tpu.memory_space<vmem>> -> memref<1x64x128xf32, #tpu.memory_space<vmem>>
      %parallel_loop3A_558 = tpu.memref_squeeze %parallel_loop3A_557 : memref<1x64x128xf32, #tpu.memory_space<vmem>> -> memref<64x128xf32, #tpu.memory_space<vmem>>
      %parallel_loop3A_559 = arith.index_cast %parallel_loop3A_508 : i32 to index
      %parallel_loop3A_560 = arith.constant 32 : index
      %parallel_loop3A_561 = tpu.vector_load %parallel_loop3A_558[%parallel_loop3A_559, %parallel_loop3A_560] {strides = array<i32>} : memref<64x128xf32, #tpu.memory_space<vmem>>, vector<1x16xf32>,
      %parallel_loop3A_562 = vector.shape_cast %parallel_loop3A_561 : vector<1x16xf32> to vector<16xf32>
      %parallel_loop3A_563 = arith.constant 0 : i32
      %parallel_loop3A_564 = arith.constant 0 : i32
      %parallel_loop3A_565 = tpu.memref_slice %arg8[%parallel_loop3A_431, %parallel_loop3A_563, %parallel_loop3A_564] : memref<4x64x128xf32, #tpu.memory_space<vmem>> -> memref<1x64x128xf32, #tpu.memory_space<vmem>>
      %parallel_loop3A_566 = tpu.memref_squeeze %parallel_loop3A_565 : memref<1x64x128xf32, #tpu.memory_space<vmem>> -> memref<64x128xf32, #tpu.memory_space<vmem>>
      %parallel_loop3A_567 = arith.index_cast %parallel_loop3A_508 : i32 to index
      %parallel_loop3A_568 = arith.constant 32 : index
      %parallel_loop3A_569 = tpu.vector_load %parallel_loop3A_566[%parallel_loop3A_567, %parallel_loop3A_568] {strides = array<i32>} : memref<64x128xf32, #tpu.memory_space<vmem>>, vector<1x16xf32>,
      %parallel_loop3A_570 = vector.shape_cast %parallel_loop3A_569 : vector<1x16xf32> to vector<16xf32>
      %parallel_loop3A_571 = arith.subf %parallel_loop3A_562, %parallel_loop3A_570 : vector<16xf32>
      %parallel_loop3A_572 = arith.mulf %parallel_loop3A_571, %parallel_loop3A_571 : vector<16xf32>
      %parallel_loop3A_573 = arith.addf %parallel_loop3A_511, %parallel_loop3A_572 : vector<16xf32>
      %parallel_loop3A_574 = arith.constant 0 : i32
      %parallel_loop3A_575 = arith.constant 0 : i32
      %parallel_loop3A_576 = tpu.memref_slice %arg7[%parallel_loop3A_430, %parallel_loop3A_574, %parallel_loop3A_575] : memref<4x64x128xf32, #tpu.memory_space<vmem>> -> memref<1x64x128xf32, #tpu.memory_space<vmem>>
      %parallel_loop3A_577 = tpu.memref_squeeze %parallel_loop3A_576 : memref<1x64x128xf32, #tpu.memory_space<vmem>> -> memref<64x128xf32, #tpu.memory_space<vmem>>
      %parallel_loop3A_578 = arith.index_cast %parallel_loop3A_508 : i32 to index
      %parallel_loop3A_579 = arith.constant 48 : index
      %parallel_loop3A_580 = tpu.vector_load %parallel_loop3A_577[%parallel_loop3A_578, %parallel_loop3A_579] {strides = array<i32>} : memref<64x128xf32, #tpu.memory_space<vmem>>, vector<1x16xf32>,
      %parallel_loop3A_581 = vector.shape_cast %parallel_loop3A_580 : vector<1x16xf32> to vector<16xf32>
      %parallel_loop3A_582 = arith.constant 0 : i32
      %parallel_loop3A_583 = arith.constant 0 : i32
      %parallel_loop3A_584 = tpu.memref_slice %arg8[%parallel_loop3A_431, %parallel_loop3A_582, %parallel_loop3A_583] : memref<4x64x128xf32, #tpu.memory_space<vmem>> -> memref<1x64x128xf32, #tpu.memory_space<vmem>>
      %parallel_loop3A_585 = tpu.memref_squeeze %parallel_loop3A_584 : memref<1x64x128xf32, #tpu.memory_space<vmem>> -> memref<64x128xf32, #tpu.memory_space<vmem>>
      %parallel_loop3A_586 = arith.index_cast %parallel_loop3A_508 : i32 to index
      %parallel_loop3A_587 = arith.constant 48 : index
      %parallel_loop3A_588 = tpu.vector_load %parallel_loop3A_585[%parallel_loop3A_586, %parallel_loop3A_587] {strides = array<i32>} : memref<64x128xf32, #tpu.memory_space<vmem>>, vector<1x16xf32>,
      %parallel_loop3A_589 = vector.shape_cast %parallel_loop3A_588 : vector<1x16xf32> to vector<16xf32>
      %parallel_loop3A_590 = arith.subf %parallel_loop3A_581, %parallel_loop3A_589 : vector<16xf32>
      %parallel_loop3A_591 = arith.mulf %parallel_loop3A_590, %parallel_loop3A_590 : vector<16xf32>
      %parallel_loop3A_592 = arith.addf %parallel_loop3A_512, %parallel_loop3A_591 : vector<16xf32>
      %parallel_loop3A_593 = arith.constant 0 : i32
      %parallel_loop3A_594 = arith.constant 0 : i32
      %parallel_loop3A_595 = tpu.memref_slice %arg7[%parallel_loop3A_430, %parallel_loop3A_593, %parallel_loop3A_594] : memref<4x64x128xf32, #tpu.memory_space<vmem>> -> memref<1x64x128xf32, #tpu.memory_space<vmem>>
      %parallel_loop3A_596 = tpu.memref_squeeze %parallel_loop3A_595 : memref<1x64x128xf32, #tpu.memory_space<vmem>> -> memref<64x128xf32, #tpu.memory_space<vmem>>
      %parallel_loop3A_597 = arith.index_cast %parallel_loop3A_508 : i32 to index
      %parallel_loop3A_598 = arith.constant 64 : index
      %parallel_loop3A_599 = tpu.vector_load %parallel_loop3A_596[%parallel_loop3A_597, %parallel_loop3A_598] {strides = array<i32>} : memref<64x128xf32, #tpu.memory_space<vmem>>, vector<1x16xf32>,
      %parallel_loop3A_600 = vector.shape_cast %parallel_loop3A_599 : vector<1x16xf32> to vector<16xf32>
      %parallel_loop3A_601 = arith.constant 0 : i32
      %parallel_loop3A_602 = arith.constant 0 : i32
      %parallel_loop3A_603 = tpu.memref_slice %arg8[%parallel_loop3A_431, %parallel_loop3A_601, %parallel_loop3A_602] : memref<4x64x128xf32, #tpu.memory_space<vmem>> -> memref<1x64x128xf32, #tpu.memory_space<vmem>>
      %parallel_loop3A_604 = tpu.memref_squeeze %parallel_loop3A_603 : memref<1x64x128xf32, #tpu.memory_space<vmem>> -> memref<64x128xf32, #tpu.memory_space<vmem>>
      %parallel_loop3A_605 = arith.index_cast %parallel_loop3A_508 : i32 to index
      %parallel_loop3A_606 = arith.constant 64 : index
      %parallel_loop3A_607 = tpu.vector_load %parallel_loop3A_604[%parallel_loop3A_605, %parallel_loop3A_606] {strides = array<i32>} : memref<64x128xf32, #tpu.memory_space<vmem>>, vector<1x16xf32>,
      %parallel_loop3A_608 = vector.shape_cast %parallel_loop3A_607 : vector<1x16xf32> to vector<16xf32>
      %parallel_loop3A_609 = arith.subf %parallel_loop3A_600, %parallel_loop3A_608 : vector<16xf32>
      %parallel_loop3A_610 = arith.mulf %parallel_loop3A_609, %parallel_loop3A_609 : vector<16xf32>
      %parallel_loop3A_611 = arith.addf %parallel_loop3A_513, %parallel_loop3A_610 : vector<16xf32>
      %parallel_loop3A_612 = arith.constant 0 : i32
      %parallel_loop3A_613 = arith.constant 0 : i32
      %parallel_loop3A_614 = tpu.memref_slice %arg7[%parallel_loop3A_430, %parallel_loop3A_612, %parallel_loop3A_613] : memref<4x64x128xf32, #tpu.memory_space<vmem>> -> memref<1x64x128xf32, #tpu.memory_space<vmem>>
      %parallel_loop3A_615 = tpu.memref_squeeze %parallel_loop3A_614 : memref<1x64x128xf32, #tpu.memory_space<vmem>> -> memref<64x128xf32, #tpu.memory_space<vmem>>
      %parallel_loop3A_616 = arith.index_cast %parallel_loop3A_508 : i32 to index
      %parallel_loop3A_617 = arith.constant 80 : index
      %parallel_loop3A_618 = tpu.vector_load %parallel_loop3A_615[%parallel_loop3A_616, %parallel_loop3A_617] {strides = array<i32>} : memref<64x128xf32, #tpu.memory_space<vmem>>, vector<1x16xf32>,
      %parallel_loop3A_619 = vector.shape_cast %parallel_loop3A_618 : vector<1x16xf32> to vector<16xf32>
      %parallel_loop3A_620 = arith.constant 0 : i32
      %parallel_loop3A_621 = arith.constant 0 : i32
      %parallel_loop3A_622 = tpu.memref_slice %arg8[%parallel_loop3A_431, %parallel_loop3A_620, %parallel_loop3A_621] : memref<4x64x128xf32, #tpu.memory_space<vmem>> -> memref<1x64x128xf32, #tpu.memory_space<vmem>>
      %parallel_loop3A_623 = tpu.memref_squeeze %parallel_loop3A_622 : memref<1x64x128xf32, #tpu.memory_space<vmem>> -> memref<64x128xf32, #tpu.memory_space<vmem>>
      %parallel_loop3A_624 = arith.index_cast %parallel_loop3A_508 : i32 to index
      %parallel_loop3A_625 = arith.constant 80 : index
      %parallel_loop3A_626 = tpu.vector_load %parallel_loop3A_623[%parallel_loop3A_624, %parallel_loop3A_625] {strides = array<i32>} : memref<64x128xf32, #tpu.memory_space<vmem>>, vector<1x16xf32>,
      %parallel_loop3A_627 = vector.shape_cast %parallel_loop3A_626 : vector<1x16xf32> to vector<16xf32>
      %parallel_loop3A_628 = arith.subf %parallel_loop3A_619, %parallel_loop3A_627 : vector<16xf32>
      %parallel_loop3A_629 = arith.mulf %parallel_loop3A_628, %parallel_loop3A_628 : vector<16xf32>
      %parallel_loop3A_630 = arith.addf %parallel_loop3A_514, %parallel_loop3A_629 : vector<16xf32>
      %parallel_loop3A_631 = arith.constant 0 : i32
      %parallel_loop3A_632 = arith.constant 0 : i32
      %parallel_loop3A_633 = tpu.memref_slice %arg7[%parallel_loop3A_430, %parallel_loop3A_631, %parallel_loop3A_632] : memref<4x64x128xf32, #tpu.memory_space<vmem>> -> memref<1x64x128xf32, #tpu.memory_space<vmem>>
      %parallel_loop3A_634 = tpu.memref_squeeze %parallel_loop3A_633 : memref<1x64x128xf32, #tpu.memory_space<vmem>> -> memref<64x128xf32, #tpu.memory_space<vmem>>
      %parallel_loop3A_635 = arith.index_cast %parallel_loop3A_508 : i32 to index
      %parallel_loop3A_636 = arith.constant 96 : index
      %parallel_loop3A_637 = tpu.vector_load %parallel_loop3A_634[%parallel_loop3A_635, %parallel_loop3A_636] {strides = array<i32>} : memref<64x128xf32, #tpu.memory_space<vmem>>, vector<1x16xf32>,
      %parallel_loop3A_638 = vector.shape_cast %parallel_loop3A_637 : vector<1x16xf32> to vector<16xf32>
      %parallel_loop3A_639 = arith.constant 0 : i32
      %parallel_loop3A_640 = arith.constant 0 : i32
      %parallel_loop3A_641 = tpu.memref_slice %arg8[%parallel_loop3A_431, %parallel_loop3A_639, %parallel_loop3A_640] : memref<4x64x128xf32, #tpu.memory_space<vmem>> -> memref<1x64x128xf32, #tpu.memory_space<vmem>>
      %parallel_loop3A_642 = tpu.memref_squeeze %parallel_loop3A_641 : memref<1x64x128xf32, #tpu.memory_space<vmem>> -> memref<64x128xf32, #tpu.memory_space<vmem>>
      %parallel_loop3A_643 = arith.index_cast %parallel_loop3A_508 : i32 to index
      %parallel_loop3A_644 = arith.constant 96 : index
      %parallel_loop3A_645 = tpu.vector_load %parallel_loop3A_642[%parallel_loop3A_643, %parallel_loop3A_644] {strides = array<i32>} : memref<64x128xf32, #tpu.memory_space<vmem>>, vector<1x16xf32>,
      %parallel_loop3A_646 = vector.shape_cast %parallel_loop3A_645 : vector<1x16xf32> to vector<16xf32>
      %parallel_loop3A_647 = arith.subf %parallel_loop3A_638, %parallel_loop3A_646 : vector<16xf32>
      %parallel_loop3A_648 = arith.mulf %parallel_loop3A_647, %parallel_loop3A_647 : vector<16xf32>
      %parallel_loop3A_649 = arith.addf %parallel_loop3A_515, %parallel_loop3A_648 : vector<16xf32>
      %parallel_loop3A_650 = arith.constant 0 : i32
      %parallel_loop3A_651 = arith.constant 0 : i32
      %parallel_loop3A_652 = tpu.memref_slice %arg7[%parallel_loop3A_430, %parallel_loop3A_650, %parallel_loop3A_651] : memref<4x64x128xf32, #tpu.memory_space<vmem>> -> memref<1x64x128xf32, #tpu.memory_space<vmem>>
      %parallel_loop3A_653 = tpu.memref_squeeze %parallel_loop3A_652 : memref<1x64x128xf32, #tpu.memory_space<vmem>> -> memref<64x128xf32, #tpu.memory_space<vmem>>
      %parallel_loop3A_654 = arith.index_cast %parallel_loop3A_508 : i32 to index
      %parallel_loop3A_655 = arith.constant 112 : index
      %parallel_loop3A_656 = tpu.vector_load %parallel_loop3A_653[%parallel_loop3A_654, %parallel_loop3A_655] {strides = array<i32>} : memref<64x128xf32, #tpu.memory_space<vmem>>, vector<1x16xf32>,
      %parallel_loop3A_657 = vector.shape_cast %parallel_loop3A_656 : vector<1x16xf32> to vector<16xf32>
      %parallel_loop3A_658 = arith.constant 0 : i32
      %parallel_loop3A_659 = arith.constant 0 : i32
      %parallel_loop3A_660 = tpu.memref_slice %arg8[%parallel_loop3A_431, %parallel_loop3A_658, %parallel_loop3A_659] : memref<4x64x128xf32, #tpu.memory_space<vmem>> -> memref<1x64x128xf32, #tpu.memory_space<vmem>>
      %parallel_loop3A_661 = tpu.memref_squeeze %parallel_loop3A_660 : memref<1x64x128xf32, #tpu.memory_space<vmem>> -> memref<64x128xf32, #tpu.memory_space<vmem>>
      %parallel_loop3A_662 = arith.index_cast %parallel_loop3A_508 : i32 to index
      %parallel_loop3A_663 = arith.constant 112 : index
      %parallel_loop3A_664 = tpu.vector_load %parallel_loop3A_661[%parallel_loop3A_662, %parallel_loop3A_663] {strides = array<i32>} : memref<64x128xf32, #tpu.memory_space<vmem>>, vector<1x16xf32>,
      %parallel_loop3A_665 = vector.shape_cast %parallel_loop3A_664 : vector<1x16xf32> to vector<16xf32>
      %parallel_loop3A_666 = arith.subf %parallel_loop3A_657, %parallel_loop3A_665 : vector<16xf32>
      %parallel_loop3A_667 = arith.mulf %parallel_loop3A_666, %parallel_loop3A_666 : vector<16xf32>
      %parallel_loop3A_668 = arith.addf %parallel_loop3A_516, %parallel_loop3A_667 : vector<16xf32>
      scf.yield %parallel_loop3A_535, %parallel_loop3A_554, %parallel_loop3A_573, %parallel_loop3A_592, %parallel_loop3A_611, %parallel_loop3A_630, %parallel_loop3A_649, %parallel_loop3A_668 : vector<16xf32>, vector<16xf32>, vector<16xf32>, vector<16xf32>, vector<16xf32>, vector<16xf32>, vector<16xf32>, vector<16xf32>
    } {sc.loop_unroll_factor = 4 : i64, sc.parallel_access}
    %dma_wait3A_433 = arith.constant 6 : i32
    %dma_wait3A_434 = arith.constant 2 : i32
    %dma_wait3A_435 = arith.constant 0 : i32
    %dma_wait3A_436 = arith.constant 0 : i32
    %dma_wait3A_437 = tpu.memref_slice %arg8[%dma_wait3A_434, %dma_wait3A_435, %dma_wait3A_436] : memref<4x64x128xf32, #tpu.memory_space<vmem>> -> memref<1x64x128xf32, #tpu.memory_space<vmem>>
    %dma_wait3A_438 = tpu.memref_squeeze %dma_wait3A_437 : memref<1x64x128xf32, #tpu.memory_space<vmem>> -> memref<64x128xf32, #tpu.memory_space<vmem>>
    %dma_wait3A_439 = arith.constant 0 : i32
    %dma_wait3A_440 = tpu.memref_slice %arg6[%dma_wait3A_433, %dma_wait3A_439] : memref<8x64xi32, #tpu.memory_space<vmem>> -> memref<1x64xi32, #tpu.memory_space<vmem>>
    %dma_wait3A_441 = tpu.memref_squeeze %dma_wait3A_440 : memref<1x64xi32, #tpu.memory_space<vmem>> -> memref<64xi32, #tpu.memory_space<vmem>>
    %dma_wait3A_442 = arith.constant 0 : i32
    %dma_wait3A_443 = arith.constant 0 : i32
    %dma_wait3A_444 = tpu.memref_slice %arg4[%dma_wait3A_442, %dma_wait3A_443] : memref<100000x128xf32, #tpu.memory_space<hbm>> -> memref<100000x128xf32, #tpu.memory_space<hbm>>
    tpu.wait_indirect_dma semaphore(%arg12 : memref<!tpu.dma_semaphore, #tpu.memory_space<semaphore_mem>>) src(%dma_wait3A_444 : memref<100000x128xf32, #tpu.memory_space<hbm>>) dst(%dma_wait3A_438 : memref<64x128xf32, #tpu.memory_space<vmem>>)
    %dma_wait3A_445 = arith.constant 2 : i32
    %dma_wait3A_446 = arith.constant 0 : i32
    %dma_wait3A_447 = arith.constant 0 : i32
    %dma_wait3A_448 = tpu.memref_slice %arg7[%dma_wait3A_445, %dma_wait3A_446, %dma_wait3A_447] : memref<4x64x128xf32, #tpu.memory_space<vmem>> -> memref<1x64x128xf32, #tpu.memory_space<vmem>>
    %dma_wait3A_449 = tpu.memref_squeeze %dma_wait3A_448 : memref<1x64x128xf32, #tpu.memory_space<vmem>> -> memref<64x128xf32, #tpu.memory_space<vmem>>
    %dma_wait3A_450 = arith.constant 0 : i32
    %dma_wait3A_451 = tpu.memref_slice %arg2[%add3A_322, %dma_wait3A_450] : memref<16384x128xf32, #tpu.memory_space<hbm>> -> memref<64x128xf32, #tpu.memory_space<hbm>>
    %dma_wait3A_452 = arith.constant 0 : i32
    %dma_wait3A_453 = arith.constant 0 : i32
    %dma_wait3A_454 = tpu.memref_slice %arg7[%dma_wait3A_445, %dma_wait3A_452, %dma_wait3A_453] : memref<4x64x128xf32, #tpu.memory_space<vmem>> -> memref<1x64x128xf32, #tpu.memory_space<vmem>>
    %dma_wait3A_455 = tpu.memref_squeeze %dma_wait3A_454 : memref<1x64x128xf32, #tpu.memory_space<vmem>> -> memref<64x128xf32, #tpu.memory_space<vmem>>
    %dma_wait3A_456 = arith.constant 0 : i32
    %dma_wait3A_457 = tpu.memref_slice %arg2[%add3A_322, %dma_wait3A_456] : memref<16384x128xf32, #tpu.memory_space<hbm>> -> memref<64x128xf32, #tpu.memory_space<hbm>>
    tpu.wait_dma2 semaphore(%arg16 : memref<!tpu.dma_semaphore, #tpu.memory_space<semaphore_mem>>) src(%dma_wait3A_457 : memref<64x128xf32, #tpu.memory_space<hbm>>) dst(%dma_wait3A_455 : memref<64x128xf32, #tpu.memory_space<vmem>>)
    %parallel_loop3A_458 = arith.constant 0 : i32
    %parallel_loop3A_459 = arith.constant 64 : i32
    %parallel_loop3A_460 = arith.constant 1 : i32
    %parallel_loop3A_461 = arith.constant 2 : i32
    %parallel_loop3A_462 = arith.constant 2 : i32
    %parallel_loop3A_463:8 = scf.for %parallel_loop3A_508 = %parallel_loop3A_458 to %parallel_loop3A_459 step %parallel_loop3A_460 iter_args(%parallel_loop3A_509 = %parallel_loop3A_432#0, %parallel_loop3A_510 = %parallel_loop3A_432#1, %parallel_loop3A_511 = %parallel_loop3A_432#2, %parallel_loop3A_512 = %parallel_loop3A_432#3, %parallel_loop3A_513 = %parallel_loop3A_432#4, %parallel_loop3A_514 = %parallel_loop3A_432#5, %parallel_loop3A_515 = %parallel_loop3A_432#6, %parallel_loop3A_516 = %parallel_loop3A_432#7) -> (vector<16xf32>, vector<16xf32>, vector<16xf32>, vector<16xf32>, vector<16xf32>, vector<16xf32>, vector<16xf32>, vector<16xf32>)  : i32 {
      %parallel_loop3A_517 = arith.constant 0 : i32
      %parallel_loop3A_518 = arith.constant 0 : i32
      %parallel_loop3A_519 = tpu.memref_slice %arg7[%parallel_loop3A_461, %parallel_loop3A_517, %parallel_loop3A_518] : memref<4x64x128xf32, #tpu.memory_space<vmem>> -> memref<1x64x128xf32, #tpu.memory_space<vmem>>
      %parallel_loop3A_520 = tpu.memref_squeeze %parallel_loop3A_519 : memref<1x64x128xf32, #tpu.memory_space<vmem>> -> memref<64x128xf32, #tpu.memory_space<vmem>>
      %parallel_loop3A_521 = arith.index_cast %parallel_loop3A_508 : i32 to index
      %parallel_loop3A_522 = arith.constant 0 : index
      %parallel_loop3A_523 = tpu.vector_load %parallel_loop3A_520[%parallel_loop3A_521, %parallel_loop3A_522] {strides = array<i32>} : memref<64x128xf32, #tpu.memory_space<vmem>>, vector<1x16xf32>,
      %parallel_loop3A_524 = vector.shape_cast %parallel_loop3A_523 : vector<1x16xf32> to vector<16xf32>
      %parallel_loop3A_525 = arith.constant 0 : i32
      %parallel_loop3A_526 = arith.constant 0 : i32
      %parallel_loop3A_527 = tpu.memref_slice %arg8[%parallel_loop3A_462, %parallel_loop3A_525, %parallel_loop3A_526] : memref<4x64x128xf32, #tpu.memory_space<vmem>> -> memref<1x64x128xf32, #tpu.memory_space<vmem>>
      %parallel_loop3A_528 = tpu.memref_squeeze %parallel_loop3A_527 : memref<1x64x128xf32, #tpu.memory_space<vmem>> -> memref<64x128xf32, #tpu.memory_space<vmem>>
      %parallel_loop3A_529 = arith.index_cast %parallel_loop3A_508 : i32 to index
      %parallel_loop3A_530 = arith.constant 0 : index
      %parallel_loop3A_531 = tpu.vector_load %parallel_loop3A_528[%parallel_loop3A_529, %parallel_loop3A_530] {strides = array<i32>} : memref<64x128xf32, #tpu.memory_space<vmem>>, vector<1x16xf32>,
      %parallel_loop3A_532 = vector.shape_cast %parallel_loop3A_531 : vector<1x16xf32> to vector<16xf32>
      %parallel_loop3A_533 = arith.subf %parallel_loop3A_524, %parallel_loop3A_532 : vector<16xf32>
      %parallel_loop3A_534 = arith.mulf %parallel_loop3A_533, %parallel_loop3A_533 : vector<16xf32>
      %parallel_loop3A_535 = arith.addf %parallel_loop3A_509, %parallel_loop3A_534 : vector<16xf32>
      %parallel_loop3A_536 = arith.constant 0 : i32
      %parallel_loop3A_537 = arith.constant 0 : i32
      %parallel_loop3A_538 = tpu.memref_slice %arg7[%parallel_loop3A_461, %parallel_loop3A_536, %parallel_loop3A_537] : memref<4x64x128xf32, #tpu.memory_space<vmem>> -> memref<1x64x128xf32, #tpu.memory_space<vmem>>
      %parallel_loop3A_539 = tpu.memref_squeeze %parallel_loop3A_538 : memref<1x64x128xf32, #tpu.memory_space<vmem>> -> memref<64x128xf32, #tpu.memory_space<vmem>>
      %parallel_loop3A_540 = arith.index_cast %parallel_loop3A_508 : i32 to index
      %parallel_loop3A_541 = arith.constant 16 : index
      %parallel_loop3A_542 = tpu.vector_load %parallel_loop3A_539[%parallel_loop3A_540, %parallel_loop3A_541] {strides = array<i32>} : memref<64x128xf32, #tpu.memory_space<vmem>>, vector<1x16xf32>,
      %parallel_loop3A_543 = vector.shape_cast %parallel_loop3A_542 : vector<1x16xf32> to vector<16xf32>
      %parallel_loop3A_544 = arith.constant 0 : i32
      %parallel_loop3A_545 = arith.constant 0 : i32
      %parallel_loop3A_546 = tpu.memref_slice %arg8[%parallel_loop3A_462, %parallel_loop3A_544, %parallel_loop3A_545] : memref<4x64x128xf32, #tpu.memory_space<vmem>> -> memref<1x64x128xf32, #tpu.memory_space<vmem>>
      %parallel_loop3A_547 = tpu.memref_squeeze %parallel_loop3A_546 : memref<1x64x128xf32, #tpu.memory_space<vmem>> -> memref<64x128xf32, #tpu.memory_space<vmem>>
      %parallel_loop3A_548 = arith.index_cast %parallel_loop3A_508 : i32 to index
      %parallel_loop3A_549 = arith.constant 16 : index
      %parallel_loop3A_550 = tpu.vector_load %parallel_loop3A_547[%parallel_loop3A_548, %parallel_loop3A_549] {strides = array<i32>} : memref<64x128xf32, #tpu.memory_space<vmem>>, vector<1x16xf32>,
      %parallel_loop3A_551 = vector.shape_cast %parallel_loop3A_550 : vector<1x16xf32> to vector<16xf32>
      %parallel_loop3A_552 = arith.subf %parallel_loop3A_543, %parallel_loop3A_551 : vector<16xf32>
      %parallel_loop3A_553 = arith.mulf %parallel_loop3A_552, %parallel_loop3A_552 : vector<16xf32>
      %parallel_loop3A_554 = arith.addf %parallel_loop3A_510, %parallel_loop3A_553 : vector<16xf32>
      %parallel_loop3A_555 = arith.constant 0 : i32
      %parallel_loop3A_556 = arith.constant 0 : i32
      %parallel_loop3A_557 = tpu.memref_slice %arg7[%parallel_loop3A_461, %parallel_loop3A_555, %parallel_loop3A_556] : memref<4x64x128xf32, #tpu.memory_space<vmem>> -> memref<1x64x128xf32, #tpu.memory_space<vmem>>
      %parallel_loop3A_558 = tpu.memref_squeeze %parallel_loop3A_557 : memref<1x64x128xf32, #tpu.memory_space<vmem>> -> memref<64x128xf32, #tpu.memory_space<vmem>>
      %parallel_loop3A_559 = arith.index_cast %parallel_loop3A_508 : i32 to index
      %parallel_loop3A_560 = arith.constant 32 : index
      %parallel_loop3A_561 = tpu.vector_load %parallel_loop3A_558[%parallel_loop3A_559, %parallel_loop3A_560] {strides = array<i32>} : memref<64x128xf32, #tpu.memory_space<vmem>>, vector<1x16xf32>,
      %parallel_loop3A_562 = vector.shape_cast %parallel_loop3A_561 : vector<1x16xf32> to vector<16xf32>
      %parallel_loop3A_563 = arith.constant 0 : i32
      %parallel_loop3A_564 = arith.constant 0 : i32
      %parallel_loop3A_565 = tpu.memref_slice %arg8[%parallel_loop3A_462, %parallel_loop3A_563, %parallel_loop3A_564] : memref<4x64x128xf32, #tpu.memory_space<vmem>> -> memref<1x64x128xf32, #tpu.memory_space<vmem>>
      %parallel_loop3A_566 = tpu.memref_squeeze %parallel_loop3A_565 : memref<1x64x128xf32, #tpu.memory_space<vmem>> -> memref<64x128xf32, #tpu.memory_space<vmem>>
      %parallel_loop3A_567 = arith.index_cast %parallel_loop3A_508 : i32 to index
      %parallel_loop3A_568 = arith.constant 32 : index
      %parallel_loop3A_569 = tpu.vector_load %parallel_loop3A_566[%parallel_loop3A_567, %parallel_loop3A_568] {strides = array<i32>} : memref<64x128xf32, #tpu.memory_space<vmem>>, vector<1x16xf32>,
      %parallel_loop3A_570 = vector.shape_cast %parallel_loop3A_569 : vector<1x16xf32> to vector<16xf32>
      %parallel_loop3A_571 = arith.subf %parallel_loop3A_562, %parallel_loop3A_570 : vector<16xf32>
      %parallel_loop3A_572 = arith.mulf %parallel_loop3A_571, %parallel_loop3A_571 : vector<16xf32>
      %parallel_loop3A_573 = arith.addf %parallel_loop3A_511, %parallel_loop3A_572 : vector<16xf32>
      %parallel_loop3A_574 = arith.constant 0 : i32
      %parallel_loop3A_575 = arith.constant 0 : i32
      %parallel_loop3A_576 = tpu.memref_slice %arg7[%parallel_loop3A_461, %parallel_loop3A_574, %parallel_loop3A_575] : memref<4x64x128xf32, #tpu.memory_space<vmem>> -> memref<1x64x128xf32, #tpu.memory_space<vmem>>
      %parallel_loop3A_577 = tpu.memref_squeeze %parallel_loop3A_576 : memref<1x64x128xf32, #tpu.memory_space<vmem>> -> memref<64x128xf32, #tpu.memory_space<vmem>>
      %parallel_loop3A_578 = arith.index_cast %parallel_loop3A_508 : i32 to index
      %parallel_loop3A_579 = arith.constant 48 : index
      %parallel_loop3A_580 = tpu.vector_load %parallel_loop3A_577[%parallel_loop3A_578, %parallel_loop3A_579] {strides = array<i32>} : memref<64x128xf32, #tpu.memory_space<vmem>>, vector<1x16xf32>,
      %parallel_loop3A_581 = vector.shape_cast %parallel_loop3A_580 : vector<1x16xf32> to vector<16xf32>
      %parallel_loop3A_582 = arith.constant 0 : i32
      %parallel_loop3A_583 = arith.constant 0 : i32
      %parallel_loop3A_584 = tpu.memref_slice %arg8[%parallel_loop3A_462, %parallel_loop3A_582, %parallel_loop3A_583] : memref<4x64x128xf32, #tpu.memory_space<vmem>> -> memref<1x64x128xf32, #tpu.memory_space<vmem>>
      %parallel_loop3A_585 = tpu.memref_squeeze %parallel_loop3A_584 : memref<1x64x128xf32, #tpu.memory_space<vmem>> -> memref<64x128xf32, #tpu.memory_space<vmem>>
      %parallel_loop3A_586 = arith.index_cast %parallel_loop3A_508 : i32 to index
      %parallel_loop3A_587 = arith.constant 48 : index
      %parallel_loop3A_588 = tpu.vector_load %parallel_loop3A_585[%parallel_loop3A_586, %parallel_loop3A_587] {strides = array<i32>} : memref<64x128xf32, #tpu.memory_space<vmem>>, vector<1x16xf32>,
      %parallel_loop3A_589 = vector.shape_cast %parallel_loop3A_588 : vector<1x16xf32> to vector<16xf32>
      %parallel_loop3A_590 = arith.subf %parallel_loop3A_581, %parallel_loop3A_589 : vector<16xf32>
      %parallel_loop3A_591 = arith.mulf %parallel_loop3A_590, %parallel_loop3A_590 : vector<16xf32>
      %parallel_loop3A_592 = arith.addf %parallel_loop3A_512, %parallel_loop3A_591 : vector<16xf32>
      %parallel_loop3A_593 = arith.constant 0 : i32
      %parallel_loop3A_594 = arith.constant 0 : i32
      %parallel_loop3A_595 = tpu.memref_slice %arg7[%parallel_loop3A_461, %parallel_loop3A_593, %parallel_loop3A_594] : memref<4x64x128xf32, #tpu.memory_space<vmem>> -> memref<1x64x128xf32, #tpu.memory_space<vmem>>
      %parallel_loop3A_596 = tpu.memref_squeeze %parallel_loop3A_595 : memref<1x64x128xf32, #tpu.memory_space<vmem>> -> memref<64x128xf32, #tpu.memory_space<vmem>>
      %parallel_loop3A_597 = arith.index_cast %parallel_loop3A_508 : i32 to index
      %parallel_loop3A_598 = arith.constant 64 : index
      %parallel_loop3A_599 = tpu.vector_load %parallel_loop3A_596[%parallel_loop3A_597, %parallel_loop3A_598] {strides = array<i32>} : memref<64x128xf32, #tpu.memory_space<vmem>>, vector<1x16xf32>,
      %parallel_loop3A_600 = vector.shape_cast %parallel_loop3A_599 : vector<1x16xf32> to vector<16xf32>
      %parallel_loop3A_601 = arith.constant 0 : i32
      %parallel_loop3A_602 = arith.constant 0 : i32
      %parallel_loop3A_603 = tpu.memref_slice %arg8[%parallel_loop3A_462, %parallel_loop3A_601, %parallel_loop3A_602] : memref<4x64x128xf32, #tpu.memory_space<vmem>> -> memref<1x64x128xf32, #tpu.memory_space<vmem>>
      %parallel_loop3A_604 = tpu.memref_squeeze %parallel_loop3A_603 : memref<1x64x128xf32, #tpu.memory_space<vmem>> -> memref<64x128xf32, #tpu.memory_space<vmem>>
      %parallel_loop3A_605 = arith.index_cast %parallel_loop3A_508 : i32 to index
      %parallel_loop3A_606 = arith.constant 64 : index
      %parallel_loop3A_607 = tpu.vector_load %parallel_loop3A_604[%parallel_loop3A_605, %parallel_loop3A_606] {strides = array<i32>} : memref<64x128xf32, #tpu.memory_space<vmem>>, vector<1x16xf32>,
      %parallel_loop3A_608 = vector.shape_cast %parallel_loop3A_607 : vector<1x16xf32> to vector<16xf32>
      %parallel_loop3A_609 = arith.subf %parallel_loop3A_600, %parallel_loop3A_608 : vector<16xf32>
      %parallel_loop3A_610 = arith.mulf %parallel_loop3A_609, %parallel_loop3A_609 : vector<16xf32>
      %parallel_loop3A_611 = arith.addf %parallel_loop3A_513, %parallel_loop3A_610 : vector<16xf32>
      %parallel_loop3A_612 = arith.constant 0 : i32
      %parallel_loop3A_613 = arith.constant 0 : i32
      %parallel_loop3A_614 = tpu.memref_slice %arg7[%parallel_loop3A_461, %parallel_loop3A_612, %parallel_loop3A_613] : memref<4x64x128xf32, #tpu.memory_space<vmem>> -> memref<1x64x128xf32, #tpu.memory_space<vmem>>
      %parallel_loop3A_615 = tpu.memref_squeeze %parallel_loop3A_614 : memref<1x64x128xf32, #tpu.memory_space<vmem>> -> memref<64x128xf32, #tpu.memory_space<vmem>>
      %parallel_loop3A_616 = arith.index_cast %parallel_loop3A_508 : i32 to index
      %parallel_loop3A_617 = arith.constant 80 : index
      %parallel_loop3A_618 = tpu.vector_load %parallel_loop3A_615[%parallel_loop3A_616, %parallel_loop3A_617] {strides = array<i32>} : memref<64x128xf32, #tpu.memory_space<vmem>>, vector<1x16xf32>,
      %parallel_loop3A_619 = vector.shape_cast %parallel_loop3A_618 : vector<1x16xf32> to vector<16xf32>
      %parallel_loop3A_620 = arith.constant 0 : i32
      %parallel_loop3A_621 = arith.constant 0 : i32
      %parallel_loop3A_622 = tpu.memref_slice %arg8[%parallel_loop3A_462, %parallel_loop3A_620, %parallel_loop3A_621] : memref<4x64x128xf32, #tpu.memory_space<vmem>> -> memref<1x64x128xf32, #tpu.memory_space<vmem>>
      %parallel_loop3A_623 = tpu.memref_squeeze %parallel_loop3A_622 : memref<1x64x128xf32, #tpu.memory_space<vmem>> -> memref<64x128xf32, #tpu.memory_space<vmem>>
      %parallel_loop3A_624 = arith.index_cast %parallel_loop3A_508 : i32 to index
      %parallel_loop3A_625 = arith.constant 80 : index
      %parallel_loop3A_626 = tpu.vector_load %parallel_loop3A_623[%parallel_loop3A_624, %parallel_loop3A_625] {strides = array<i32>} : memref<64x128xf32, #tpu.memory_space<vmem>>, vector<1x16xf32>,
      %parallel_loop3A_627 = vector.shape_cast %parallel_loop3A_626 : vector<1x16xf32> to vector<16xf32>
      %parallel_loop3A_628 = arith.subf %parallel_loop3A_619, %parallel_loop3A_627 : vector<16xf32>
      %parallel_loop3A_629 = arith.mulf %parallel_loop3A_628, %parallel_loop3A_628 : vector<16xf32>
      %parallel_loop3A_630 = arith.addf %parallel_loop3A_514, %parallel_loop3A_629 : vector<16xf32>
      %parallel_loop3A_631 = arith.constant 0 : i32
      %parallel_loop3A_632 = arith.constant 0 : i32
      %parallel_loop3A_633 = tpu.memref_slice %arg7[%parallel_loop3A_461, %parallel_loop3A_631, %parallel_loop3A_632] : memref<4x64x128xf32, #tpu.memory_space<vmem>> -> memref<1x64x128xf32, #tpu.memory_space<vmem>>
      %parallel_loop3A_634 = tpu.memref_squeeze %parallel_loop3A_633 : memref<1x64x128xf32, #tpu.memory_space<vmem>> -> memref<64x128xf32, #tpu.memory_space<vmem>>
      %parallel_loop3A_635 = arith.index_cast %parallel_loop3A_508 : i32 to index
      %parallel_loop3A_636 = arith.constant 96 : index
      %parallel_loop3A_637 = tpu.vector_load %parallel_loop3A_634[%parallel_loop3A_635, %parallel_loop3A_636] {strides = array<i32>} : memref<64x128xf32, #tpu.memory_space<vmem>>, vector<1x16xf32>,
      %parallel_loop3A_638 = vector.shape_cast %parallel_loop3A_637 : vector<1x16xf32> to vector<16xf32>
      %parallel_loop3A_639 = arith.constant 0 : i32
      %parallel_loop3A_640 = arith.constant 0 : i32
      %parallel_loop3A_641 = tpu.memref_slice %arg8[%parallel_loop3A_462, %parallel_loop3A_639, %parallel_loop3A_640] : memref<4x64x128xf32, #tpu.memory_space<vmem>> -> memref<1x64x128xf32, #tpu.memory_space<vmem>>
      %parallel_loop3A_642 = tpu.memref_squeeze %parallel_loop3A_641 : memref<1x64x128xf32, #tpu.memory_space<vmem>> -> memref<64x128xf32, #tpu.memory_space<vmem>>
      %parallel_loop3A_643 = arith.index_cast %parallel_loop3A_508 : i32 to index
      %parallel_loop3A_644 = arith.constant 96 : index
      %parallel_loop3A_645 = tpu.vector_load %parallel_loop3A_642[%parallel_loop3A_643, %parallel_loop3A_644] {strides = array<i32>} : memref<64x128xf32, #tpu.memory_space<vmem>>, vector<1x16xf32>,
      %parallel_loop3A_646 = vector.shape_cast %parallel_loop3A_645 : vector<1x16xf32> to vector<16xf32>
      %parallel_loop3A_647 = arith.subf %parallel_loop3A_638, %parallel_loop3A_646 : vector<16xf32>
      %parallel_loop3A_648 = arith.mulf %parallel_loop3A_647, %parallel_loop3A_647 : vector<16xf32>
      %parallel_loop3A_649 = arith.addf %parallel_loop3A_515, %parallel_loop3A_648 : vector<16xf32>
      %parallel_loop3A_650 = arith.constant 0 : i32
      %parallel_loop3A_651 = arith.constant 0 : i32
      %parallel_loop3A_652 = tpu.memref_slice %arg7[%parallel_loop3A_461, %parallel_loop3A_650, %parallel_loop3A_651] : memref<4x64x128xf32, #tpu.memory_space<vmem>> -> memref<1x64x128xf32, #tpu.memory_space<vmem>>
      %parallel_loop3A_653 = tpu.memref_squeeze %parallel_loop3A_652 : memref<1x64x128xf32, #tpu.memory_space<vmem>> -> memref<64x128xf32, #tpu.memory_space<vmem>>
      %parallel_loop3A_654 = arith.index_cast %parallel_loop3A_508 : i32 to index
      %parallel_loop3A_655 = arith.constant 112 : index
      %parallel_loop3A_656 = tpu.vector_load %parallel_loop3A_653[%parallel_loop3A_654, %parallel_loop3A_655] {strides = array<i32>} : memref<64x128xf32, #tpu.memory_space<vmem>>, vector<1x16xf32>,
      %parallel_loop3A_657 = vector.shape_cast %parallel_loop3A_656 : vector<1x16xf32> to vector<16xf32>
      %parallel_loop3A_658 = arith.constant 0 : i32
      %parallel_loop3A_659 = arith.constant 0 : i32
      %parallel_loop3A_660 = tpu.memref_slice %arg8[%parallel_loop3A_462, %parallel_loop3A_658, %parallel_loop3A_659] : memref<4x64x128xf32, #tpu.memory_space<vmem>> -> memref<1x64x128xf32, #tpu.memory_space<vmem>>
      %parallel_loop3A_661 = tpu.memref_squeeze %parallel_loop3A_660 : memref<1x64x128xf32, #tpu.memory_space<vmem>> -> memref<64x128xf32, #tpu.memory_space<vmem>>
      %parallel_loop3A_662 = arith.index_cast %parallel_loop3A_508 : i32 to index
      %parallel_loop3A_663 = arith.constant 112 : index
      %parallel_loop3A_664 = tpu.vector_load %parallel_loop3A_661[%parallel_loop3A_662, %parallel_loop3A_663] {strides = array<i32>} : memref<64x128xf32, #tpu.memory_space<vmem>>, vector<1x16xf32>,
      %parallel_loop3A_665 = vector.shape_cast %parallel_loop3A_664 : vector<1x16xf32> to vector<16xf32>
      %parallel_loop3A_666 = arith.subf %parallel_loop3A_657, %parallel_loop3A_665 : vector<16xf32>
      %parallel_loop3A_667 = arith.mulf %parallel_loop3A_666, %parallel_loop3A_666 : vector<16xf32>
      %parallel_loop3A_668 = arith.addf %parallel_loop3A_516, %parallel_loop3A_667 : vector<16xf32>
      scf.yield %parallel_loop3A_535, %parallel_loop3A_554, %parallel_loop3A_573, %parallel_loop3A_592, %parallel_loop3A_611, %parallel_loop3A_630, %parallel_loop3A_649, %parallel_loop3A_668 : vector<16xf32>, vector<16xf32>, vector<16xf32>, vector<16xf32>, vector<16xf32>, vector<16xf32>, vector<16xf32>, vector<16xf32>
    } {sc.loop_unroll_factor = 4 : i64, sc.parallel_access}
    %dma_wait3A_464 = arith.constant 7 : i32
    %dma_wait3A_465 = arith.constant 3 : i32
    %dma_wait3A_466 = arith.constant 0 : i32
    %dma_wait3A_467 = arith.constant 0 : i32
    %dma_wait3A_468 = tpu.memref_slice %arg8[%dma_wait3A_465, %dma_wait3A_466, %dma_wait3A_467] : memref<4x64x128xf32, #tpu.memory_space<vmem>> -> memref<1x64x128xf32, #tpu.memory_space<vmem>>
    %dma_wait3A_469 = tpu.memref_squeeze %dma_wait3A_468 : memref<1x64x128xf32, #tpu.memory_space<vmem>> -> memref<64x128xf32, #tpu.memory_space<vmem>>
    %dma_wait3A_470 = arith.constant 0 : i32
    %dma_wait3A_471 = tpu.memref_slice %arg6[%dma_wait3A_464, %dma_wait3A_470] : memref<8x64xi32, #tpu.memory_space<vmem>> -> memref<1x64xi32, #tpu.memory_space<vmem>>
    %dma_wait3A_472 = tpu.memref_squeeze %dma_wait3A_471 : memref<1x64xi32, #tpu.memory_space<vmem>> -> memref<64xi32, #tpu.memory_space<vmem>>
    %dma_wait3A_473 = arith.constant 0 : i32
    %dma_wait3A_474 = arith.constant 0 : i32
    %dma_wait3A_475 = tpu.memref_slice %arg4[%dma_wait3A_473, %dma_wait3A_474] : memref<100000x128xf32, #tpu.memory_space<hbm>> -> memref<100000x128xf32, #tpu.memory_space<hbm>>
    tpu.wait_indirect_dma semaphore(%arg13 : memref<!tpu.dma_semaphore, #tpu.memory_space<semaphore_mem>>) src(%dma_wait3A_475 : memref<100000x128xf32, #tpu.memory_space<hbm>>) dst(%dma_wait3A_469 : memref<64x128xf32, #tpu.memory_space<vmem>>)
    %dma_wait3A_476 = arith.constant 3 : i32
    %dma_wait3A_477 = arith.constant 0 : i32
    %dma_wait3A_478 = arith.constant 0 : i32
    %dma_wait3A_479 = tpu.memref_slice %arg7[%dma_wait3A_476, %dma_wait3A_477, %dma_wait3A_478] : memref<4x64x128xf32, #tpu.memory_space<vmem>> -> memref<1x64x128xf32, #tpu.memory_space<vmem>>
    %dma_wait3A_480 = tpu.memref_squeeze %dma_wait3A_479 : memref<1x64x128xf32, #tpu.memory_space<vmem>> -> memref<64x128xf32, #tpu.memory_space<vmem>>
    %dma_wait3A_481 = arith.constant 0 : i32
    %dma_wait3A_482 = tpu.memref_slice %arg2[%add3A_382, %dma_wait3A_481] : memref<16384x128xf32, #tpu.memory_space<hbm>> -> memref<64x128xf32, #tpu.memory_space<hbm>>
    %dma_wait3A_483 = arith.constant 0 : i32
    %dma_wait3A_484 = arith.constant 0 : i32
    %dma_wait3A_485 = tpu.memref_slice %arg7[%dma_wait3A_476, %dma_wait3A_483, %dma_wait3A_484] : memref<4x64x128xf32, #tpu.memory_space<vmem>> -> memref<1x64x128xf32, #tpu.memory_space<vmem>>
    %dma_wait3A_486 = tpu.memref_squeeze %dma_wait3A_485 : memref<1x64x128xf32, #tpu.memory_space<vmem>> -> memref<64x128xf32, #tpu.memory_space<vmem>>
    %dma_wait3A_487 = arith.constant 0 : i32
    %dma_wait3A_488 = tpu.memref_slice %arg2[%add3A_382, %dma_wait3A_487] : memref<16384x128xf32, #tpu.memory_space<hbm>> -> memref<64x128xf32, #tpu.memory_space<hbm>>
    tpu.wait_dma2 semaphore(%arg17 : memref<!tpu.dma_semaphore, #tpu.memory_space<semaphore_mem>>) src(%dma_wait3A_488 : memref<64x128xf32, #tpu.memory_space<hbm>>) dst(%dma_wait3A_486 : memref<64x128xf32, #tpu.memory_space<vmem>>)
    %parallel_loop3A_489 = arith.constant 0 : i32
    %parallel_loop3A_490 = arith.constant 64 : i32
    %parallel_loop3A_491 = arith.constant 1 : i32
    %parallel_loop3A_492 = arith.constant 3 : i32
    %parallel_loop3A_493 = arith.constant 3 : i32
    %parallel_loop3A_494:8 = scf.for %parallel_loop3A_508 = %parallel_loop3A_489 to %parallel_loop3A_490 step %parallel_loop3A_491 iter_args(%parallel_loop3A_509 = %parallel_loop3A_463#0, %parallel_loop3A_510 = %parallel_loop3A_463#1, %parallel_loop3A_511 = %parallel_loop3A_463#2, %parallel_loop3A_512 = %parallel_loop3A_463#3, %parallel_loop3A_513 = %parallel_loop3A_463#4, %parallel_loop3A_514 = %parallel_loop3A_463#5, %parallel_loop3A_515 = %parallel_loop3A_463#6, %parallel_loop3A_516 = %parallel_loop3A_463#7) -> (vector<16xf32>, vector<16xf32>, vector<16xf32>, vector<16xf32>, vector<16xf32>, vector<16xf32>, vector<16xf32>, vector<16xf32>)  : i32 {
      %parallel_loop3A_517 = arith.constant 0 : i32
      %parallel_loop3A_518 = arith.constant 0 : i32
      %parallel_loop3A_519 = tpu.memref_slice %arg7[%parallel_loop3A_492, %parallel_loop3A_517, %parallel_loop3A_518] : memref<4x64x128xf32, #tpu.memory_space<vmem>> -> memref<1x64x128xf32, #tpu.memory_space<vmem>>
      %parallel_loop3A_520 = tpu.memref_squeeze %parallel_loop3A_519 : memref<1x64x128xf32, #tpu.memory_space<vmem>> -> memref<64x128xf32, #tpu.memory_space<vmem>>
      %parallel_loop3A_521 = arith.index_cast %parallel_loop3A_508 : i32 to index
      %parallel_loop3A_522 = arith.constant 0 : index
      %parallel_loop3A_523 = tpu.vector_load %parallel_loop3A_520[%parallel_loop3A_521, %parallel_loop3A_522] {strides = array<i32>} : memref<64x128xf32, #tpu.memory_space<vmem>>, vector<1x16xf32>,
      %parallel_loop3A_524 = vector.shape_cast %parallel_loop3A_523 : vector<1x16xf32> to vector<16xf32>
      %parallel_loop3A_525 = arith.constant 0 : i32
      %parallel_loop3A_526 = arith.constant 0 : i32
      %parallel_loop3A_527 = tpu.memref_slice %arg8[%parallel_loop3A_493, %parallel_loop3A_525, %parallel_loop3A_526] : memref<4x64x128xf32, #tpu.memory_space<vmem>> -> memref<1x64x128xf32, #tpu.memory_space<vmem>>
      %parallel_loop3A_528 = tpu.memref_squeeze %parallel_loop3A_527 : memref<1x64x128xf32, #tpu.memory_space<vmem>> -> memref<64x128xf32, #tpu.memory_space<vmem>>
      %parallel_loop3A_529 = arith.index_cast %parallel_loop3A_508 : i32 to index
      %parallel_loop3A_530 = arith.constant 0 : index
      %parallel_loop3A_531 = tpu.vector_load %parallel_loop3A_528[%parallel_loop3A_529, %parallel_loop3A_530] {strides = array<i32>} : memref<64x128xf32, #tpu.memory_space<vmem>>, vector<1x16xf32>,
      %parallel_loop3A_532 = vector.shape_cast %parallel_loop3A_531 : vector<1x16xf32> to vector<16xf32>
      %parallel_loop3A_533 = arith.subf %parallel_loop3A_524, %parallel_loop3A_532 : vector<16xf32>
      %parallel_loop3A_534 = arith.mulf %parallel_loop3A_533, %parallel_loop3A_533 : vector<16xf32>
      %parallel_loop3A_535 = arith.addf %parallel_loop3A_509, %parallel_loop3A_534 : vector<16xf32>
      %parallel_loop3A_536 = arith.constant 0 : i32
      %parallel_loop3A_537 = arith.constant 0 : i32
      %parallel_loop3A_538 = tpu.memref_slice %arg7[%parallel_loop3A_492, %parallel_loop3A_536, %parallel_loop3A_537] : memref<4x64x128xf32, #tpu.memory_space<vmem>> -> memref<1x64x128xf32, #tpu.memory_space<vmem>>
      %parallel_loop3A_539 = tpu.memref_squeeze %parallel_loop3A_538 : memref<1x64x128xf32, #tpu.memory_space<vmem>> -> memref<64x128xf32, #tpu.memory_space<vmem>>
      %parallel_loop3A_540 = arith.index_cast %parallel_loop3A_508 : i32 to index
      %parallel_loop3A_541 = arith.constant 16 : index
      %parallel_loop3A_542 = tpu.vector_load %parallel_loop3A_539[%parallel_loop3A_540, %parallel_loop3A_541] {strides = array<i32>} : memref<64x128xf32, #tpu.memory_space<vmem>>, vector<1x16xf32>,
      %parallel_loop3A_543 = vector.shape_cast %parallel_loop3A_542 : vector<1x16xf32> to vector<16xf32>
      %parallel_loop3A_544 = arith.constant 0 : i32
      %parallel_loop3A_545 = arith.constant 0 : i32
      %parallel_loop3A_546 = tpu.memref_slice %arg8[%parallel_loop3A_493, %parallel_loop3A_544, %parallel_loop3A_545] : memref<4x64x128xf32, #tpu.memory_space<vmem>> -> memref<1x64x128xf32, #tpu.memory_space<vmem>>
      %parallel_loop3A_547 = tpu.memref_squeeze %parallel_loop3A_546 : memref<1x64x128xf32, #tpu.memory_space<vmem>> -> memref<64x128xf32, #tpu.memory_space<vmem>>
      %parallel_loop3A_548 = arith.index_cast %parallel_loop3A_508 : i32 to index
      %parallel_loop3A_549 = arith.constant 16 : index
      %parallel_loop3A_550 = tpu.vector_load %parallel_loop3A_547[%parallel_loop3A_548, %parallel_loop3A_549] {strides = array<i32>} : memref<64x128xf32, #tpu.memory_space<vmem>>, vector<1x16xf32>,
      %parallel_loop3A_551 = vector.shape_cast %parallel_loop3A_550 : vector<1x16xf32> to vector<16xf32>
      %parallel_loop3A_552 = arith.subf %parallel_loop3A_543, %parallel_loop3A_551 : vector<16xf32>
      %parallel_loop3A_553 = arith.mulf %parallel_loop3A_552, %parallel_loop3A_552 : vector<16xf32>
      %parallel_loop3A_554 = arith.addf %parallel_loop3A_510, %parallel_loop3A_553 : vector<16xf32>
      %parallel_loop3A_555 = arith.constant 0 : i32
      %parallel_loop3A_556 = arith.constant 0 : i32
      %parallel_loop3A_557 = tpu.memref_slice %arg7[%parallel_loop3A_492, %parallel_loop3A_555, %parallel_loop3A_556] : memref<4x64x128xf32, #tpu.memory_space<vmem>> -> memref<1x64x128xf32, #tpu.memory_space<vmem>>
      %parallel_loop3A_558 = tpu.memref_squeeze %parallel_loop3A_557 : memref<1x64x128xf32, #tpu.memory_space<vmem>> -> memref<64x128xf32, #tpu.memory_space<vmem>>
      %parallel_loop3A_559 = arith.index_cast %parallel_loop3A_508 : i32 to index
      %parallel_loop3A_560 = arith.constant 32 : index
      %parallel_loop3A_561 = tpu.vector_load %parallel_loop3A_558[%parallel_loop3A_559, %parallel_loop3A_560] {strides = array<i32>} : memref<64x128xf32, #tpu.memory_space<vmem>>, vector<1x16xf32>,
      %parallel_loop3A_562 = vector.shape_cast %parallel_loop3A_561 : vector<1x16xf32> to vector<16xf32>
      %parallel_loop3A_563 = arith.constant 0 : i32
      %parallel_loop3A_564 = arith.constant 0 : i32
      %parallel_loop3A_565 = tpu.memref_slice %arg8[%parallel_loop3A_493, %parallel_loop3A_563, %parallel_loop3A_564] : memref<4x64x128xf32, #tpu.memory_space<vmem>> -> memref<1x64x128xf32, #tpu.memory_space<vmem>>
      %parallel_loop3A_566 = tpu.memref_squeeze %parallel_loop3A_565 : memref<1x64x128xf32, #tpu.memory_space<vmem>> -> memref<64x128xf32, #tpu.memory_space<vmem>>
      %parallel_loop3A_567 = arith.index_cast %parallel_loop3A_508 : i32 to index
      %parallel_loop3A_568 = arith.constant 32 : index
      %parallel_loop3A_569 = tpu.vector_load %parallel_loop3A_566[%parallel_loop3A_567, %parallel_loop3A_568] {strides = array<i32>} : memref<64x128xf32, #tpu.memory_space<vmem>>, vector<1x16xf32>,
      %parallel_loop3A_570 = vector.shape_cast %parallel_loop3A_569 : vector<1x16xf32> to vector<16xf32>
      %parallel_loop3A_571 = arith.subf %parallel_loop3A_562, %parallel_loop3A_570 : vector<16xf32>
      %parallel_loop3A_572 = arith.mulf %parallel_loop3A_571, %parallel_loop3A_571 : vector<16xf32>
      %parallel_loop3A_573 = arith.addf %parallel_loop3A_511, %parallel_loop3A_572 : vector<16xf32>
      %parallel_loop3A_574 = arith.constant 0 : i32
      %parallel_loop3A_575 = arith.constant 0 : i32
      %parallel_loop3A_576 = tpu.memref_slice %arg7[%parallel_loop3A_492, %parallel_loop3A_574, %parallel_loop3A_575] : memref<4x64x128xf32, #tpu.memory_space<vmem>> -> memref<1x64x128xf32, #tpu.memory_space<vmem>>
      %parallel_loop3A_577 = tpu.memref_squeeze %parallel_loop3A_576 : memref<1x64x128xf32, #tpu.memory_space<vmem>> -> memref<64x128xf32, #tpu.memory_space<vmem>>
      %parallel_loop3A_578 = arith.index_cast %parallel_loop3A_508 : i32 to index
      %parallel_loop3A_579 = arith.constant 48 : index
      %parallel_loop3A_580 = tpu.vector_load %parallel_loop3A_577[%parallel_loop3A_578, %parallel_loop3A_579] {strides = array<i32>} : memref<64x128xf32, #tpu.memory_space<vmem>>, vector<1x16xf32>,
      %parallel_loop3A_581 = vector.shape_cast %parallel_loop3A_580 : vector<1x16xf32> to vector<16xf32>
      %parallel_loop3A_582 = arith.constant 0 : i32
      %parallel_loop3A_583 = arith.constant 0 : i32
      %parallel_loop3A_584 = tpu.memref_slice %arg8[%parallel_loop3A_493, %parallel_loop3A_582, %parallel_loop3A_583] : memref<4x64x128xf32, #tpu.memory_space<vmem>> -> memref<1x64x128xf32, #tpu.memory_space<vmem>>
      %parallel_loop3A_585 = tpu.memref_squeeze %parallel_loop3A_584 : memref<1x64x128xf32, #tpu.memory_space<vmem>> -> memref<64x128xf32, #tpu.memory_space<vmem>>
      %parallel_loop3A_586 = arith.index_cast %parallel_loop3A_508 : i32 to index
      %parallel_loop3A_587 = arith.constant 48 : index
      %parallel_loop3A_588 = tpu.vector_load %parallel_loop3A_585[%parallel_loop3A_586, %parallel_loop3A_587] {strides = array<i32>} : memref<64x128xf32, #tpu.memory_space<vmem>>, vector<1x16xf32>,
      %parallel_loop3A_589 = vector.shape_cast %parallel_loop3A_588 : vector<1x16xf32> to vector<16xf32>
      %parallel_loop3A_590 = arith.subf %parallel_loop3A_581, %parallel_loop3A_589 : vector<16xf32>
      %parallel_loop3A_591 = arith.mulf %parallel_loop3A_590, %parallel_loop3A_590 : vector<16xf32>
      %parallel_loop3A_592 = arith.addf %parallel_loop3A_512, %parallel_loop3A_591 : vector<16xf32>
      %parallel_loop3A_593 = arith.constant 0 : i32
      %parallel_loop3A_594 = arith.constant 0 : i32
      %parallel_loop3A_595 = tpu.memref_slice %arg7[%parallel_loop3A_492, %parallel_loop3A_593, %parallel_loop3A_594] : memref<4x64x128xf32, #tpu.memory_space<vmem>> -> memref<1x64x128xf32, #tpu.memory_space<vmem>>
      %parallel_loop3A_596 = tpu.memref_squeeze %parallel_loop3A_595 : memref<1x64x128xf32, #tpu.memory_space<vmem>> -> memref<64x128xf32, #tpu.memory_space<vmem>>
      %parallel_loop3A_597 = arith.index_cast %parallel_loop3A_508 : i32 to index
      %parallel_loop3A_598 = arith.constant 64 : index
      %parallel_loop3A_599 = tpu.vector_load %parallel_loop3A_596[%parallel_loop3A_597, %parallel_loop3A_598] {strides = array<i32>} : memref<64x128xf32, #tpu.memory_space<vmem>>, vector<1x16xf32>,
      %parallel_loop3A_600 = vector.shape_cast %parallel_loop3A_599 : vector<1x16xf32> to vector<16xf32>
      %parallel_loop3A_601 = arith.constant 0 : i32
      %parallel_loop3A_602 = arith.constant 0 : i32
      %parallel_loop3A_603 = tpu.memref_slice %arg8[%parallel_loop3A_493, %parallel_loop3A_601, %parallel_loop3A_602] : memref<4x64x128xf32, #tpu.memory_space<vmem>> -> memref<1x64x128xf32, #tpu.memory_space<vmem>>
      %parallel_loop3A_604 = tpu.memref_squeeze %parallel_loop3A_603 : memref<1x64x128xf32, #tpu.memory_space<vmem>> -> memref<64x128xf32, #tpu.memory_space<vmem>>
      %parallel_loop3A_605 = arith.index_cast %parallel_loop3A_508 : i32 to index
      %parallel_loop3A_606 = arith.constant 64 : index
      %parallel_loop3A_607 = tpu.vector_load %parallel_loop3A_604[%parallel_loop3A_605, %parallel_loop3A_606] {strides = array<i32>} : memref<64x128xf32, #tpu.memory_space<vmem>>, vector<1x16xf32>,
      %parallel_loop3A_608 = vector.shape_cast %parallel_loop3A_607 : vector<1x16xf32> to vector<16xf32>
      %parallel_loop3A_609 = arith.subf %parallel_loop3A_600, %parallel_loop3A_608 : vector<16xf32>
      %parallel_loop3A_610 = arith.mulf %parallel_loop3A_609, %parallel_loop3A_609 : vector<16xf32>
      %parallel_loop3A_611 = arith.addf %parallel_loop3A_513, %parallel_loop3A_610 : vector<16xf32>
      %parallel_loop3A_612 = arith.constant 0 : i32
      %parallel_loop3A_613 = arith.constant 0 : i32
      %parallel_loop3A_614 = tpu.memref_slice %arg7[%parallel_loop3A_492, %parallel_loop3A_612, %parallel_loop3A_613] : memref<4x64x128xf32, #tpu.memory_space<vmem>> -> memref<1x64x128xf32, #tpu.memory_space<vmem>>
      %parallel_loop3A_615 = tpu.memref_squeeze %parallel_loop3A_614 : memref<1x64x128xf32, #tpu.memory_space<vmem>> -> memref<64x128xf32, #tpu.memory_space<vmem>>
      %parallel_loop3A_616 = arith.index_cast %parallel_loop3A_508 : i32 to index
      %parallel_loop3A_617 = arith.constant 80 : index
      %parallel_loop3A_618 = tpu.vector_load %parallel_loop3A_615[%parallel_loop3A_616, %parallel_loop3A_617] {strides = array<i32>} : memref<64x128xf32, #tpu.memory_space<vmem>>, vector<1x16xf32>,
      %parallel_loop3A_619 = vector.shape_cast %parallel_loop3A_618 : vector<1x16xf32> to vector<16xf32>
      %parallel_loop3A_620 = arith.constant 0 : i32
      %parallel_loop3A_621 = arith.constant 0 : i32
      %parallel_loop3A_622 = tpu.memref_slice %arg8[%parallel_loop3A_493, %parallel_loop3A_620, %parallel_loop3A_621] : memref<4x64x128xf32, #tpu.memory_space<vmem>> -> memref<1x64x128xf32, #tpu.memory_space<vmem>>
      %parallel_loop3A_623 = tpu.memref_squeeze %parallel_loop3A_622 : memref<1x64x128xf32, #tpu.memory_space<vmem>> -> memref<64x128xf32, #tpu.memory_space<vmem>>
      %parallel_loop3A_624 = arith.index_cast %parallel_loop3A_508 : i32 to index
      %parallel_loop3A_625 = arith.constant 80 : index
      %parallel_loop3A_626 = tpu.vector_load %parallel_loop3A_623[%parallel_loop3A_624, %parallel_loop3A_625] {strides = array<i32>} : memref<64x128xf32, #tpu.memory_space<vmem>>, vector<1x16xf32>,
      %parallel_loop3A_627 = vector.shape_cast %parallel_loop3A_626 : vector<1x16xf32> to vector<16xf32>
      %parallel_loop3A_628 = arith.subf %parallel_loop3A_619, %parallel_loop3A_627 : vector<16xf32>
      %parallel_loop3A_629 = arith.mulf %parallel_loop3A_628, %parallel_loop3A_628 : vector<16xf32>
      %parallel_loop3A_630 = arith.addf %parallel_loop3A_514, %parallel_loop3A_629 : vector<16xf32>
      %parallel_loop3A_631 = arith.constant 0 : i32
      %parallel_loop3A_632 = arith.constant 0 : i32
      %parallel_loop3A_633 = tpu.memref_slice %arg7[%parallel_loop3A_492, %parallel_loop3A_631, %parallel_loop3A_632] : memref<4x64x128xf32, #tpu.memory_space<vmem>> -> memref<1x64x128xf32, #tpu.memory_space<vmem>>
      %parallel_loop3A_634 = tpu.memref_squeeze %parallel_loop3A_633 : memref<1x64x128xf32, #tpu.memory_space<vmem>> -> memref<64x128xf32, #tpu.memory_space<vmem>>
      %parallel_loop3A_635 = arith.index_cast %parallel_loop3A_508 : i32 to index
      %parallel_loop3A_636 = arith.constant 96 : index
      %parallel_loop3A_637 = tpu.vector_load %parallel_loop3A_634[%parallel_loop3A_635, %parallel_loop3A_636] {strides = array<i32>} : memref<64x128xf32, #tpu.memory_space<vmem>>, vector<1x16xf32>,
      %parallel_loop3A_638 = vector.shape_cast %parallel_loop3A_637 : vector<1x16xf32> to vector<16xf32>
      %parallel_loop3A_639 = arith.constant 0 : i32
      %parallel_loop3A_640 = arith.constant 0 : i32
      %parallel_loop3A_641 = tpu.memref_slice %arg8[%parallel_loop3A_493, %parallel_loop3A_639, %parallel_loop3A_640] : memref<4x64x128xf32, #tpu.memory_space<vmem>> -> memref<1x64x128xf32, #tpu.memory_space<vmem>>
      %parallel_loop3A_642 = tpu.memref_squeeze %parallel_loop3A_641 : memref<1x64x128xf32, #tpu.memory_space<vmem>> -> memref<64x128xf32, #tpu.memory_space<vmem>>
      %parallel_loop3A_643 = arith.index_cast %parallel_loop3A_508 : i32 to index
      %parallel_loop3A_644 = arith.constant 96 : index
      %parallel_loop3A_645 = tpu.vector_load %parallel_loop3A_642[%parallel_loop3A_643, %parallel_loop3A_644] {strides = array<i32>} : memref<64x128xf32, #tpu.memory_space<vmem>>, vector<1x16xf32>,
      %parallel_loop3A_646 = vector.shape_cast %parallel_loop3A_645 : vector<1x16xf32> to vector<16xf32>
      %parallel_loop3A_647 = arith.subf %parallel_loop3A_638, %parallel_loop3A_646 : vector<16xf32>
      %parallel_loop3A_648 = arith.mulf %parallel_loop3A_647, %parallel_loop3A_647 : vector<16xf32>
      %parallel_loop3A_649 = arith.addf %parallel_loop3A_515, %parallel_loop3A_648 : vector<16xf32>
      %parallel_loop3A_650 = arith.constant 0 : i32
      %parallel_loop3A_651 = arith.constant 0 : i32
      %parallel_loop3A_652 = tpu.memref_slice %arg7[%parallel_loop3A_492, %parallel_loop3A_650, %parallel_loop3A_651] : memref<4x64x128xf32, #tpu.memory_space<vmem>> -> memref<1x64x128xf32, #tpu.memory_space<vmem>>
      %parallel_loop3A_653 = tpu.memref_squeeze %parallel_loop3A_652 : memref<1x64x128xf32, #tpu.memory_space<vmem>> -> memref<64x128xf32, #tpu.memory_space<vmem>>
      %parallel_loop3A_654 = arith.index_cast %parallel_loop3A_508 : i32 to index
      %parallel_loop3A_655 = arith.constant 112 : index
      %parallel_loop3A_656 = tpu.vector_load %parallel_loop3A_653[%parallel_loop3A_654, %parallel_loop3A_655] {strides = array<i32>} : memref<64x128xf32, #tpu.memory_space<vmem>>, vector<1x16xf32>,
      %parallel_loop3A_657 = vector.shape_cast %parallel_loop3A_656 : vector<1x16xf32> to vector<16xf32>
      %parallel_loop3A_658 = arith.constant 0 : i32
      %parallel_loop3A_659 = arith.constant 0 : i32
      %parallel_loop3A_660 = tpu.memref_slice %arg8[%parallel_loop3A_493, %parallel_loop3A_658, %parallel_loop3A_659] : memref<4x64x128xf32, #tpu.memory_space<vmem>> -> memref<1x64x128xf32, #tpu.memory_space<vmem>>
      %parallel_loop3A_661 = tpu.memref_squeeze %parallel_loop3A_660 : memref<1x64x128xf32, #tpu.memory_space<vmem>> -> memref<64x128xf32, #tpu.memory_space<vmem>>
      %parallel_loop3A_662 = arith.index_cast %parallel_loop3A_508 : i32 to index
      %parallel_loop3A_663 = arith.constant 112 : index
      %parallel_loop3A_664 = tpu.vector_load %parallel_loop3A_661[%parallel_loop3A_662, %parallel_loop3A_663] {strides = array<i32>} : memref<64x128xf32, #tpu.memory_space<vmem>>, vector<1x16xf32>,
      %parallel_loop3A_665 = vector.shape_cast %parallel_loop3A_664 : vector<1x16xf32> to vector<16xf32>
      %parallel_loop3A_666 = arith.subf %parallel_loop3A_657, %parallel_loop3A_665 : vector<16xf32>
      %parallel_loop3A_667 = arith.mulf %parallel_loop3A_666, %parallel_loop3A_666 : vector<16xf32>
      %parallel_loop3A_668 = arith.addf %parallel_loop3A_516, %parallel_loop3A_667 : vector<16xf32>
      scf.yield %parallel_loop3A_535, %parallel_loop3A_554, %parallel_loop3A_573, %parallel_loop3A_592, %parallel_loop3A_611, %parallel_loop3A_630, %parallel_loop3A_649, %parallel_loop3A_668 : vector<16xf32>, vector<16xf32>, vector<16xf32>, vector<16xf32>, vector<16xf32>, vector<16xf32>, vector<16xf32>, vector<16xf32>
    } {sc.loop_unroll_factor = 4 : i64, sc.parallel_access}
    %add3A_495 = arith.addf %parallel_loop3A_494#0, %parallel_loop3A_494#1 : vector<16xf32>
    %add3A_496 = arith.addf %add3A_495, %parallel_loop3A_494#2 : vector<16xf32>
    %add3A_497 = arith.addf %add3A_496, %parallel_loop3A_494#3 : vector<16xf32>
    %add3A_498 = arith.addf %add3A_497, %parallel_loop3A_494#4 : vector<16xf32>
    %add3A_499 = arith.addf %add3A_498, %parallel_loop3A_494#5 : vector<16xf32>
    %add3A_500 = arith.addf %add3A_499, %parallel_loop3A_494#6 : vector<16xf32>
    %add3A_501 = arith.addf %add3A_500, %parallel_loop3A_494#7 : vector<16xf32>
    %mul3A_502 = arith.constant 7.15255744E-10 : f32
    %mul3A_503 = vector.broadcast %mul3A_502 : f32 to vector<16xf32>
    %mul3A_504 = arith.mulf %add3A_501, %mul3A_503 : vector<16xf32>
    %swap3A = arith.constant 0 : index
    %swap3A_505 = tpu.vector_load %arg9[%swap3A] {strides = array<i32>} : memref<16xf32, #tpu.memory_space<vmem>>, vector<16xf32>,
    %swap3A_506 = vector.shape_cast %swap3A_505 : vector<16xf32> to vector<16xf32>
    %swap3A_507 = vector.shape_cast %mul3A_504 : vector<16xf32> to vector<16xf32>
    tpu.vector_store %arg9[%swap3A], %swap3A_507 {strides = array<i32>} : memref<16xf32, #tpu.memory_space<vmem>>, vector<16xf32>,
    "tpu.region"() ({
      %run_scoped3A = tpu.sem_alloc : memref<!tpu.dma_semaphore, #tpu.memory_space<semaphore_mem>>
      %dma_start3A_508 = arith.constant 0 : i32
      %dma_start3A_509 = tpu.memref_slice %arg5[%add3A, %dma_start3A_508] : memref<32x16xf32, #tpu.memory_space<hbm>> -> memref<1x16xf32, #tpu.memory_space<hbm>>
      %dma_start3A_510 = tpu.memref_squeeze %dma_start3A_509 : memref<1x16xf32, #tpu.memory_space<hbm>> -> memref<16xf32, #tpu.memory_space<hbm>>
      %dma_start3A_511 = arith.constant 0 : i32
      %dma_start3A_512 = tpu.memref_slice %arg5[%add3A, %dma_start3A_511] : memref<32x16xf32, #tpu.memory_space<hbm>> -> memref<1x16xf32, #tpu.memory_space<hbm>>
      %dma_start3A_513 = tpu.memref_squeeze %dma_start3A_512 : memref<1x16xf32, #tpu.memory_space<hbm>> -> memref<16xf32, #tpu.memory_space<hbm>>
      tpu.enqueue_dma source(%arg9 : memref<16xf32, #tpu.memory_space<vmem>>) target(%dma_start3A_513 : memref<16xf32, #tpu.memory_space<hbm>>) target_semaphore(%run_scoped3A : memref<!tpu.dma_semaphore, #tpu.memory_space<semaphore_mem>>)
      %dma_wait3A_514 = arith.constant 0 : i32
      %dma_wait3A_515 = tpu.memref_slice %arg5[%add3A, %dma_wait3A_514] : memref<32x16xf32, #tpu.memory_space<hbm>> -> memref<1x16xf32, #tpu.memory_space<hbm>>
      %dma_wait3A_516 = tpu.memref_squeeze %dma_wait3A_515 : memref<1x16xf32, #tpu.memory_space<hbm>> -> memref<16xf32, #tpu.memory_space<hbm>>
      %dma_wait3A_517 = arith.constant 0 : i32
      %dma_wait3A_518 = tpu.memref_slice %arg5[%add3A, %dma_wait3A_517] : memref<32x16xf32, #tpu.memory_space<hbm>> -> memref<1x16xf32, #tpu.memory_space<hbm>>
      %dma_wait3A_519 = tpu.memref_squeeze %dma_wait3A_518 : memref<1x16xf32, #tpu.memory_space<hbm>> -> memref<16xf32, #tpu.memory_space<hbm>>
      tpu.wait_dma2 semaphore(%run_scoped3A : memref<!tpu.dma_semaphore, #tpu.memory_space<semaphore_mem>>) src(%arg9 : memref<16xf32, #tpu.memory_space<vmem>>) dst(%dma_wait3A_519 : memref<16xf32, #tpu.memory_space<hbm>>)
      tpu.yield
    }) : () -> ()
    return
  }
}

</mosaic_0001>

<sc_bundles>
// kernel: kernel.3.cloned.1.call-start
scs
__scs_entry_jumppad:
0x0: {  	(pc) =	sbr.rel $0x88, $3  }
0x1: {  	(tag) =	ssettag $0x0;
	lr =	simm.s32 $0x1  }
0x2: {  	[smem:$0x3F9E] =	sst lr;
	_ =	strace $0xD0000000  }
0x3: {  	_ = 	snop  }
0x4: {  	_ = 	snop  }
0x5: {  	_ = 	snop  }
0x6: {  	_ = 	snop  }
0x7: {  	_ = 	snop  }
__scs_overlays_trampoline_lowered:
0x8: {  	[smem:$0x3FAD] =	sst s0  }
0x9: {  	[smem:$0x3FAE] =	sst s1  }
0xa: {  	[smem:$0x3FAF] =	sst s2  }
0xb: {  	[smem:$0x3FB0] =	sst s3  }
0xc: {  	[smem:$0x3FB1] =	sst s4  }
0xd: {  	[smem:$0x3FB2] =	sst s5  }
0xe: {  	[smem:$0x3FB3] =	sst s6  }
0xf: {  	[smem:$0x3FB4] =	sst s7  }
0x10: {  	[smem:$0x3FB5] =	sst s8  }
0x11: {  	[smem:$0x3FB6] =	sst s9;
	s0 =	simm.s32 @!p0 $0x0  }
0x12: {  	s1 =	sld [smem:$0x3F9C];
	s0 =	simm.s32 @p0 $0x1  }
0x13: {  	[smem:$0x3FB7] =	sst s0;
	s0 =	simm.s32 @!p1 $0x0  }
0x14: {  	s2 =	sld [smem:$0x3F9B];
	s0 =	simm.s32 @p1 $0x1  }
0x15: {  	[smem:$0x3FB8] =	sst s0;
	s0 =	simm.s32 @!p2 $0x0  }
0x16: {  	s3 =	sld [smem:$0x3FDB];
	s0 =	simm.s32 @p2 $0x1  }
0x17: {  	s4 =	simm.s32 $0x1BF5;
	[smem:$0x3FBA] =	sst s0  }
0x18: {  	s0 =	sld [smem:$0x3F9D];
	_ =	swait.ge [sflag:s4], $0x0  }
0x19: {  	s7 =	sld [smem:$0x3F9E]  }
0x1a: {  	s8 =	sadd.s32 $0xFFFFE003, lr  }
0x1b: {  	s9 =	sadd.s32 $0xFFFFFEF7, lr;
	s5 =	simm.s32 $0xFFFFFFFF;
	p2 =	slt.u32 s8, $0xFFFFF086  }
0x1c: {  	p1 =	slt.u32 s9, $0xF7A;
	s5 =	simm.s32 @!p2 $0x0  }
0x1d: {  	s5 =	simm.s32 @p1 $0x1;
	p0 =	seq.s32 s7, s2  }
0x1e: {  	s7 =	smul.u32 @!p0 $0xF7A, s2;
	p2 =	seq.s32 @!p0 s5, $0x0  }
0x1f: {  	s9 =	smul.u32 $0xF7A, s1;
	s8 =	simm.s32 @!p0 $0x1BF5;
	p2 =	por !p2, p0  }
0x20: {  	[sflag:s8] =	ssyncset.s32 @!p0 $0xFFFFF086;
	s6 =	sadd.s32 @!p0 s3, s7;
	s7 =	simm.s32 @!p0 $0x108  }
0x21: {  	s3 =	sadd.s32 s3, s9;
	s6 =	sadd.s32 @!p0 $0x88, s6;
	s7 =	simm.s32 @p2 $0x1082  }
0x22: {  	[simem:s7], [sflag:s8] =	dma.local @!p0 [hbm:s6], $0xF7A  }
0x23: {  	s9 =	sor.u32 $0xD0000000, s2;
	s6 =	simm.s32 $0x108;
	_ =	swait.ge @!p0 [sflag:s8], $0x0  }
0x24: {  	s3 =	sadd.s32 $0x88, s3;
	s6 =	simm.s32 @!p1 $0x1082;
	[sflag:s4] =	ssyncset.s32 $0xFFFFF086  }
0x25: {  	[simem:s6], [sflag:s4] =	dma.local [hbm:s3], $0xF7A  }
0x26: {  	[smem:$0x3F9E] =	sst s1;
	(tag) =	ssettag s2;
	_ =	strace s9  }
0x27: {  	s1 =	sld [smem:$0x3FAE]  }
0x28: {  	s2 =	sld [smem:$0x3FAF]  }
0x29: {  	s4 =	sld [smem:$0x3FB1]  }
0x2a: {  	p0 =	seq.s32 s5, $0x0;
	s5 =	sld [smem:$0x3FB2]  }
0x2b: {  	s6 =	sld [smem:$0x3FB3]  }
0x2c: {  	s7 =	sld [smem:$0x3FB4]  }
0x2d: {  	s3 =	simm.s32 $0x108;
	s8 =	sld [smem:$0x3FB5]  }
0x2e: {  	s3 =	simm.s32 @!p0 $0x1082;
	s9 =	sld [smem:$0x3FB6]  }
0x2f: {  	lr =	sadd.s32 s0, s3;
	s0 =	sld [smem:$0x3FAD]  }
0x30: {  	s3 =	sld [smem:$0x3FB0]  }
0x31: {  	[smem:$0x3FB9] =	sst s10  }
0x32: {  	s10 =	sld [smem:$0x3FB7];
	_ =	sdelay $0x3  }
0x33: {  	p0 =	seq.s32 s10, $0x1;
	s10 =	sld [smem:$0x3FB9];
	_ =	sdelay $0x3  }
0x34: {  	[smem:$0x3FB9] =	sst s10  }
0x35: {  	s10 =	sld [smem:$0x3FB8];
	_ =	sdelay $0x3  }
0x36: {  	p1 =	seq.s32 s10, $0x1;
	s10 =	sld [smem:$0x3FB9];
	_ =	sdelay $0x3  }
0x37: {  	[smem:$0x3FB9] =	sst s10  }
0x38: {  	s10 =	sld [smem:$0x3FBA]  }
0x39: {  	_ = 	snop;
	(pc) =	sbr.ind lr, $3  }
0x3a: {  	_ = 	snop  }
0x3b: {  	_ = 	snop  }
0x3c: {  	p2 =	seq.s32 s10, $0x1;
	s10 =	sld [smem:$0x3FB9]  }
0x3d: {  	_ =	shalt  }
0x3e: {  	_ =	shalt  }
0x3f: {  	_ =	shalt  }
0x40: {  	_ =	shalt  }
0x41: {  	_ =	shalt  }
0x42: {  	_ =	shalt  }
0x43: {  	_ =	shalt  }
0x44: {  	_ =	shalt  }
0x45: {  	_ =	shalt  }
0x46: {  	_ =	shalt  }
0x47: {  	_ =	shalt  }
0x48: {  	_ =	shalt  }
0x49: {  	_ =	shalt  }
0x4a: {  	_ =	shalt  }
0x4b: {  	_ =	shalt  }
0x4c: {  	_ =	shalt  }
0x4d: {  	_ =	shalt  }
0x4e: {  	_ =	shalt  }
0x4f: {  	_ =	shalt  }
0x50: {  	_ =	shalt  }
0x51: {  	_ =	shalt  }
0x52: {  	_ =	shalt  }
0x53: {  	_ =	shalt  }
0x54: {  	_ =	shalt  }
0x55: {  	_ =	shalt  }
0x56: {  	_ =	shalt  }
0x57: {  	_ =	shalt  }
0x58: {  	_ =	shalt  }
0x59: {  	_ =	shalt  }
0x5a: {  	_ =	shalt  }
0x5b: {  	_ =	shalt  }
0x5c: {  	_ =	shalt  }
0x5d: {  	_ =	shalt  }
0x5e: {  	_ =	shalt  }
0x5f: {  	_ =	shalt  }
0x60: {  	_ =	shalt  }
0x61: {  	_ =	shalt  }
0x62: {  	_ =	shalt  }
0x63: {  	_ =	shalt  }
0x64: {  	_ =	shalt  }
0x65: {  	_ =	shalt  }
0x66: {  	_ =	shalt  }
0x67: {  	_ =	shalt  }
0x68: {  	_ =	shalt  }
0x69: {  	_ =	shalt  }
0x6a: {  	_ =	shalt  }
0x6b: {  	_ =	shalt  }
0x6c: {  	_ =	shalt  }
0x6d: {  	_ =	shalt  }
0x6e: {  	_ =	shalt  }
0x6f: {  	_ =	shalt  }
0x70: {  	_ =	shalt  }
0x71: {  	_ =	shalt  }
0x72: {  	_ =	shalt  }
0x73: {  	_ =	shalt  }
0x74: {  	_ =	shalt  }
0x75: {  	_ =	shalt  }
0x76: {  	_ =	shalt  }
0x77: {  	_ =	shalt  }
0x78: {  	_ =	shalt  }
0x79: {  	_ =	shalt  }
0x7a: {  	_ =	shalt  }
0x7b: {  	_ =	shalt  }
0x7c: {  	_ =	shalt  }
0x7d: {  	_ =	shalt  }
0x7e: {  	_ =	shalt  }
0x7f: {  	_ =	shalt  }
0x80: {  	_ =	shalt  }
0x81: {  	_ =	shalt  }
0x82: {  	_ =	shalt  }
0x83: {  	_ =	shalt  }
0x84: {  	_ =	shalt  }
0x85: {  	_ =	shalt  }
0x86: {  	_ =	shalt  }
0x87: {  	_ =	shalt  }
.Lfunc_end0:
.L_simem_size_0:
called_computation_lowered:
.L_overlay_start_0:
0x88: {  	s2 =	sld [smem:$0x3FD9]  }
0x89: {  	s3 =	sld [smem:$0x3FFE];
	_ =	sdelay $0x1  }
0x8a: {  	s1 =	srdreg.scid  }
0x8b: {  	s0 =	sand.u32 $0x1, s1  }
0x8c: {  	s17 =	sshll.u32 s0, $0xA;
	s2 =	sadd.s32 s3, s2  }
0x8d: {  	s2 =	sadd.s32 s2, s17  }
0x8e: {  	[smem:$0x3FC5] =	sst s2  }
0x8f: {  	_ = 	snop  }
0x90: {  	s2 =	sld [smem:$0x3FC9]  }
0x91: {  	s18 =	sld [smem:$0x3FC7];
	(tm) =	ssettm $0x1  }
0x92: {  	s4 =	sld [smem:$0x3FFB];
	_ =	sdelay $0x3  }
0x93: {  	_ =	strace s4  }
0x94: {  	s4 =	sld [smem:$0x3FFC];
	_ =	sdelay $0x3  }
0x95: {  	_ =	strace s4  }
0x96: {  	s4 =	sld [smem:$0x3FFD];
	_ =	sdelay $0x3  }
0x97: {  	_ =	strace s4  }
0x98: {  	_ =	strace $0x8FFFFFFF  }
0x99: {  	s19 =	sld [smem:$0x3FDB];
	_ =	sdelay $0x1  }
0x9a: {  	s5 =	simm.s32 $_scs_section_size  }
0x9b: {  	s6 =	simm.s32 $_size__tile_overlayer_lowered;
	s7 =	simm.s32 $_tile_overlayer_lowered  }
0x9c: {  	s22 =	simm.s32 $0x1BFF;
	s21 =	sshll.u32 s7, $0x1;
	s4 =	sadd.s32 s5, s19  }
0x9d: {  	s8 =	simm.s32 $0x0;
	s20 =	sshll.u32 s6, $0x1;
	s6 =	sadd.s32 s21, s4  }
0x9e: {  	[timem:s8], [sflag:s22] =	dma.local [hbm:s6], s20  }
0x9f: {  	_ =	swait.ge [sflag:s22], s20  }
0xa0: {  	s5 =	ssub.s32 $0x0, s20;
	[sflag:s22] =	ssyncset.done $0x0  }
0xa1: {  	[sflag:s22] =	ssyncadd.s32 s5;
	_ =	sdelay $0x1  }
0xa2: {  	s23 =	simm.s32 $0x1B8B  }
0xa3: {  	_ =	swait.ge [sflag:s23], $0x1  }
0xa4: {  	[sflag:s23] =	ssyncset.done $0x0  }
0xa5: {  	s25 =	simm.s32 $0x1B8E;
	s24 =	sld [smem:$0x3FFE];
	[sflag:s23] =	ssyncadd.s32 $0xFFFFFFFF  }
0xa6: {  	s26 =	simm.s32 $execute0_lowered;
	[smem:$0x3FD2] =	sst s25  }
0xa7: {  	s6 =	sshll.u32 s26, $0x1;
	_ =	strace $0x80000046;
	[dreg:$0x1] =	wrdreg $0xFFFFFFFF  }
0xa8: {  	s28 =	simm.s32 $_size_execute0_lowered;
	s4 =	sadd.s32 s4, s6;
	[dreg:$0x0] =	wrdreg $0x0  }
0xa9: {  	s6 =	sshll.u32 s28, $0x1;
	[dreg:$0x2] =	wrdreg s4  }
0xaa: {  	[dreg:$0x3] =	wrdreg s6  }
0xab: {  	[dreg:$0x4] =	wrdreg $0xC0  }
0xac: {  	_ =	task [dreg:s8], $0x5FFFF  }
0xad: {  	[dreg:$0x1] =	wrdreg $0xFFFFFFFF  }
0xae: {  	[dreg:$0x0] =	wrdreg $0x60  }
0xaf: {  	[dreg:$0x2] =	wrdreg s2  }
0xb0: {  	[dreg:$0x3] =	wrdreg s24  }
0xb1: {  	[dreg:$0x4] =	wrdreg s18  }
0xb2: {  	[dreg:$0x5] =	wrdreg $0x9  }
0xb3: {  	_ =	task.clear_ibuf [dreg:s8], $0x6FFFF;
	_ =	strace $0x90000046  }
0xb4: {  	s29 =	simm.s32 $0x9;
	_ =	strace $0x80000048  }
0xb5: {  	_ =	swait.ge [sflag:s29], $0x1  }
0xb6: {  	[sflag:s29] =	ssyncadd.s32 $0xFFFFFFFF  }
0xb7: {  	_ =	strace $0x90000048  }
0xb8: {  	_ =	sfence  }
0xb9: {  	s30 =	sld [smem:$0x0];
	_ =	sdelay $0x2  }
0xba: {  	s31 =	sshll.u32 s1, $0xD;
	s1 =	sshrl.u32 s1, $0x2  }
0xbb: {  	s3 =	sand.u32 $0x4000, s31;
	s1 =	sadd.s32 s1, s30  }
0xbc: {  	s0 =	sor.u32 s3, s0;
	s1 =	sshll.u32 s1, $0x11  }
0xbd: {  	s0 =	sor.u32 s1, s0  }
0xbe: {  	s0 =	sadd.s32 $0x8F2B, s0  }
0xbf: {  	[sflag:s0] =	ssyncadd.remote.s32 $0x1  }
0xc0: {  	_ =	sfence.sel $0xFFFF  }
0xc1: {  	[dreg:$0x0] =	wrdreg $0xFFFFFFFF;
	(pc) =	sbr.abs _section_cstart, $3  }
0xc2: {  	[dreg:$0x1] =	wrdreg $0xFFFFFFFF  }
0xc3: {  	_ =	task.clear_ibuf [dreg:s8], $0x2FFFF;
	_ =	strace $0x9FFFFFFF  }
0xc4: {  	(tm) =	ssettm $0x7FFFFFFF  }
0xc5: {  	_ =	shalt  }
tec
execute0_lowered:
.L_overlay_start_1:
0x0: {  	(tag) =	ssettag $0x1  }
0x1: {  	s0 =	rddreg [dreg:$0x0]  }
0x2: {  	s1 =	rddreg [dreg:$0x1]  }
0x3: {  	s2 =	rddreg [dreg:$0x2]  }
0x4: {  	s3 =	simm.s32 $0x0;
	s4 =	srdreg.scid;
	s5 =	stileid.u32  }
0x5: {  	s18 =	simm.s32 $0x9;
	s19 =	simm.s32 $0x40;
	s20 =	simm.s32 $0x8400  }
0x6: {  	s22 =	simm.s32 $0xA400;
	s29 =	simm.s32 $0xE400;
	s30 =	simm.s32 $0x6400  }
0x7: {  	s31 =	simm.s32 $0x2;
	s21 =	simm.s32 $0x3;
	s28 =	simm.s32 $0x8  }
0x8: {  	[smem:$0x7FF] =	sst s3;
	s4 =	sand.u32 $0x1, s4;
	s5 =	sshll.u32 s5, $0x1  }
0x9: {  	s15 =	simm.s32 $0x0;
	_ =	strace $0x80000047;
	s6 =	sor.u32 s4, s5  }
0xa: {  	s7 =	ssub.s32 $0x2, s4;
	s5 =	sshll.u32 s6, $0x4;
	s23 =	sshll.u32 s6, $0xD  }
0xb: {  	s24 =	sshrl.u32 s7, $0x1;
	s26 =	sshll.u32 s6, $0x7;
	s13 =	sadd.s32 s5, s1  }
0xc: {  	s4 =	sadd.s32 s0, s23;
	s25 =	ssub.s32 s7, s24;
	s7 =	sadd.s32 s1, s26  }
0xd: {  	s24 =	simm.s32 $0xC400;
	s26 =	simm.s32 $0x5;
	s0 =	simm.s32 $0x6  }
0xe: {  	s23 =	simm.s32 $0x7;
	s1 =	simm.s32 $0x4;
	s5 =	sadd.s32 $0x400, s4  }
0xf: {  	s6 =	sadd.s32 $0x800, s4;
	s8 =	sadd.s32 $0xC00, s4;
	s9 =	sadd.s32 $0x1000, s4  }
0x10: {  	s10 =	sadd.s32 $0x1400, s4;
	s11 =	sadd.s32 $0x1800, s4;
	s12 =	sadd.s32 $0x1C00, s4  }
0x11: {  	s13 =	sadd.s32 $0x1000, s13;
	s14 =	smax.u32 s25, $0x1;
	s25 =	simm.s32 $0x1  }
.LBB2_1:
0x12: {  	s16 =	simm.s32 $0x400  }
0x13: {  	[tilespmem:s16], [sflag:$0x5] =	stream.linear.gather [hbm4b:s4+s3], $0x2000, $0x38;
	[tilespmem:$0x10480] =	vst v63  }
0x14: {  	s17 =	simm.s32 $0x2400  }
0x15: {  	[tilespmem:s17], [sflag:$0x6] =	stream.linear.gather [hbm4b:s5+s3], $0x2000, $0x38;
	[tilespmem:$0x10480] =	vst v63  }
0x16: {  	s17 =	simm.s32 $0x4400  }
0x17: {  	[tilespmem:s17], [sflag:$0x7] =	stream.linear.gather [hbm4b:s6+s3], $0x2000, $0x38;
	[tilespmem:$0x10480] =	vst v63  }
0x18: {  	_ = 	snop  }
0x19: {  	[tilespmem:s3], [sflag:$0x9] =	stream.linear.gather [hbm4b:s7+s3], $0x400, $0x38;
	[tilespmem:$0x10480] =	vst v63  }
0x1a: {  	_ =	swait.ge [sflag:s18], $0x400  }
0x1b: {  	[sflag:s18] =	ssyncset.done $0x0  }
0x1c: {  	[sflag:s18] =	ssyncadd.s32 $0xFFFFFC00  }
0x1d: {  	[tilespmem:s20], [sflag:$0x1] =	stream.indirect.gather [hbm4b:s2+s19], $0x80, s3, s19, $0xb8;
	[tilespmem:$0x10480] =	vst v63  }
0x1e: {  	s17 =	simm.s32 $0x80  }
0x1f: {  	[tilespmem:s22], [sflag:$0x2] =	stream.indirect.gather [hbm4b:s2+s19], $0x80, s17, s19, $0xb8;
	[tilespmem:$0x10480] =	vst v63  }
0x20: {  	s17 =	simm.s32 $0x100  }
0x21: {  	[tilespmem:s24], [sflag:$0x3] =	stream.indirect.gather [hbm4b:s2+s19], $0x80, s17, s19, $0xb8;
	[tilespmem:$0x10480] =	vst v63  }
0x22: {  	_ =	swait.ge [sflag:s25], $0x2000  }
0x23: {  	[sflag:s25] =	ssyncset.done $0x0  }
0x24: {  	[sflag:s25] =	ssyncadd.s32 $0xFFFFE000  }
0x25: {  	_ =	swait.ge [sflag:s26], $0x2000  }
0x26: {  	[sflag:s26] =	ssyncset.done $0x0  }
0x27: {  	s17 =	simm.s32 $0x180;
	[sflag:s26] =	ssyncadd.s32 $0xFFFFE000  }
0x28: {  	[tilespmem:s29], [sflag:$0x4] =	stream.indirect.gather [hbm4b:s2+s19], $0x80, s17, s19, $0xb8;
	[tilespmem:$0x10480] =	vst v63  }
0x29: {  	s17 =	simm.s32 $0x0  }
0x2a: {  	[tilespmem:s30], [sflag:$0x8] =	stream.linear.gather [hbm4b:s8+s3], $0x2000, $0x38;
	[tilespmem:$0x10480] =	vst v63  }
0x2b: {  	v0 =	vld [tilespmem:s17+$0x470]  }
0x2c: {  	v1 =	vld [tilespmem:s17+$0x8470]  }
0x2d: {  	v2 =	vld [tilespmem:s17+$0x400]  }
0x2e: {  	v3 =	vld [tilespmem:s17+$0x8400]  }
0x2f: {  	v4 =	vld [tilespmem:s17+$0x410]  }
0x30: {  	v5 =	vld [tilespmem:s17+$0x8410]  }
0x31: {  	v6 =	vld [tilespmem:s17+$0x420]  }
0x32: {  	v7 =	vld [tilespmem:s17+$0x8420]  }
0x33: {  	v9 =	vld [tilespmem:s17+$0x430]  }
0x34: {  	v10 =	vld [tilespmem:s17+$0x8430];
	_ =	sdelay $0x2  }
0x35: {  	v14 =	vld [tilespmem:s17+$0x440];
	v0 =	vsub.f32 v0, v1;
	v1 =	vsub.f32 v2, v3  }
0x36: {  	v2 =	vsub.f32 v4, v5;
	v5 =	vld [tilespmem:s17+$0x8440];
	v3 =	vsub.f32 v6, v7  }
0x37: {  	v8 =	vld [tilespmem:s17+$0x450];
	v4 =	vimm.f32 $0.0e+00;
	v6 =	vsub.f32 v9, v10;
	v0 =	vmul.f32 v0, v0  }
0x38: {  	v11 =	vld [tilespmem:s17+$0x8450];
	v7 =	vimm.f32 $0.0e+00;
	v1 =	vmul.f32 v1, v1;
	v2 =	vmul.f32 v2, v2  }
0x39: {  	v12 =	vld [tilespmem:s17+$0x8460];
	v3 =	vmul.f32 v3, v3;
	v13 =	vmul.f32 v6, v6;
	v0 =	vadd.f32 v0, v4  }
0x3a: {  	s16 =	simm.s32 $0x80;
	v9 =	vld [tilespmem:s17+$0x460];
	v6 =	vimm.f32 $0.0e+00;
	v1 =	vadd.f32 v1, v4;
	v2 =	vadd.f32 v2, v4  }
0x3b: {  	v10 =	vld [tilespmem:s16+$0x470];
	s17 =	simm.s32 $0x400;
	v3 =	vadd.f32 v3, v4;
	v14 =	vsub.f32 v14, v5;
	v5 =	vimm.f32 $0.0e+00  }
.LBB2_2:
0x3c: {  	p0 =	sne.s32 s17, $0x7E00;
	v15 =	vld [tilespmem:s16+$0x8470]  }
0x3d: {  	v16 =	vld [tilespmem:s16+$0x400];
	v4 =	vadd.f32 v13, v4;
	v13 =	vmul.f32 v14, v14;
	v8 =	vsub.f32 v8, v11  }
0x3e: {  	v11 =	vld [tilespmem:s16+$0x8400]  }
0x3f: {  	v14 =	vld [tilespmem:s16+$0x410];
	v7 =	vadd.f32 v13, v7;
	v8 =	vmul.f32 v8, v8;
	v9 =	vsub.f32 v9, v12  }
0x40: {  	v12 =	vld [tilespmem:s16+$0x8410]  }
0x41: {  	v13 =	vld [tilespmem:s16+$0x420];
	v10 =	vsub.f32 v10, v15;
	v6 =	vadd.f32 v8, v6;
	v8 =	vmul.f32 v9, v9  }
0x42: {  	v9 =	vld [tilespmem:s16+$0x8420]  }
0x43: {  	v11 =	vsub.f32 v16, v11;
	v15 =	vld [tilespmem:s16+$0x430];
	v10 =	vmul.f32 v10, v10;
	v5 =	vadd.f32 v8, v5  }
0x44: {  	v16 =	vld [tilespmem:s16+$0x8430]  }
0x45: {  	v8 =	vmul.f32 v11, v11;
	v11 =	vsub.f32 v14, v12;
	v14 =	vld [tilespmem:s16+$0x440];
	v0 =	vadd.f32 v10, v0  }
0x46: {  	v17 =	vld [tilespmem:s16+$0x8440]  }
.Ltmp0:
0x47: {  	v1 =	vadd.f32 v8, v1;
	v10 =	vmul.f32 v11, v11;
	v9 =	vsub.f32 v13, v9;
	v8 =	vld [tilespmem:s16+$0x450];
	(pc) =	sbr.rel @p0 .LBB2_2-.Ltmp0, $4  }
0x48: {  	v11 =	vld [tilespmem:s16+$0x8450]  }
0x49: {  	v2 =	vadd.f32 v10, v2;
	v13 =	vmul.f32 v9, v9;
	v15 =	vsub.f32 v15, v16;
	v9 =	vld [tilespmem:s16+$0x460]  }
0x4a: {  	v12 =	vld [tilespmem:s16+$0x8460];
	s16 =	sshra.s32 s17, $0x2  }
0x4b: {  	s17 =	sadd.s32 $0x200, s17;
	v10 =	vld [tilespmem:s16+$0x470];
	v3 =	vadd.f32 v13, v3;
	v13 =	vmul.f32 v15, v15;
	v14 =	vsub.f32 v14, v17  }
0x4c: {  	v15 =	vld [tilespmem:s16+$0x8470]  }
0x4d: {  	v16 =	vld [tilespmem:s16+$0x400]  }
0x4e: {  	v17 =	vld [tilespmem:s16+$0x8400]  }
0x4f: {  	v18 =	vld [tilespmem:s16+$0x410]  }
0x50: {  	v19 =	vld [tilespmem:s16+$0x8410]  }
0x51: {  	v20 =	vld [tilespmem:s16+$0x420]  }
0x52: {  	v21 =	vld [tilespmem:s16+$0x8420]  }
0x53: {  	v22 =	vld [tilespmem:s16+$0x430]  }
0x54: {  	v23 =	vld [tilespmem:s16+$0x8430]  }
0x55: {  	v24 =	vld [tilespmem:s16+$0x440]  }
0x56: {  	v25 =	vld [tilespmem:s16+$0x8440]  }
0x57: {  	v26 =	vld [tilespmem:s16+$0x450]  }
0x58: {  	v27 =	vld [tilespmem:s16+$0x8450]  }
0x59: {  	v28 =	vld [tilespmem:s16+$0x460]  }
0x5a: {  	v29 =	vld [tilespmem:s16+$0x8460];
	_ =	swait.ge [sflag:s31], $0x2000  }
0x5b: {  	[sflag:s31] =	ssyncset.done $0x0  }
0x5c: {  	[sflag:s31] =	ssyncadd.s32 $0xFFFFE000  }
0x5d: {  	_ =	swait.ge [sflag:s0], $0x2000  }
0x5e: {  	[sflag:s0] =	ssyncset.done $0x0  }
0x5f: {  	s17 =	simm.s32 $0x200;
	[sflag:s0] =	ssyncadd.s32 $0xFFFFE000  }
0x60: {  	[tilespmem:s20], [sflag:$0x1] =	stream.indirect.gather [hbm4b:s2+s19], $0x80, s17, s19, $0xb8;
	[tilespmem:$0x10480] =	vst v63  }
0x61: {  	s16 =	simm.s32 $0x0;
	s17 =	simm.s32 $0x400  }
0x62: {  	v8 =	vsub.f32 v8, v11;
	[tilespmem:s17], [sflag:$0x5] =	stream.linear.gather [hbm4b:s9+s16], $0x2000, $0x38;
	[tilespmem:$0x10480] =	vst v63  }
0x63: {  	v11 =	vmul.f32 v14, v14;
	s17 =	simm.s32 $0x0  }
0x64: {  	v8 =	vmul.f32 v8, v8;
	v9 =	vsub.f32 v9, v12;
	v12 =	vld [tilespmem:s17+$0x2470]  }
0x65: {  	v4 =	vadd.f32 v13, v4;
	v7 =	vadd.f32 v11, v7;
	v11 =	vld [tilespmem:s17+$0xA470]  }
0x66: {  	v10 =	vsub.f32 v10, v15;
	v6 =	vadd.f32 v8, v6;
	v8 =	vmul.f32 v9, v9;
	v9 =	vld [tilespmem:s17+$0x2400]  }
0x67: {  	v13 =	vsub.f32 v16, v17;
	v14 =	vsub.f32 v18, v19;
	v15 =	vld [tilespmem:s17+$0xA400]  }
0x68: {  	v5 =	vadd.f32 v8, v5;
	v8 =	vmul.f32 v10, v10;
	v10 =	vsub.f32 v20, v21;
	v54 =	vld [tilespmem:s17+$0x2410]  }
0x69: {  	v55 =	vsub.f32 v22, v23;
	v13 =	vmul.f32 v13, v13;
	v14 =	vmul.f32 v14, v14;
	v56 =	vld [tilespmem:s17+$0xA410]  }
0x6a: {  	v57 =	vadd.f32 v8, v0;
	v0 =	vmul.f32 v10, v10;
	v8 =	vsub.f32 v24, v25;
	v10 =	vld [tilespmem:s17+$0x2420]  }
0x6b: {  	v13 =	vadd.f32 v13, v1;
	v14 =	vadd.f32 v14, v2;
	v1 =	vmul.f32 v55, v55;
	v2 =	vld [tilespmem:s17+$0xA420]  }
0x6c: {  	v59 =	vld [tilespmem:s17+$0x2430];
	v58 =	vadd.f32 v0, v3;
	v3 =	vmul.f32 v8, v8;
	v8 =	vsub.f32 v26, v27  }
0x6d: {  	v60 =	vld [tilespmem:s17+$0xA430];
	v0 =	vadd.f32 v1, v4;
	v1 =	vsub.f32 v28, v29  }
0x6e: {  	v61 =	vld [tilespmem:s17+$0x2440];
	v4 =	vadd.f32 v3, v7;
	v3 =	vmul.f32 v8, v8;
	v8 =	vsub.f32 v12, v11  }
0x6f: {  	v1 =	vmul.f32 v1, v1;
	v9 =	vsub.f32 v9, v15;
	v11 =	vsub.f32 v54, v56;
	v15 =	vld [tilespmem:s17+$0xA440]  }
0x70: {  	v2 =	vsub.f32 v10, v2;
	v7 =	vadd.f32 v3, v6;
	v3 =	vmul.f32 v8, v8;
	v8 =	vld [tilespmem:s17+$0x2450]  }
0x71: {  	v6 =	vadd.f32 v1, v5;
	v5 =	vmul.f32 v9, v9;
	v10 =	vmul.f32 v11, v11;
	v11 =	vld [tilespmem:s17+$0xA450]  }
0x72: {  	v63 =	vsub.f32 v59, v60;
	v12 =	vld [tilespmem:s17+$0xA460];
	v62 =	vmul.f32 v2, v2;
	v1 =	vadd.f32 v3, v57  }
0x73: {  	s16 =	simm.s32 $0x80;
	v9 =	vld [tilespmem:s17+$0x2460];
	v2 =	vadd.f32 v5, v13;
	v3 =	vadd.f32 v10, v14  }
0x74: {  	s17 =	simm.s32 $0x400;
	v10 =	vld [tilespmem:s16+$0x2470];
	v5 =	vadd.f32 v62, v58;
	v13 =	vmul.f32 v63, v63;
	v14 =	vsub.f32 v61, v15  }
.LBB2_4:
0x75: {  	p0 =	sne.s32 s17, $0x7E00;
	v15 =	vld [tilespmem:s16+$0xA470]  }
0x76: {  	v16 =	vld [tilespmem:s16+$0x2400];
	v0 =	vadd.f32 v13, v0;
	v13 =	vmul.f32 v14, v14;
	v8 =	vsub.f32 v8, v11  }
0x77: {  	v11 =	vld [tilespmem:s16+$0xA400]  }
0x78: {  	v14 =	vld [tilespmem:s16+$0x2410];
	v4 =	vadd.f32 v13, v4;
	v8 =	vmul.f32 v8, v8;
	v9 =	vsub.f32 v9, v12  }
0x79: {  	v12 =	vld [tilespmem:s16+$0xA410]  }
0x7a: {  	v13 =	vld [tilespmem:s16+$0x2420];
	v10 =	vsub.f32 v10, v15;
	v7 =	vadd.f32 v8, v7;
	v8 =	vmul.f32 v9, v9  }
0x7b: {  	v9 =	vld [tilespmem:s16+$0xA420]  }
0x7c: {  	v11 =	vsub.f32 v16, v11;
	v15 =	vld [tilespmem:s16+$0x2430];
	v10 =	vmul.f32 v10, v10;
	v6 =	vadd.f32 v8, v6  }
0x7d: {  	v16 =	vld [tilespmem:s16+$0xA430]  }
0x7e: {  	v8 =	vmul.f32 v11, v11;
	v11 =	vsub.f32 v14, v12;
	v14 =	vld [tilespmem:s16+$0x2440];
	v1 =	vadd.f32 v10, v1  }
0x7f: {  	v17 =	vld [tilespmem:s16+$0xA440]  }
.Ltmp1:
0x80: {  	v2 =	vadd.f32 v8, v2;
	v10 =	vmul.f32 v11, v11;
	v9 =	vsub.f32 v13, v9;
	v8 =	vld [tilespmem:s16+$0x2450];
	(pc) =	sbr.rel @p0 .LBB2_4-.Ltmp1, $4  }
0x81: {  	v11 =	vld [tilespmem:s16+$0xA450]  }
0x82: {  	v3 =	vadd.f32 v10, v3;
	v13 =	vmul.f32 v9, v9;
	v15 =	vsub.f32 v15, v16;
	v9 =	vld [tilespmem:s16+$0x2460]  }
0x83: {  	v12 =	vld [tilespmem:s16+$0xA460];
	s16 =	sshra.s32 s17, $0x2  }
0x84: {  	s17 =	sadd.s32 $0x200, s17;
	v10 =	vld [tilespmem:s16+$0x2470];
	v5 =	vadd.f32 v13, v5;
	v13 =	vmul.f32 v15, v15;
	v14 =	vsub.f32 v14, v17  }
0x85: {  	v15 =	vld [tilespmem:s16+$0xA470]  }
0x86: {  	v16 =	vld [tilespmem:s16+$0x2400]  }
0x87: {  	v17 =	vld [tilespmem:s16+$0xA400]  }
0x88: {  	v18 =	vld [tilespmem:s16+$0x2410]  }
0x89: {  	v19 =	vld [tilespmem:s16+$0xA410]  }
0x8a: {  	v20 =	vld [tilespmem:s16+$0x2420]  }
0x8b: {  	v21 =	vld [tilespmem:s16+$0xA420]  }
0x8c: {  	v22 =	vld [tilespmem:s16+$0x2430]  }
0x8d: {  	v23 =	vld [tilespmem:s16+$0xA430]  }
0x8e: {  	v24 =	vld [tilespmem:s16+$0x2440]  }
0x8f: {  	v25 =	vld [tilespmem:s16+$0xA440]  }
0x90: {  	v26 =	vld [tilespmem:s16+$0x2450]  }
0x91: {  	v27 =	vld [tilespmem:s16+$0xA450]  }
0x92: {  	v28 =	vld [tilespmem:s16+$0x2460]  }
0x93: {  	v29 =	vld [tilespmem:s16+$0xA460];
	_ =	swait.ge [sflag:s21], $0x2000  }
0x94: {  	[sflag:s21] =	ssyncset.done $0x0  }
0x95: {  	[sflag:s21] =	ssyncadd.s32 $0xFFFFE000  }
0x96: {  	_ =	swait.ge [sflag:s23], $0x2000  }
0x97: {  	[sflag:s23] =	ssyncset.done $0x0  }
0x98: {  	s17 =	simm.s32 $0x280;
	[sflag:s23] =	ssyncadd.s32 $0xFFFFE000  }
0x99: {  	[tilespmem:s22], [sflag:$0x2] =	stream.indirect.gather [hbm4b:s2+s19], $0x80, s17, s19, $0xb8;
	[tilespmem:$0x10480] =	vst v63  }
0x9a: {  	s16 =	simm.s32 $0x0;
	s17 =	simm.s32 $0x2400  }
0x9b: {  	v8 =	vsub.f32 v8, v11;
	[tilespmem:s17], [sflag:$0x6] =	stream.linear.gather [hbm4b:s10+s16], $0x2000, $0x38;
	[tilespmem:$0x10480] =	vst v63  }
0x9c: {  	v11 =	vmul.f32 v14, v14;
	s17 =	simm.s32 $0x0  }
0x9d: {  	v8 =	vmul.f32 v8, v8;
	v9 =	vsub.f32 v9, v12;
	v12 =	vld [tilespmem:s17+$0x4470]  }
0x9e: {  	v0 =	vadd.f32 v13, v0;
	v4 =	vadd.f32 v11, v4;
	v11 =	vld [tilespmem:s17+$0xC470]  }
0x9f: {  	v10 =	vsub.f32 v10, v15;
	v7 =	vadd.f32 v8, v7;
	v8 =	vmul.f32 v9, v9;
	v9 =	vld [tilespmem:s17+$0x4400]  }
0xa0: {  	v13 =	vsub.f32 v16, v17;
	v14 =	vsub.f32 v18, v19;
	v15 =	vld [tilespmem:s17+$0xC400]  }
0xa1: {  	v6 =	vadd.f32 v8, v6;
	v8 =	vmul.f32 v10, v10;
	v10 =	vsub.f32 v20, v21;
	v56 =	vld [tilespmem:s17+$0x4410]  }
0xa2: {  	v57 =	vsub.f32 v22, v23;
	v13 =	vmul.f32 v13, v13;
	v14 =	vmul.f32 v14, v14;
	v58 =	vld [tilespmem:s17+$0xC410]  }
0xa3: {  	v1 =	vadd.f32 v8, v1;
	v8 =	vmul.f32 v10, v10;
	v10 =	vsub.f32 v24, v25;
	v59 =	vld [tilespmem:s17+$0x4420]  }
0xa4: {  	v2 =	vadd.f32 v13, v2;
	v3 =	vadd.f32 v14, v3;
	v13 =	vmul.f32 v57, v57;
	v14 =	vld [tilespmem:s17+$0xC420]  }
0xa5: {  	v60 =	vld [tilespmem:s17+$0x4430];
	v5 =	vadd.f32 v8, v5;
	v8 =	vmul.f32 v10, v10;
	v10 =	vsub.f32 v26, v27  }
0xa6: {  	v61 =	vld [tilespmem:s17+$0xC430];
	v0 =	vadd.f32 v13, v0;
	v13 =	vsub.f32 v28, v29  }
0xa7: {  	v62 =	vld [tilespmem:s17+$0x4440];
	v4 =	vadd.f32 v8, v4;
	v8 =	vmul.f32 v10, v10;
	v10 =	vsub.f32 v12, v11  }
0xa8: {  	v9 =	vsub.f32 v9, v15;
	v11 =	vmul.f32 v13, v13;
	v12 =	vsub.f32 v56, v58;
	v15 =	vld [tilespmem:s17+$0xC440]  }
0xa9: {  	v13 =	vsub.f32 v59, v14;
	v7 =	vadd.f32 v8, v7;
	v8 =	vld [tilespmem:s17+$0x4450];
	v10 =	vmul.f32 v10, v10  }
0xaa: {  	v6 =	vadd.f32 v11, v6;
	v14 =	vmul.f32 v9, v9;
	v12 =	vmul.f32 v12, v12;
	v11 =	vld [tilespmem:s17+$0xC450]  }
0xab: {  	v63 =	vsub.f32 v60, v61;
	v13 =	vmul.f32 v13, v13;
	v9 =	vld [tilespmem:s17+$0x4460];
	v1 =	vadd.f32 v10, v1  }
0xac: {  	s16 =	simm.s32 $0x80;
	v2 =	vadd.f32 v14, v2;
	v3 =	vadd.f32 v12, v3;
	v12 =	vld [tilespmem:s17+$0xC460]  }
0xad: {  	v10 =	vld [tilespmem:s16+$0x4470];
	s17 =	simm.s32 $0x400;
	v5 =	vadd.f32 v13, v5;
	v13 =	vmul.f32 v63, v63;
	v14 =	vsub.f32 v62, v15  }
.LBB2_6:
0xae: {  	p0 =	sne.s32 s17, $0x7E00;
	v15 =	vld [tilespmem:s16+$0xC470]  }
0xaf: {  	v16 =	vld [tilespmem:s16+$0x4400];
	v0 =	vadd.f32 v13, v0;
	v13 =	vmul.f32 v14, v14;
	v8 =	vsub.f32 v8, v11  }
0xb0: {  	v11 =	vld [tilespmem:s16+$0xC400]  }
0xb1: {  	v14 =	vld [tilespmem:s16+$0x4410];
	v4 =	vadd.f32 v13, v4;
	v8 =	vmul.f32 v8, v8;
	v9 =	vsub.f32 v9, v12  }
0xb2: {  	v12 =	vld [tilespmem:s16+$0xC410]  }
0xb3: {  	v13 =	vld [tilespmem:s16+$0x4420];
	v10 =	vsub.f32 v10, v15;
	v7 =	vadd.f32 v8, v7;
	v8 =	vmul.f32 v9, v9  }
0xb4: {  	v9 =	vld [tilespmem:s16+$0xC420]  }
0xb5: {  	v11 =	vsub.f32 v16, v11;
	v15 =	vld [tilespmem:s16+$0x4430];
	v10 =	vmul.f32 v10, v10;
	v6 =	vadd.f32 v8, v6  }
0xb6: {  	v16 =	vld [tilespmem:s16+$0xC430]  }
0xb7: {  	v8 =	vmul.f32 v11, v11;
	v11 =	vsub.f32 v14, v12;
	v14 =	vld [tilespmem:s16+$0x4440];
	v1 =	vadd.f32 v10, v1  }
0xb8: {  	v17 =	vld [tilespmem:s16+$0xC440]  }
.Ltmp2:
0xb9: {  	v2 =	vadd.f32 v8, v2;
	v10 =	vmul.f32 v11, v11;
	v9 =	vsub.f32 v13, v9;
	v8 =	vld [tilespmem:s16+$0x4450];
	(pc) =	sbr.rel @p0 .LBB2_6-.Ltmp2, $4  }
0xba: {  	v11 =	vld [tilespmem:s16+$0xC450]  }
0xbb: {  	v3 =	vadd.f32 v10, v3;
	v13 =	vmul.f32 v9, v9;
	v15 =	vsub.f32 v15, v16;
	v9 =	vld [tilespmem:s16+$0x4460]  }
0xbc: {  	v12 =	vld [tilespmem:s16+$0xC460];
	s16 =	sshra.s32 s17, $0x2  }
0xbd: {  	s17 =	sadd.s32 $0x200, s17;
	v10 =	vld [tilespmem:s16+$0x4470];
	v5 =	vadd.f32 v13, v5;
	v13 =	vmul.f32 v15, v15;
	v14 =	vsub.f32 v14, v17  }
0xbe: {  	v15 =	vld [tilespmem:s16+$0xC470]  }
0xbf: {  	v16 =	vld [tilespmem:s16+$0x4400]  }
0xc0: {  	v17 =	vld [tilespmem:s16+$0xC400]  }
0xc1: {  	v18 =	vld [tilespmem:s16+$0x4410]  }
0xc2: {  	v19 =	vld [tilespmem:s16+$0xC410]  }
0xc3: {  	v20 =	vld [tilespmem:s16+$0x4420]  }
0xc4: {  	v21 =	vld [tilespmem:s16+$0xC420]  }
0xc5: {  	v22 =	vld [tilespmem:s16+$0x4430]  }
0xc6: {  	v23 =	vld [tilespmem:s16+$0xC430]  }
0xc7: {  	v24 =	vld [tilespmem:s16+$0x4440]  }
0xc8: {  	v25 =	vld [tilespmem:s16+$0xC440]  }
0xc9: {  	v26 =	vld [tilespmem:s16+$0x4450]  }
0xca: {  	v27 =	vld [tilespmem:s16+$0xC450]  }
0xcb: {  	v28 =	vld [tilespmem:s16+$0x4460]  }
0xcc: {  	v29 =	vld [tilespmem:s16+$0xC460];
	_ =	swait.ge [sflag:s1], $0x2000  }
0xcd: {  	[sflag:s1] =	ssyncset.done $0x0  }
0xce: {  	[sflag:s1] =	ssyncadd.s32 $0xFFFFE000  }
0xcf: {  	_ =	swait.ge [sflag:s28], $0x2000  }
0xd0: {  	[sflag:s28] =	ssyncset.done $0x0  }
0xd1: {  	s17 =	simm.s32 $0x300;
	[sflag:s28] =	ssyncadd.s32 $0xFFFFE000  }
0xd2: {  	[tilespmem:s24], [sflag:$0x3] =	stream.indirect.gather [hbm4b:s2+s19], $0x80, s17, s19, $0xb8;
	[tilespmem:$0x10480] =	vst v63  }
0xd3: {  	s16 =	simm.s32 $0x0;
	s17 =	simm.s32 $0x4400  }
0xd4: {  	v8 =	vsub.f32 v8, v11;
	[tilespmem:s17], [sflag:$0x7] =	stream.linear.gather [hbm4b:s11+s16], $0x2000, $0x38;
	[tilespmem:$0x10480] =	vst v63  }
0xd5: {  	v11 =	vmul.f32 v14, v14;
	s17 =	simm.s32 $0x0  }
0xd6: {  	v8 =	vmul.f32 v8, v8;
	v9 =	vsub.f32 v9, v12;
	v12 =	vld [tilespmem:s17+$0x6470]  }
0xd7: {  	v0 =	vadd.f32 v13, v0;
	v4 =	vadd.f32 v11, v4;
	v11 =	vld [tilespmem:s17+$0xE470]  }
0xd8: {  	v10 =	vsub.f32 v10, v15;
	v7 =	vadd.f32 v8, v7;
	v8 =	vmul.f32 v9, v9;
	v9 =	vld [tilespmem:s17+$0x6400]  }
0xd9: {  	v13 =	vsub.f32 v16, v17;
	v14 =	vsub.f32 v18, v19;
	v15 =	vld [tilespmem:s17+$0xE400]  }
0xda: {  	v6 =	vadd.f32 v8, v6;
	v8 =	vmul.f32 v10, v10;
	v10 =	vsub.f32 v20, v21;
	v56 =	vld [tilespmem:s17+$0x6410]  }
0xdb: {  	v57 =	vsub.f32 v22, v23;
	v13 =	vmul.f32 v13, v13;
	v14 =	vmul.f32 v14, v14;
	v58 =	vld [tilespmem:s17+$0xE410]  }
0xdc: {  	v1 =	vadd.f32 v8, v1;
	v8 =	vmul.f32 v10, v10;
	v10 =	vsub.f32 v24, v25;
	v59 =	vld [tilespmem:s17+$0x6420]  }
0xdd: {  	v2 =	vadd.f32 v13, v2;
	v3 =	vadd.f32 v14, v3;
	v13 =	vmul.f32 v57, v57;
	v14 =	vld [tilespmem:s17+$0xE420]  }
0xde: {  	v60 =	vld [tilespmem:s17+$0x6430];
	v5 =	vadd.f32 v8, v5;
	v8 =	vmul.f32 v10, v10;
	v10 =	vsub.f32 v26, v27  }
0xdf: {  	v61 =	vld [tilespmem:s17+$0xE430];
	v0 =	vadd.f32 v13, v0;
	v13 =	vsub.f32 v28, v29  }
0xe0: {  	v62 =	vld [tilespmem:s17+$0x6440];
	v4 =	vadd.f32 v8, v4;
	v8 =	vmul.f32 v10, v10;
	v10 =	vsub.f32 v12, v11  }
0xe1: {  	v9 =	vsub.f32 v9, v15;
	v11 =	vmul.f32 v13, v13;
	v12 =	vsub.f32 v56, v58;
	v15 =	vld [tilespmem:s17+$0xE440]  }
0xe2: {  	v13 =	vsub.f32 v59, v14;
	v7 =	vadd.f32 v8, v7;
	v8 =	vld [tilespmem:s17+$0x6450];
	v10 =	vmul.f32 v10, v10  }
0xe3: {  	v6 =	vadd.f32 v11, v6;
	v14 =	vmul.f32 v9, v9;
	v12 =	vmul.f32 v12, v12;
	v11 =	vld [tilespmem:s17+$0xE450]  }
0xe4: {  	v63 =	vsub.f32 v60, v61;
	v13 =	vmul.f32 v13, v13;
	v9 =	vld [tilespmem:s17+$0x6460];
	v1 =	vadd.f32 v10, v1  }
0xe5: {  	s16 =	simm.s32 $0x80;
	v2 =	vadd.f32 v14, v2;
	v3 =	vadd.f32 v12, v3;
	v12 =	vld [tilespmem:s17+$0xE460]  }
0xe6: {  	v10 =	vld [tilespmem:s16+$0x6470];
	s17 =	simm.s32 $0x400;
	v5 =	vadd.f32 v13, v5;
	v13 =	vmul.f32 v63, v63;
	v14 =	vsub.f32 v62, v15  }
.LBB2_8:
0xe7: {  	p0 =	sne.s32 s17, $0x7E00;
	v15 =	vld [tilespmem:s16+$0xE470]  }
0xe8: {  	v16 =	vld [tilespmem:s16+$0x6400];
	v0 =	vadd.f32 v13, v0;
	v13 =	vmul.f32 v14, v14;
	v8 =	vsub.f32 v8, v11  }
0xe9: {  	v11 =	vld [tilespmem:s16+$0xE400]  }
0xea: {  	v14 =	vld [tilespmem:s16+$0x6410];
	v4 =	vadd.f32 v13, v4;
	v8 =	vmul.f32 v8, v8;
	v9 =	vsub.f32 v9, v12  }
0xeb: {  	v12 =	vld [tilespmem:s16+$0xE410]  }
0xec: {  	v13 =	vld [tilespmem:s16+$0x6420];
	v10 =	vsub.f32 v10, v15;
	v7 =	vadd.f32 v8, v7;
	v8 =	vmul.f32 v9, v9  }
0xed: {  	v9 =	vld [tilespmem:s16+$0xE420]  }
0xee: {  	v11 =	vsub.f32 v16, v11;
	v15 =	vld [tilespmem:s16+$0x6430];
	v10 =	vmul.f32 v10, v10;
	v6 =	vadd.f32 v8, v6  }
0xef: {  	v16 =	vld [tilespmem:s16+$0xE430]  }
0xf0: {  	v8 =	vmul.f32 v11, v11;
	v11 =	vsub.f32 v14, v12;
	v14 =	vld [tilespmem:s16+$0x6440];
	v1 =	vadd.f32 v10, v1  }
0xf1: {  	v17 =	vld [tilespmem:s16+$0xE440]  }
.Ltmp3:
0xf2: {  	v2 =	vadd.f32 v8, v2;
	v10 =	vmul.f32 v11, v11;
	v9 =	vsub.f32 v13, v9;
	v8 =	vld [tilespmem:s16+$0x6450];
	(pc) =	sbr.rel @p0 .LBB2_8-.Ltmp3, $4  }
0xf3: {  	v11 =	vld [tilespmem:s16+$0xE450]  }
0xf4: {  	v3 =	vadd.f32 v10, v3;
	v13 =	vmul.f32 v9, v9;
	v15 =	vsub.f32 v15, v16;
	v9 =	vld [tilespmem:s16+$0x6460]  }
0xf5: {  	v12 =	vld [tilespmem:s16+$0xE460];
	s16 =	sshra.s32 s17, $0x2  }
0xf6: {  	s17 =	sadd.s32 $0x200, s17;
	v10 =	vld [tilespmem:s16+$0x6470];
	v5 =	vadd.f32 v13, v5;
	v13 =	vmul.f32 v15, v15;
	v14 =	vsub.f32 v14, v17  }
0xf7: {  	v15 =	vld [tilespmem:s16+$0xE470]  }
0xf8: {  	v16 =	vld [tilespmem:s16+$0x6400]  }
0xf9: {  	v17 =	vld [tilespmem:s16+$0xE400]  }
0xfa: {  	v18 =	vld [tilespmem:s16+$0x6410]  }
0xfb: {  	v19 =	vld [tilespmem:s16+$0xE410]  }
0xfc: {  	v20 =	vld [tilespmem:s16+$0x6420]  }
0xfd: {  	v21 =	vld [tilespmem:s16+$0xE420]  }
0xfe: {  	v22 =	vld [tilespmem:s16+$0x6430]  }
0xff: {  	v23 =	vld [tilespmem:s16+$0xE430]  }
0x100: {  	v24 =	vld [tilespmem:s16+$0x6440]  }
0x101: {  	v25 =	vld [tilespmem:s16+$0xE440]  }
0x102: {  	v26 =	vld [tilespmem:s16+$0x6450]  }
0x103: {  	v27 =	vld [tilespmem:s16+$0xE450]  }
0x104: {  	v28 =	vld [tilespmem:s16+$0x6460]  }
0x105: {  	v29 =	vld [tilespmem:s16+$0xE460];
	_ =	swait.ge [sflag:s25], $0x2000  }
0x106: {  	[sflag:s25] =	ssyncset.done $0x0  }
0x107: {  	[sflag:s25] =	ssyncadd.s32 $0xFFFFE000  }
0x108: {  	_ =	swait.ge [sflag:s26], $0x2000  }
0x109: {  	[sflag:s26] =	ssyncset.done $0x0  }
0x10a: {  	s17 =	simm.s32 $0x380;
	[sflag:s26] =	ssyncadd.s32 $0xFFFFE000  }
0x10b: {  	[tilespmem:s29], [sflag:$0x4] =	stream.indirect.gather [hbm4b:s2+s19], $0x80, s17, s19, $0xb8;
	[tilespmem:$0x10480] =	vst v63  }
0x10c: {  	s17 =	simm.s32 $0x0  }
0x10d: {  	v8 =	vsub.f32 v8, v11;
	[tilespmem:s30], [sflag:$0x8] =	stream.linear.gather [hbm4b:s12+s17], $0x2000, $0x38;
	[tilespmem:$0x10480] =	vst v63  }
0x10e: {  	v11 =	vmul.f32 v14, v14;
	s17 =	simm.s32 $0x0  }
0x10f: {  	v8 =	vmul.f32 v8, v8;
	v9 =	vsub.f32 v9, v12;
	v12 =	vld [tilespmem:s17+$0x470]  }
0x110: {  	v0 =	vadd.f32 v13, v0;
	v4 =	vadd.f32 v11, v4;
	v11 =	vld [tilespmem:s17+$0x8470]  }
0x111: {  	v10 =	vsub.f32 v10, v15;
	v7 =	vadd.f32 v8, v7;
	v8 =	vmul.f32 v9, v9;
	v9 =	vld [tilespmem:s17+$0x400]  }
0x112: {  	v13 =	vsub.f32 v16, v17;
	v14 =	vsub.f32 v18, v19;
	v15 =	vld [tilespmem:s17+$0x8400]  }
0x113: {  	v6 =	vadd.f32 v8, v6;
	v8 =	vmul.f32 v10, v10;
	v10 =	vsub.f32 v20, v21;
	v56 =	vld [tilespmem:s17+$0x410]  }
0x114: {  	v57 =	vsub.f32 v22, v23;
	v13 =	vmul.f32 v13, v13;
	v14 =	vmul.f32 v14, v14;
	v58 =	vld [tilespmem:s17+$0x8410]  }
0x115: {  	v1 =	vadd.f32 v8, v1;
	v8 =	vmul.f32 v10, v10;
	v10 =	vsub.f32 v24, v25;
	v59 =	vld [tilespmem:s17+$0x420]  }
0x116: {  	v2 =	vadd.f32 v13, v2;
	v3 =	vadd.f32 v14, v3;
	v13 =	vmul.f32 v57, v57;
	v14 =	vld [tilespmem:s17+$0x8420]  }
0x117: {  	v60 =	vld [tilespmem:s17+$0x430];
	v5 =	vadd.f32 v8, v5;
	v8 =	vmul.f32 v10, v10;
	v10 =	vsub.f32 v26, v27  }
0x118: {  	v61 =	vld [tilespmem:s17+$0x8430];
	v0 =	vadd.f32 v13, v0;
	v13 =	vsub.f32 v28, v29  }
0x119: {  	v62 =	vld [tilespmem:s17+$0x440];
	v4 =	vadd.f32 v8, v4;
	v8 =	vmul.f32 v10, v10;
	v10 =	vsub.f32 v12, v11  }
0x11a: {  	v9 =	vsub.f32 v9, v15;
	v11 =	vmul.f32 v13, v13;
	v12 =	vsub.f32 v56, v58;
	v15 =	vld [tilespmem:s17+$0x8440]  }
0x11b: {  	v13 =	vsub.f32 v59, v14;
	v7 =	vadd.f32 v8, v7;
	v8 =	vld [tilespmem:s17+$0x450];
	v10 =	vmul.f32 v10, v10  }
0x11c: {  	v6 =	vadd.f32 v11, v6;
	v14 =	vmul.f32 v9, v9;
	v12 =	vmul.f32 v12, v12;
	v11 =	vld [tilespmem:s17+$0x8450]  }
0x11d: {  	v63 =	vsub.f32 v60, v61;
	v13 =	vmul.f32 v13, v13;
	v9 =	vld [tilespmem:s17+$0x460];
	v1 =	vadd.f32 v10, v1  }
0x11e: {  	s16 =	simm.s32 $0x80;
	v2 =	vadd.f32 v14, v2;
	v3 =	vadd.f32 v12, v3;
	v12 =	vld [tilespmem:s17+$0x8460]  }
0x11f: {  	v10 =	vld [tilespmem:s16+$0x470];
	s17 =	simm.s32 $0x400;
	v5 =	vadd.f32 v13, v5;
	v13 =	vmul.f32 v63, v63;
	v14 =	vsub.f32 v62, v15  }
.LBB2_10:
0x120: {  	p0 =	sne.s32 s17, $0x7E00;
	v15 =	vld [tilespmem:s16+$0x8470]  }
0x121: {  	v16 =	vld [tilespmem:s16+$0x400];
	v0 =	vadd.f32 v13, v0;
	v13 =	vmul.f32 v14, v14;
	v8 =	vsub.f32 v8, v11  }
0x122: {  	v11 =	vld [tilespmem:s16+$0x8400]  }
0x123: {  	v14 =	vld [tilespmem:s16+$0x410];
	v4 =	vadd.f32 v13, v4;
	v8 =	vmul.f32 v8, v8;
	v9 =	vsub.f32 v9, v12  }
0x124: {  	v12 =	vld [tilespmem:s16+$0x8410]  }
0x125: {  	v13 =	vld [tilespmem:s16+$0x420];
	v10 =	vsub.f32 v10, v15;
	v7 =	vadd.f32 v8, v7;
	v8 =	vmul.f32 v9, v9  }
0x126: {  	v9 =	vld [tilespmem:s16+$0x8420]  }
0x127: {  	v11 =	vsub.f32 v16, v11;
	v15 =	vld [tilespmem:s16+$0x430];
	v10 =	vmul.f32 v10, v10;
	v6 =	vadd.f32 v8, v6  }
0x128: {  	v16 =	vld [tilespmem:s16+$0x8430]  }
0x129: {  	v8 =	vmul.f32 v11, v11;
	v11 =	vsub.f32 v14, v12;
	v14 =	vld [tilespmem:s16+$0x440];
	v1 =	vadd.f32 v10, v1  }
0x12a: {  	v17 =	vld [tilespmem:s16+$0x8440]  }
.Ltmp4:
0x12b: {  	v2 =	vadd.f32 v8, v2;
	v10 =	vmul.f32 v11, v11;
	v9 =	vsub.f32 v13, v9;
	v8 =	vld [tilespmem:s16+$0x450];
	(pc) =	sbr.rel @p0 .LBB2_10-.Ltmp4, $4  }
0x12c: {  	v11 =	vld [tilespmem:s16+$0x8450]  }
0x12d: {  	v3 =	vadd.f32 v10, v3;
	v13 =	vmul.f32 v9, v9;
	v15 =	vsub.f32 v15, v16;
	v9 =	vld [tilespmem:s16+$0x460]  }
0x12e: {  	v12 =	vld [tilespmem:s16+$0x8460];
	s16 =	sshra.s32 s17, $0x2  }
0x12f: {  	s17 =	sadd.s32 $0x200, s17;
	v10 =	vld [tilespmem:s16+$0x470];
	v5 =	vadd.f32 v13, v5;
	v13 =	vmul.f32 v15, v15;
	v14 =	vsub.f32 v14, v17  }
0x130: {  	v15 =	vld [tilespmem:s16+$0x8470]  }
0x131: {  	v16 =	vld [tilespmem:s16+$0x400]  }
0x132: {  	v17 =	vld [tilespmem:s16+$0x8400]  }
0x133: {  	v18 =	vld [tilespmem:s16+$0x410]  }
0x134: {  	v19 =	vld [tilespmem:s16+$0x8410]  }
0x135: {  	v20 =	vld [tilespmem:s16+$0x420]  }
0x136: {  	v21 =	vld [tilespmem:s16+$0x8420]  }
0x137: {  	v22 =	vld [tilespmem:s16+$0x430]  }
0x138: {  	v23 =	vld [tilespmem:s16+$0x8430]  }
0x139: {  	v24 =	vld [tilespmem:s16+$0x440]  }
0x13a: {  	v25 =	vld [tilespmem:s16+$0x8440]  }
0x13b: {  	v26 =	vld [tilespmem:s16+$0x450]  }
0x13c: {  	v27 =	vld [tilespmem:s16+$0x8450]  }
0x13d: {  	v28 =	vld [tilespmem:s16+$0x460]  }
0x13e: {  	v29 =	vld [tilespmem:s16+$0x8460];
	_ =	swait.ge [sflag:s31], $0x2000  }
0x13f: {  	[sflag:s31] =	ssyncset.done $0x0  }
0x140: {  	[sflag:s31] =	ssyncadd.s32 $0xFFFFE000  }
0x141: {  	_ =	swait.ge [sflag:s0], $0x2000  }
0x142: {  	v8 =	vsub.f32 v8, v11;
	[sflag:s0] =	ssyncset.done $0x0  }
0x143: {  	s17 =	simm.s32 $0x0;
	v11 =	vmul.f32 v14, v14;
	[sflag:s0] =	ssyncadd.s32 $0xFFFFE000  }
0x144: {  	v8 =	vmul.f32 v8, v8;
	v9 =	vsub.f32 v9, v12;
	v12 =	vld [tilespmem:s17+$0x2470]  }
0x145: {  	v4 =	vadd.f32 v11, v4;
	v11 =	vld [tilespmem:s17+$0xA470]  }
0x146: {  	v7 =	vadd.f32 v8, v7;
	v8 =	vmul.f32 v9, v9;
	v9 =	vld [tilespmem:s17+$0x2400]  }
0x147: {  	v0 =	vadd.f32 v13, v0;
	v10 =	vsub.f32 v10, v15;
	v15 =	vld [tilespmem:s17+$0xA400]  }
0x148: {  	v13 =	vsub.f32 v16, v17;
	v14 =	vsub.f32 v18, v19;
	v56 =	vld [tilespmem:s17+$0x2410]  }
0x149: {  	v58 =	vld [tilespmem:s17+$0xA410];
	v6 =	vadd.f32 v8, v6;
	v8 =	vmul.f32 v10, v10;
	v10 =	vsub.f32 v20, v21  }
0x14a: {  	v57 =	vsub.f32 v22, v23;
	v59 =	vld [tilespmem:s17+$0x2420];
	v13 =	vmul.f32 v13, v13;
	v14 =	vmul.f32 v14, v14  }
0x14b: {  	v60 =	vld [tilespmem:s17+$0x2430];
	v1 =	vadd.f32 v8, v1;
	v8 =	vmul.f32 v10, v10;
	v10 =	vsub.f32 v24, v25  }
0x14c: {  	v2 =	vadd.f32 v13, v2;
	v3 =	vadd.f32 v14, v3;
	v13 =	vmul.f32 v57, v57;
	v14 =	vld [tilespmem:s17+$0xA420]  }
0x14d: {  	v61 =	vld [tilespmem:s17+$0xA430];
	v5 =	vadd.f32 v8, v5;
	v8 =	vmul.f32 v10, v10;
	v10 =	vsub.f32 v26, v27  }
0x14e: {  	v62 =	vld [tilespmem:s17+$0x2440];
	v0 =	vadd.f32 v13, v0;
	v13 =	vsub.f32 v28, v29  }
0x14f: {  	v9 =	vsub.f32 v9, v15;
	v15 =	vld [tilespmem:s17+$0xA440];
	v4 =	vadd.f32 v8, v4;
	v8 =	vmul.f32 v10, v10  }
0x150: {  	v10 =	vsub.f32 v12, v11;
	v11 =	vmul.f32 v13, v13;
	v12 =	vsub.f32 v56, v58  }
0x151: {  	v13 =	vsub.f32 v59, v14;
	v14 =	vmul.f32 v9, v9;
	v7 =	vadd.f32 v8, v7;
	v8 =	vld [tilespmem:s17+$0x2450]  }
0x152: {  	v63 =	vsub.f32 v60, v61;
	v6 =	vadd.f32 v11, v6;
	v12 =	vmul.f32 v12, v12;
	v11 =	vld [tilespmem:s17+$0xA450]  }
0x153: {  	v9 =	vld [tilespmem:s17+$0x2460];
	v10 =	vmul.f32 v10, v10;
	v13 =	vmul.f32 v13, v13;
	v2 =	vadd.f32 v14, v2  }
0x154: {  	s16 =	simm.s32 $0x80;
	v14 =	vsub.f32 v62, v15;
	v3 =	vadd.f32 v12, v3;
	v12 =	vld [tilespmem:s17+$0xA460]  }
0x155: {  	v1 =	vadd.f32 v10, v1;
	v10 =	vld [tilespmem:s16+$0x2470];
	s17 =	simm.s32 $0x400;
	v5 =	vadd.f32 v13, v5;
	v13 =	vmul.f32 v63, v63  }
.LBB2_12:
0x156: {  	p0 =	sne.s32 s17, $0x7E00;
	v15 =	vld [tilespmem:s16+$0xA470]  }
0x157: {  	v16 =	vld [tilespmem:s16+$0x2400];
	v0 =	vadd.f32 v13, v0;
	v13 =	vmul.f32 v14, v14;
	v8 =	vsub.f32 v8, v11  }
0x158: {  	v11 =	vld [tilespmem:s16+$0xA400]  }
0x159: {  	v14 =	vld [tilespmem:s16+$0x2410];
	v4 =	vadd.f32 v13, v4;
	v8 =	vmul.f32 v8, v8;
	v9 =	vsub.f32 v9, v12  }
0x15a: {  	v12 =	vld [tilespmem:s16+$0xA410]  }
0x15b: {  	v13 =	vld [tilespmem:s16+$0x2420];
	v10 =	vsub.f32 v10, v15;
	v7 =	vadd.f32 v8, v7;
	v8 =	vmul.f32 v9, v9  }
0x15c: {  	v9 =	vld [tilespmem:s16+$0xA420]  }
0x15d: {  	v11 =	vsub.f32 v16, v11;
	v15 =	vld [tilespmem:s16+$0x2430];
	v10 =	vmul.f32 v10, v10;
	v6 =	vadd.f32 v8, v6  }
0x15e: {  	v16 =	vld [tilespmem:s16+$0xA430]  }
0x15f: {  	v8 =	vmul.f32 v11, v11;
	v11 =	vsub.f32 v14, v12;
	v14 =	vld [tilespmem:s16+$0x2440];
	v1 =	vadd.f32 v10, v1  }
0x160: {  	v17 =	vld [tilespmem:s16+$0xA440]  }
.Ltmp5:
0x161: {  	v2 =	vadd.f32 v8, v2;
	v10 =	vmul.f32 v11, v11;
	v9 =	vsub.f32 v13, v9;
	v8 =	vld [tilespmem:s16+$0x2450];
	(pc) =	sbr.rel @p0 .LBB2_12-.Ltmp5, $4  }
0x162: {  	v11 =	vld [tilespmem:s16+$0xA450]  }
0x163: {  	v3 =	vadd.f32 v10, v3;
	v13 =	vmul.f32 v9, v9;
	v15 =	vsub.f32 v15, v16;
	v9 =	vld [tilespmem:s16+$0x2460]  }
0x164: {  	v12 =	vld [tilespmem:s16+$0xA460];
	s16 =	sshra.s32 s17, $0x2  }
0x165: {  	s17 =	sadd.s32 $0x200, s17;
	v10 =	vld [tilespmem:s16+$0x2470];
	v5 =	vadd.f32 v13, v5;
	v13 =	vmul.f32 v15, v15;
	v14 =	vsub.f32 v14, v17  }
0x166: {  	v15 =	vld [tilespmem:s16+$0xA470]  }
0x167: {  	v16 =	vld [tilespmem:s16+$0x2400]  }
0x168: {  	v17 =	vld [tilespmem:s16+$0xA400]  }
0x169: {  	v18 =	vld [tilespmem:s16+$0x2410]  }
0x16a: {  	v19 =	vld [tilespmem:s16+$0xA410]  }
0x16b: {  	v20 =	vld [tilespmem:s16+$0x2420]  }
0x16c: {  	v21 =	vld [tilespmem:s16+$0xA420]  }
0x16d: {  	v22 =	vld [tilespmem:s16+$0x2430]  }
0x16e: {  	v23 =	vld [tilespmem:s16+$0xA430]  }
0x16f: {  	v24 =	vld [tilespmem:s16+$0x2440]  }
0x170: {  	v25 =	vld [tilespmem:s16+$0xA440]  }
0x171: {  	v26 =	vld [tilespmem:s16+$0x2450]  }
0x172: {  	v27 =	vld [tilespmem:s16+$0xA450]  }
0x173: {  	v28 =	vld [tilespmem:s16+$0x2460]  }
0x174: {  	v29 =	vld [tilespmem:s16+$0xA460];
	_ =	swait.ge [sflag:s21], $0x2000  }
0x175: {  	[sflag:s21] =	ssyncset.done $0x0  }
0x176: {  	[sflag:s21] =	ssyncadd.s32 $0xFFFFE000  }
0x177: {  	_ =	swait.ge [sflag:s23], $0x2000  }
0x178: {  	v8 =	vsub.f32 v8, v11;
	[sflag:s23] =	ssyncset.done $0x0  }
0x179: {  	s17 =	simm.s32 $0x0;
	v11 =	vmul.f32 v14, v14;
	[sflag:s23] =	ssyncadd.s32 $0xFFFFE000  }
0x17a: {  	v8 =	vmul.f32 v8, v8;
	v9 =	vsub.f32 v9, v12;
	v12 =	vld [tilespmem:s17+$0x4470]  }
0x17b: {  	v4 =	vadd.f32 v11, v4;
	v11 =	vld [tilespmem:s17+$0xC470]  }
0x17c: {  	v7 =	vadd.f32 v8, v7;
	v8 =	vmul.f32 v9, v9;
	v9 =	vld [tilespmem:s17+$0x4400]  }
0x17d: {  	v0 =	vadd.f32 v13, v0;
	v10 =	vsub.f32 v10, v15;
	v15 =	vld [tilespmem:s17+$0xC400]  }
0x17e: {  	v13 =	vsub.f32 v16, v17;
	v14 =	vsub.f32 v18, v19;
	v56 =	vld [tilespmem:s17+$0x4410]  }
0x17f: {  	v58 =	vld [tilespmem:s17+$0xC410];
	v6 =	vadd.f32 v8, v6;
	v8 =	vmul.f32 v10, v10;
	v10 =	vsub.f32 v20, v21  }
0x180: {  	v57 =	vsub.f32 v22, v23;
	v59 =	vld [tilespmem:s17+$0x4420];
	v13 =	vmul.f32 v13, v13;
	v14 =	vmul.f32 v14, v14  }
0x181: {  	v60 =	vld [tilespmem:s17+$0x4430];
	v1 =	vadd.f32 v8, v1;
	v8 =	vmul.f32 v10, v10;
	v10 =	vsub.f32 v24, v25  }
0x182: {  	v2 =	vadd.f32 v13, v2;
	v3 =	vadd.f32 v14, v3;
	v13 =	vmul.f32 v57, v57;
	v14 =	vld [tilespmem:s17+$0xC420]  }
0x183: {  	v61 =	vld [tilespmem:s17+$0xC430];
	v5 =	vadd.f32 v8, v5;
	v8 =	vmul.f32 v10, v10;
	v10 =	vsub.f32 v26, v27  }
0x184: {  	v62 =	vld [tilespmem:s17+$0x4440];
	v0 =	vadd.f32 v13, v0;
	v13 =	vsub.f32 v28, v29  }
0x185: {  	v9 =	vsub.f32 v9, v15;
	v15 =	vld [tilespmem:s17+$0xC440];
	v4 =	vadd.f32 v8, v4;
	v8 =	vmul.f32 v10, v10  }
0x186: {  	v10 =	vsub.f32 v12, v11;
	v11 =	vmul.f32 v13, v13;
	v12 =	vsub.f32 v56, v58  }
0x187: {  	v13 =	vsub.f32 v59, v14;
	v14 =	vmul.f32 v9, v9;
	v7 =	vadd.f32 v8, v7;
	v8 =	vld [tilespmem:s17+$0x4450]  }
0x188: {  	v63 =	vsub.f32 v60, v61;
	v6 =	vadd.f32 v11, v6;
	v12 =	vmul.f32 v12, v12;
	v11 =	vld [tilespmem:s17+$0xC450]  }
0x189: {  	v9 =	vld [tilespmem:s17+$0x4460];
	v10 =	vmul.f32 v10, v10;
	v13 =	vmul.f32 v13, v13;
	v2 =	vadd.f32 v14, v2  }
0x18a: {  	s16 =	simm.s32 $0x80;
	v14 =	vsub.f32 v62, v15;
	v3 =	vadd.f32 v12, v3;
	v12 =	vld [tilespmem:s17+$0xC460]  }
0x18b: {  	v1 =	vadd.f32 v10, v1;
	v10 =	vld [tilespmem:s16+$0x4470];
	s17 =	simm.s32 $0x400;
	v5 =	vadd.f32 v13, v5;
	v13 =	vmul.f32 v63, v63  }
.LBB2_14:
0x18c: {  	p0 =	sne.s32 s17, $0x7E00;
	v15 =	vld [tilespmem:s16+$0xC470]  }
0x18d: {  	v16 =	vld [tilespmem:s16+$0x4400];
	v0 =	vadd.f32 v13, v0;
	v13 =	vmul.f32 v14, v14;
	v8 =	vsub.f32 v8, v11  }
0x18e: {  	v11 =	vld [tilespmem:s16+$0xC400]  }
0x18f: {  	v14 =	vld [tilespmem:s16+$0x4410];
	v4 =	vadd.f32 v13, v4;
	v8 =	vmul.f32 v8, v8;
	v9 =	vsub.f32 v9, v12  }
0x190: {  	v12 =	vld [tilespmem:s16+$0xC410]  }
0x191: {  	v13 =	vld [tilespmem:s16+$0x4420];
	v10 =	vsub.f32 v10, v15;
	v7 =	vadd.f32 v8, v7;
	v8 =	vmul.f32 v9, v9  }
0x192: {  	v9 =	vld [tilespmem:s16+$0xC420]  }
0x193: {  	v11 =	vsub.f32 v16, v11;
	v15 =	vld [tilespmem:s16+$0x4430];
	v10 =	vmul.f32 v10, v10;
	v6 =	vadd.f32 v8, v6  }
0x194: {  	v16 =	vld [tilespmem:s16+$0xC430]  }
0x195: {  	v8 =	vmul.f32 v11, v11;
	v11 =	vsub.f32 v14, v12;
	v14 =	vld [tilespmem:s16+$0x4440];
	v1 =	vadd.f32 v10, v1  }
0x196: {  	v17 =	vld [tilespmem:s16+$0xC440]  }
.Ltmp6:
0x197: {  	v2 =	vadd.f32 v8, v2;
	v10 =	vmul.f32 v11, v11;
	v9 =	vsub.f32 v13, v9;
	v8 =	vld [tilespmem:s16+$0x4450];
	(pc) =	sbr.rel @p0 .LBB2_14-.Ltmp6, $4  }
0x198: {  	v11 =	vld [tilespmem:s16+$0xC450]  }
0x199: {  	v3 =	vadd.f32 v10, v3;
	v13 =	vmul.f32 v9, v9;
	v15 =	vsub.f32 v15, v16;
	v9 =	vld [tilespmem:s16+$0x4460]  }
0x19a: {  	v12 =	vld [tilespmem:s16+$0xC460];
	s16 =	sshra.s32 s17, $0x2  }
0x19b: {  	s17 =	sadd.s32 $0x200, s17;
	v10 =	vld [tilespmem:s16+$0x4470];
	v5 =	vadd.f32 v13, v5;
	v13 =	vmul.f32 v15, v15;
	v14 =	vsub.f32 v14, v17  }
0x19c: {  	v15 =	vld [tilespmem:s16+$0xC470]  }
0x19d: {  	v16 =	vld [tilespmem:s16+$0x4400]  }
0x19e: {  	v17 =	vld [tilespmem:s16+$0xC400]  }
0x19f: {  	v18 =	vld [tilespmem:s16+$0x4410]  }
0x1a0: {  	v19 =	vld [tilespmem:s16+$0xC410]  }
0x1a1: {  	v20 =	vld [tilespmem:s16+$0x4420]  }
0x1a2: {  	v21 =	vld [tilespmem:s16+$0xC420]  }
0x1a3: {  	v22 =	vld [tilespmem:s16+$0x4430]  }
0x1a4: {  	v23 =	vld [tilespmem:s16+$0xC430]  }
0x1a5: {  	v24 =	vld [tilespmem:s16+$0x4440]  }
0x1a6: {  	v25 =	vld [tilespmem:s16+$0xC440]  }
0x1a7: {  	v26 =	vld [tilespmem:s16+$0x4450]  }
0x1a8: {  	v27 =	vld [tilespmem:s16+$0xC450]  }
0x1a9: {  	v28 =	vld [tilespmem:s16+$0x4460]  }
0x1aa: {  	v29 =	vld [tilespmem:s16+$0xC460];
	_ =	swait.ge [sflag:s1], $0x2000  }
0x1ab: {  	[sflag:s1] =	ssyncset.done $0x0  }
0x1ac: {  	[sflag:s1] =	ssyncadd.s32 $0xFFFFE000  }
0x1ad: {  	v8 =	vsub.f32 v8, v11;
	_ =	swait.ge [sflag:s28], $0x2000  }
0x1ae: {  	v11 =	vmul.f32 v14, v14;
	[sflag:s28] =	ssyncset.done $0x0  }
0x1af: {  	s17 =	simm.s32 $0x0;
	v8 =	vmul.f32 v8, v8;
	v9 =	vsub.f32 v9, v12;
	[sflag:s28] =	ssyncadd.s32 $0xFFFFE000  }
0x1b0: {  	v0 =	vadd.f32 v13, v0;
	v11 =	vadd.f32 v11, v4;
	v12 =	vld [tilespmem:s17+$0x6470]  }
0x1b1: {  	v4 =	vsub.f32 v10, v15;
	v7 =	vadd.f32 v8, v7;
	v8 =	vmul.f32 v9, v9;
	v13 =	vld [tilespmem:s17+$0xE470]  }
0x1b2: {  	v10 =	vsub.f32 v16, v17;
	v14 =	vsub.f32 v18, v19;
	v9 =	vld [tilespmem:s17+$0x6400]  }
0x1b3: {  	v15 =	vld [tilespmem:s17+$0xE400];
	v6 =	vadd.f32 v8, v6;
	v4 =	vmul.f32 v4, v4;
	v8 =	vsub.f32 v20, v21  }
0x1b4: {  	v55 =	vsub.f32 v22, v23;
	v54 =	vld [tilespmem:s17+$0x6410];
	v10 =	vmul.f32 v10, v10  }
0x1b5: {  	v56 =	vld [tilespmem:s17+$0xE410];
	v14 =	vmul.f32 v14, v14;
	v57 =	vadd.f32 v4, v1;
	v1 =	vmul.f32 v8, v8  }
0x1b6: {  	v4 =	vsub.f32 v24, v25;
	v8 =	vld [tilespmem:s17+$0x6420];
	v58 =	vadd.f32 v10, v2;
	v2 =	vmul.f32 v55, v55  }
0x1b7: {  	v59 =	vsub.f32 v26, v27;
	v14 =	vadd.f32 v14, v3;
	v10 =	vld [tilespmem:s17+$0xE420]  }
0x1b8: {  	v60 =	vld [tilespmem:s17+$0x6430];
	v5 =	vadd.f32 v1, v5;
	v1 =	vmul.f32 v4, v4;
	v4 =	vadd.f32 v2, v0  }
0x1b9: {  	v61 =	vld [tilespmem:s17+$0xE430];
	v0 =	vsub.f32 v28, v29;
	v9 =	vsub.f32 v9, v15  }
0x1ba: {  	v15 =	vld [tilespmem:s17+$0xE440];
	v3 =	vadd.f32 v1, v11;
	v1 =	vmul.f32 v59, v59;
	v11 =	vsub.f32 v12, v13  }
0x1bb: {  	v13 =	vld [tilespmem:s17+$0x6440];
	v0 =	vmul.f32 v0, v0;
	v12 =	vsub.f32 v54, v56  }
0x1bc: {  	v8 =	vsub.f32 v8, v10;
	v10 =	vld [tilespmem:s17+$0x6450];
	v2 =	vadd.f32 v1, v7;
	v7 =	vmul.f32 v11, v11  }
0x1bd: {  	v1 =	vadd.f32 v0, v6;
	v6 =	vmul.f32 v9, v9;
	v11 =	vmul.f32 v12, v12;
	v12 =	vld [tilespmem:s17+$0xE450]  }
0x1be: {  	v63 =	vsub.f32 v60, v61;
	v9 =	vld [tilespmem:s17+$0x6460];
	v62 =	vmul.f32 v8, v8;
	v0 =	vadd.f32 v7, v57  }
0x1bf: {  	s16 =	simm.s32 $0x80;
	v6 =	vadd.f32 v6, v58;
	v7 =	vadd.f32 v11, v14;
	v11 =	vld [tilespmem:s17+$0xE460]  }
0x1c0: {  	v8 =	vld [tilespmem:s16+$0x6470];
	s17 =	simm.s32 $0x400;
	v14 =	vmul.f32 v63, v63;
	v5 =	vadd.f32 v62, v5;
	v13 =	vsub.f32 v13, v15  }
.LBB2_16:
0x1c1: {  	p0 =	sne.s32 s17, $0x7E00;
	v15 =	vld [tilespmem:s16+$0xE470]  }
0x1c2: {  	v16 =	vld [tilespmem:s16+$0x6400];
	v4 =	vadd.f32 v14, v4;
	v13 =	vmul.f32 v13, v13;
	v10 =	vsub.f32 v10, v12  }
0x1c3: {  	v12 =	vld [tilespmem:s16+$0xE400]  }
0x1c4: {  	v14 =	vld [tilespmem:s16+$0x6410];
	v3 =	vadd.f32 v13, v3;
	v10 =	vmul.f32 v10, v10;
	v9 =	vsub.f32 v9, v11  }
0x1c5: {  	v11 =	vld [tilespmem:s16+$0xE410]  }
0x1c6: {  	v13 =	vld [tilespmem:s16+$0x6420];
	v8 =	vsub.f32 v8, v15;
	v2 =	vadd.f32 v10, v2;
	v9 =	vmul.f32 v9, v9  }
0x1c7: {  	v10 =	vld [tilespmem:s16+$0xE420]  }
0x1c8: {  	v12 =	vsub.f32 v16, v12;
	v15 =	vld [tilespmem:s16+$0x6430];
	v8 =	vmul.f32 v8, v8;
	v1 =	vadd.f32 v9, v1  }
0x1c9: {  	v9 =	vld [tilespmem:s16+$0xE430]  }
0x1ca: {  	v12 =	vmul.f32 v12, v12;
	v11 =	vsub.f32 v14, v11;
	v16 =	vld [tilespmem:s16+$0x6440];
	v0 =	vadd.f32 v8, v0  }
0x1cb: {  	v17 =	vld [tilespmem:s16+$0xE440]  }
.Ltmp7:
0x1cc: {  	v6 =	vadd.f32 v12, v6;
	v8 =	vmul.f32 v11, v11;
	v11 =	vsub.f32 v13, v10;
	v10 =	vld [tilespmem:s16+$0x6450];
	(pc) =	sbr.rel @p0 .LBB2_16-.Ltmp7, $4  }
0x1cd: {  	v12 =	vld [tilespmem:s16+$0xE450]  }
0x1ce: {  	v7 =	vadd.f32 v8, v7;
	v13 =	vmul.f32 v11, v11;
	v14 =	vsub.f32 v15, v9;
	v9 =	vld [tilespmem:s16+$0x6460]  }
0x1cf: {  	v11 =	vld [tilespmem:s16+$0xE460];
	s16 =	sshra.s32 s17, $0x2  }
0x1d0: {  	s17 =	sadd.s32 $0x200, s17;
	v8 =	vld [tilespmem:s16+$0x6470];
	v5 =	vadd.f32 v13, v5;
	v14 =	vmul.f32 v14, v14;
	v13 =	vsub.f32 v16, v17  }
0x1d1: {  	v15 =	vld [tilespmem:s16+$0x6400]  }
0x1d2: {  	v16 =	vld [tilespmem:s16+$0xE400]  }
0x1d3: {  	v17 =	vld [tilespmem:s16+$0x6410]  }
0x1d4: {  	v18 =	vld [tilespmem:s16+$0xE410]  }
0x1d5: {  	v19 =	vld [tilespmem:s16+$0x6420]  }
0x1d6: {  	v20 =	vld [tilespmem:s16+$0xE420]  }
0x1d7: {  	v21 =	vld [tilespmem:s16+$0x6430]  }
0x1d8: {  	v22 =	vld [tilespmem:s16+$0xE430]  }
0x1d9: {  	v23 =	vld [tilespmem:s16+$0x6440]  }
0x1da: {  	v44 =	vld [tilespmem:s16+$0xE440];
	v15 =	vsub.f32 v15, v16;
	v43 =	vsub.f32 v17, v18  }
0x1db: {  	v49 =	vld [tilespmem:s16+$0x6450];
	v4 =	vadd.f32 v14, v4  }
0x1dc: {  	v51 =	vld [tilespmem:s16+$0xE450];
	v48 =	vsub.f32 v19, v20;
	v46 =	vmul.f32 v15, v15;
	v47 =	vmul.f32 v43, v43  }
0x1dd: {  	v53 =	vld [tilespmem:s16+$0x6460];
	v10 =	vsub.f32 v10, v12;
	v45 =	vmul.f32 v13, v13;
	v50 =	vsub.f32 v21, v22  }
0x1de: {  	v55 =	vld [tilespmem:s16+$0xE460];
	v52 =	vmul.f32 v48, v48;
	v6 =	vadd.f32 v46, v6;
	v7 =	vadd.f32 v47, v7  }
0x1df: {  	v3 =	vadd.f32 v45, v3;
	v54 =	vsub.f32 v23, v44  }
0x1e0: {  	v56 =	vld [tilespmem:s16+$0xE470];
	v12 =	vmul.f32 v50, v50;
	v5 =	vadd.f32 v52, v5;
	v6 =	vadd.f32 v7, v6  }
0x1e1: {  	v9 =	vsub.f32 v9, v11;
	v10 =	vmul.f32 v10, v10;
	v57 =	vsub.f32 v49, v51  }
0x1e2: {  	v11 =	vmul.f32 v54, v54;
	v4 =	vadd.f32 v12, v4;
	v5 =	vadd.f32 v5, v6  }
0x1e3: {  	v2 =	vadd.f32 v10, v2;
	v58 =	vmul.f32 v9, v9;
	v60 =	vsub.f32 v53, v55  }
0x1e4: {  	v59 =	vmul.f32 v57, v57;
	v3 =	vadd.f32 v11, v3;
	v4 =	vadd.f32 v4, v5  }
0x1e5: {  	v61 =	vsub.f32 v8, v56;
	v1 =	vadd.f32 v58, v1  }
0x1e6: {  	v62 =	vmul.f32 v60, v60;
	v2 =	vadd.f32 v59, v2;
	v3 =	vadd.f32 v3, v4;
	_ =	sdelay $0x1  }
0x1e7: {  	v63 =	vmul.f32 v61, v61;
	v1 =	vadd.f32 v62, v1;
	v2 =	vadd.f32 v2, v3;
	_ =	sdelay $0x1  }
0x1e8: {  	v0 =	vadd.f32 v63, v0;
	v1 =	vadd.f32 v1, v2;
	_ =	sdelay $0x1  }
0x1e9: {  	v0 =	vadd.f32 v0, v1;
	_ =	sdelay $0x1  }
0x1ea: {  	s15 =	sadd.s32 $0x1, s15;
	v0 =	vmul.f32 $7.152557440e-10, v0  }
0x1eb: {  	p0 =	sne.s32 s15, s14  }
.Ltmp8:
0x1ec: {  	s17 =	simm.s32 $0x10400;
	[tilespmem:$0x10400] =	vst v0;
	(pc) =	sbr.rel @p0 .LBB2_1-.Ltmp8, $4  }
0x1ed: {  	[hbm4b:s13+s3] =	stream.linear.scatter [tilespmem:s17], [sflag:$0x9], $0x80, $0x38;
	[tilespmem:$0x10480] =	vst v63  }
0x1ee: {  	_ =	swait.ge [sflag:s18], $0x80  }
0x1ef: {  	[sflag:s18] =	ssyncset.done $0x0  }
0x1f0: {  	[sflag:s18] =	ssyncadd.s32 $0xFFFFFF80  }
0x1f1: {  	_ =	sfence.sel $0x180000  }
0x1f2: {  	[bflag:$0x0] =	sbarrier.arrive $0xFFFF  }
0x1f3: {  	_ =	strace $0x90000047  }
0x1f4: {  	s0 =	stileid.u32;
	[bflag:$0x2] =	sbarrier.arrive $0xFFFF  }
0x1f5: {  	p0 =	sne.s32 s0, $0x0;
	s0 =	rddreg [dreg:$0x3]  }
0x1f6: {  	s0 =	sadd.s32 @!p0 $0x100000, s0  }
0x1f7: {  	[sflag:s0] =	ssyncadd.tile.s32 @!p0 $0x1;
	_ =	shalt  }
.Lfunc_end2:
_tile_overlayer_lowered:
.L_overlay_start_2:
0x1f8: {  	(tag) =	ssettag $0x2  }
0x1f9: {  	s0 =	rddreg [dreg:$0x0];
	s2 =	stileid.u32  }
0x1fa: {  	s1 =	rddreg [dreg:$0x1];
	p0 =	sne.s32 s2, $0x0  }
0x1fb: {  	s3 =	rddreg [dreg:$0x2];
	[bflag:$0x3] =	sbarrier.arrive $0xFFFF;
	s2 =	simm.s32 @!p0 $0x1C09  }
0x1fc: {  	[timem:s3], [sflag:s2] =	dma.local @!p0 [hbm:s0], s1  }
0x1fd: {  	s0 =	simm.s32 @!p0 $0x9  }
0x1fe: {  	_ =	swait.ge @!p0 [sflag:s0], s1  }
0x1ff: {  	s1 =	ssub.s32 @!p0 $0x0, s1;
	[sflag:s0] =	ssyncset.done @!p0 $0x0  }
0x200: {  	[sflag:s0] =	ssyncadd.s32 @!p0 s1  }
0x201: {  	[bflag:$0x3] =	sbarrier.arrive $0xFFFF  }
0x202: {  	_ =	shalt  }

</sc_bundles>
